<compile_context>
chip_gen: v7x
topology: tpu7x:2x2x1
jax: 0.10.2.dev20260603
libtpu: 0.0.44.dev20260713+nightly
codegen_flags: <defaults>
</compile_context>

<pallas_src>
import jax
import jax.numpy as jnp
from jax import lax
from jax.experimental import pallas as pl
from jax.experimental.pallas import tpu as pltpu
from jax.experimental.pallas import tpu_sc as plsc

N_NODES = 10000
N_EDGES = 320000
D_IN = 128
D_OUT = 128
SLOPE = 0.2

NC = 2
NS = 16
NW = NC * NS
F_PER_TILE = D_OUT // NW
E_PER_W = N_EDGES // NW
CHUNK = 10000
CHUNK3 = 3200
N_PAD = 10240
SLICE = N_PAD // NS
MASK16 = 0xFFFF


def _split_sd(sd):
    src16 = jnp.bitwise_and(sd, MASK16)
    dst16 = lax.shift_right_logical(sd, 16)
    return src16, dst16



def _tc_body(x_ref, w_ref, att8_ref, ht_ref, a8_ref):
    xb = x_ref[...]
    ht = lax.dot_general(w_ref[...], xb, (((0,), (1,)), ((), ())),
                         preferred_element_type=jnp.float32)
    ht_ref[...] = ht
    a8_ref[...] = lax.dot_general(att8_ref[...], ht, (((1,), (0,)), ((), ())),
                                  preferred_element_type=jnp.float32)


def _k1(x, W, att8):
    bn = 1280
    grid = N_PAD // bn
    return pl.pallas_call(
        _tc_body,
        grid=(grid,),
        in_specs=[
            pl.BlockSpec((bn, D_IN), lambda i: (i, 0)),
            pl.BlockSpec((D_IN, D_OUT), lambda i: (0, 0)),
            pl.BlockSpec((8, D_IN), lambda i: (0, 0)),
        ],
        out_specs=[
            pl.BlockSpec((D_OUT, bn), lambda i: (0, i)),
            pl.BlockSpec((8, bn), lambda i: (0, i)),
        ],
        out_shape=[
            jax.ShapeDtypeStruct((D_OUT, N_PAD), jnp.float32),
            jax.ShapeDtypeStruct((8, N_PAD), jnp.float32),
        ],
    )(x, W, att8)



def _k2_body(sd_hbm, a8_hbm, w_hbm, dpart_hbm,
             asrc_v, adst_v, den_v, sd_v, wv_v, red_v, out_v, shared):
    c = lax.axis_index("c")
    s = lax.axis_index("s")
    wid = c * NS + s
    pltpu.sync_copy(a8_hbm.at[0], asrc_v)
    pltpu.sync_copy(a8_hbm.at[1], adst_v)

    @plsc.parallel_loop(0, N_PAD // 16, unroll=4)
    def zero_body(j):
        den_v[pl.ds(j * 16, 16)] = jnp.zeros((16,), jnp.float32)

    ebase = wid * E_PER_W

    def chunk_body(k, _):
        base = ebase + k * CHUNK
        pltpu.sync_copy(sd_hbm.at[pl.ds(base, CHUNK)], sd_v)

        @plsc.parallel_loop(0, CHUNK // 16, unroll=16)
        def grp_body(g):
            src16, dst16 = _split_sd(sd_v[pl.ds(g * 16, 16)])
            al = (plsc.load_gather(asrc_v, [src16])
                  + plsc.load_gather(adst_v, [dst16]))
            al = jnp.where(al >= 0.0, al, al * SLOPE)
            w16 = jnp.exp(al)
            wv_v[pl.ds(g * 16, 16)] = w16
            plsc.addupdate_scatter(den_v, [dst16], w16)
        pltpu.sync_copy(wv_v, w_hbm.at[pl.ds(base, CHUNK)])
        return 0
    lax.fori_loop(0, E_PER_W // CHUNK, chunk_body, 0)

    pltpu.sync_copy(den_v, shared.at[s])
    plsc.subcore_barrier()
    pltpu.sync_copy(shared.at[:, pl.ds(s * SLICE, SLICE)], red_v)

    @plsc.parallel_loop(0, SLICE // 16, unroll=2)
    def red_body(j):
        acc = jnp.zeros((16,), jnp.float32)
        for r in range(NS):
            acc = acc + red_v[r, pl.ds(j * 16, 16)]
        out_v[pl.ds(j * 16, 16)] = acc
    pltpu.sync_copy(out_v, dpart_hbm.at[c, pl.ds(s * SLICE, SLICE)])


def _k2(srcdst, a8):
    mesh = plsc.VectorSubcoreMesh(core_axis_name="c", subcore_axis_name="s")
    f = pl.kernel(
        _k2_body,
        out_type=[
            jax.ShapeDtypeStruct((N_EDGES,), jnp.float32),
            jax.ShapeDtypeStruct((NC, N_PAD), jnp.float32),
        ],
        mesh=mesh,
        compiler_params=pltpu.CompilerParams(needs_layout_passes=False),
        scratch_types=[
            pltpu.VMEM((N_PAD,), jnp.float32),
            pltpu.VMEM((N_PAD,), jnp.float32),
            pltpu.VMEM((N_PAD,), jnp.float32),
            pltpu.VMEM((CHUNK,), jnp.int32),
            pltpu.VMEM((CHUNK,), jnp.float32),
            pltpu.VMEM((NS, SLICE), jnp.float32),
            pltpu.VMEM((SLICE,), jnp.float32),
            pltpu.VMEM_SHARED((NS, N_PAD), jnp.float32),
        ],
    )
    return f(srcdst, a8)



def _k3_body(ht_hbm, sd_hbm, w_hbm, dpart_hbm, bias_hbm, out_hbm,
             hstage_v, hp_v, acc_v, sd_v, wv_v, den_v, den2_v, bias_v, sems):
    c = lax.axis_index("c")
    s = lax.axis_index("s")
    t = c * NS + s
    fbase = t * F_PER_TILE
    nch = N_EDGES // CHUNK3

    def start_chunk(k, slot):
        base = k * CHUNK3
        pltpu.async_copy(sd_hbm.at[pl.ds(base, CHUNK3)], sd_v.at[slot],
                         sems.at[slot])
        pltpu.async_copy(w_hbm.at[pl.ds(base, CHUNK3)], wv_v.at[slot],
                         sems.at[slot])

    def wait_chunk(slot):
        pltpu.make_async_copy(sd_hbm.at[pl.ds(0, CHUNK3)], sd_v.at[slot],
                              sems.at[slot]).wait()
        pltpu.make_async_copy(w_hbm.at[pl.ds(0, CHUNK3)], wv_v.at[slot],
                              sems.at[slot]).wait()

    start_chunk(0, 0)

    for p in range(F_PER_TILE // 2):
        pltpu.sync_copy(ht_hbm.at[pl.ds(fbase + 2 * p, 2)], hstage_v)

        @plsc.parallel_loop(0, N_PAD // 16, unroll=4)
        def pack_body(j, p=p):
            a = hstage_v[0, pl.ds(j * 16, 16)]
            b = hstage_v[1, pl.ds(j * 16, 16)]
            packed = plsc.pack(a, b, format=plsc.PackFormat.INTERLEAVED)
            hp_v[p, pl.ds(j * 16, 16)] = plsc.bitcast(packed, jnp.int32)

    @plsc.parallel_loop(0, N_PAD // 16, unroll=4)
    def zero_body(j):
        for f in range(F_PER_TILE):
            acc_v[f, pl.ds(j * 16, 16)] = jnp.zeros((16,), jnp.float32)

    def chunk_body(k, _):
        slot = lax.rem(k, 2)

        @pl.when(k + 1 < nch)
        def _():
            start_chunk(k + 1, 1 - slot)
        wait_chunk(slot)

        @plsc.parallel_loop(0, CHUNK3 // 16, unroll=8)
        def grp_body(g):
            src16, dst16 = _split_sd(sd_v[slot, pl.ds(g * 16, 16)])
            w16 = wv_v[slot, pl.ds(g * 16, 16)]
            for p in range(F_PER_TILE // 2):
                pidx = jnp.full((16,), p, jnp.int32)
                words = plsc.load_gather(hp_v, [pidx, src16])
                rows = plsc.unpack(plsc.bitcast(words, jnp.bfloat16),
                                   format=plsc.PackFormat.INTERLEAVED)
                for q in range(2):
                    fidx = jnp.full((16,), 2 * p + q, jnp.int32)
                    plsc.addupdate_scatter(acc_v, [fidx, dst16],
                                           rows[q] * w16)
        return 0
    lax.fori_loop(0, nch, chunk_body, 0)

    pltpu.sync_copy(dpart_hbm.at[0], den_v)
    pltpu.sync_copy(dpart_hbm.at[1], den2_v)
    pltpu.sync_copy(bias_hbm, bias_v)

    bfs = [plsc.load_gather(bias_v, [jnp.full((16,), 1, jnp.int32) * (fbase + f)])
           for f in range(F_PER_TILE)]

    @plsc.parallel_loop(0, N_PAD // 16, unroll=2)
    def norm_body(j):
        dsum = den_v[pl.ds(j * 16, 16)] + den2_v[pl.ds(j * 16, 16)] + 1e-16
        rden = 1.0 / dsum
        for f in range(F_PER_TILE):
            v = acc_v[f, pl.ds(j * 16, 16)] * rden + bfs[f]
            v = jnp.where(v > 0.0, v, jnp.exp(v) - 1.0)
            acc_v[f, pl.ds(j * 16, 16)] = v
    pltpu.sync_copy(acc_v, out_hbm.at[pl.ds(fbase, F_PER_TILE)])


def _k3(ht, srcdst, w_e, dparts, bias):
    mesh = plsc.VectorSubcoreMesh(core_axis_name="c", subcore_axis_name="s")
    f = pl.kernel(
        _k3_body,
        out_type=jax.ShapeDtypeStruct((D_OUT, N_PAD), jnp.float32),
        mesh=mesh,
        compiler_params=pltpu.CompilerParams(needs_layout_passes=False),
        scratch_types=[
            pltpu.VMEM((2, N_PAD), jnp.float32),
            pltpu.VMEM((F_PER_TILE // 2, N_PAD), jnp.int32),
            pltpu.VMEM((F_PER_TILE, N_PAD), jnp.float32),
            pltpu.VMEM((2, CHUNK3), jnp.int32),
            pltpu.VMEM((2, CHUNK3), jnp.float32),
            pltpu.VMEM((N_PAD,), jnp.float32),
            pltpu.VMEM((N_PAD,), jnp.float32),
            pltpu.VMEM((D_OUT,), jnp.float32),
            pltpu.SemaphoreType.DMA((2,)),
        ],
    )
    return f(ht, srcdst, w_e, dparts, bias)



def kernel(x, edge_index, W, att_src, att_dst, bias):
    att8 = jnp.concatenate(
        [att_src, att_dst, jnp.zeros((6, D_IN), jnp.float32)], axis=0)
    xp = jnp.pad(x, ((0, N_PAD - N_NODES), (0, 0)))
    srcdst = jnp.bitwise_or(edge_index[0],
                            lax.shift_left(edge_index[1], 16))
    ht, a8 = _k1(xp, W, att8)
    w_e, dparts = _k2(srcdst, a8)
    out_t = _k3(ht, srcdst, w_e, dparts, bias)
    return out_t[:, :N_NODES].T

# --- scband reference (transcript-rebuilt; emitter-appended) ---
"""Pipeline reference for scband-gat-11819749999222 (READ-ONLY COPY).

The authoritative reference and input builder live on the scoring server;
editing this copy changes nothing except your own understanding.
"""

import jax, jax.numpy as jnp
import numpy as np

N = 10000
E = 320000
IN = 128
OUT = 128
H = 1
NEG_SLOPE = 0.2


def setup_inputs(seed: int = 0) -> dict:
    key = jax.random.key(seed)
    k1, k2, k3, k4, k5 = jax.random.split(key, 5)
    x = jax.random.normal(k1, (N, IN), dtype=jnp.float32)
    edge_index = jax.random.randint(k2, (2, E), 0, N, dtype=jnp.int32)
    W = jax.random.normal(k3, (IN, H * OUT), dtype=jnp.float32) * 0.05
    att_src = jax.random.normal(k4, (H, OUT), dtype=jnp.float32) * 0.05
    att_dst = jax.random.normal(k5, (H, OUT), dtype=jnp.float32) * 0.05
    bias = jnp.zeros((H * OUT,), dtype=jnp.float32)
    return {"x": x, "edge_index": edge_index, "W": W, "att_src": att_src, "att_dst": att_dst, "bias": bias}


def reference(x, edge_index, W, att_src, att_dst, bias):
    # GATConv (PyG semantics), heads=1, concat=True, eval mode (dropout = identity)
    src = edge_index[0]
    dst = edge_index[1]
    h = (x @ W).reshape(N, H, OUT)                       # [N, H, OUT]
    a_src = jnp.sum(h * att_src[None, :, :], axis=-1)    # [N, H]
    a_dst = jnp.sum(h * att_dst[None, :, :], axis=-1)    # [N, H]
    alpha = a_src[src] + a_dst[dst]                      # [E, H]
    alpha = jax.nn.leaky_relu(alpha, NEG_SLOPE)
    # softmax over incoming edges of each dst node (numerically stable)
    m = jax.ops.segment_max(alpha, dst, num_segments=N)  # [N, H]
    m = jnp.where(jnp.isfinite(m), m, 0.0)
    e = jnp.exp(alpha - m[dst])
    denom = jax.ops.segment_sum(e, dst, num_segments=N)  # [N, H]
    coef = e / (denom[dst] + 1e-16)                      # [E, H]
    msg = h[src] * coef[:, :, None]                      # [E, H, OUT]
    out = jax.ops.segment_sum(msg, dst, num_segments=N)  # [N, H, OUT]
    out = out.reshape(N, H * OUT) + bias
    out = jax.nn.elu(out)
    # nn.Dropout(p=0.6) is identity in eval mode
    return out

if __name__ == "__main__":
    import jax
    _d = setup_inputs()
    print(jax.jit(kernel)(*tuple(_d.values())))

</pallas_src>

<mosaic_0001>
#map = affine_map<(d0, d1) -> (0, 0)>
#map1 = affine_map<(d0, d1) -> (0)>
module attributes {stable_mosaic.version = 14 : i64} {
  func.func @_k3_body(%arg0: i32, %arg1: i32, %arg2: memref<128x10240xf32, #tpu.memory_space<hbm>>, %arg3: memref<320000xi32, #tpu.memory_space<hbm>>, %arg4: memref<320000xf32, #tpu.memory_space<hbm>>, %arg5: memref<2x10240xf32, #tpu.memory_space<hbm>>, %arg6: memref<128xf32, #tpu.memory_space<hbm>>, %arg7: memref<128x10240xf32, #tpu.memory_space<hbm>>, %arg8: memref<2x10240xf32, #tpu.memory_space<vmem>>, %arg9: memref<2x10240xi32, #tpu.memory_space<vmem>>, %arg10: memref<4x10240xf32, #tpu.memory_space<vmem>>, %arg11: memref<2x3200xi32, #tpu.memory_space<vmem>>, %arg12: memref<2x3200xf32, #tpu.memory_space<vmem>>, %arg13: memref<10240xf32, #tpu.memory_space<vmem>>, %arg14: memref<10240xf32, #tpu.memory_space<vmem>>, %arg15: memref<128xf32, #tpu.memory_space<vmem>>, %arg16: memref<2x!tpu.dma_semaphore, #tpu.memory_space<semaphore_mem>>) attributes {dimension_semantics = [#tpu.dimension_semantics<core_parallel>, #tpu.dimension_semantics<subcore_parallel>], iteration_bounds = array<i64: 2, 16>, scalar_prefetch = 0 : i64, scratch_operands = 9 : i64, tpu.core_type = #tpu.core_type<sc_vector_subcore>, window_params = [{transform_indices = #map}, {transform_indices = #map1}, {transform_indices = #map1}, {transform_indices = #map}, {transform_indices = #map1}, {transform_indices = #map}]} {
    %mul3A = arith.constant 16 : i32
    %mul3A_0 = arith.muli %arg0, %mul3A : i32
    %add3A = arith.addi %mul3A_0, %arg1 : i32
    %mul3A_1 = arith.constant 4 : i32
    %mul3A_2 = arith.muli %add3A, %mul3A_1 : i32
    %dma_start3A = arith.constant 0 : i32
    %dma_start3A_3 = arith.constant 0 : i32
    %dma_start3A_4 = arith.constant 0 : i32
    %dma_start3A_5 = tpu.memref_slice %arg11[%dma_start3A, %dma_start3A_4] : memref<2x3200xi32, #tpu.memory_space<vmem>> -> memref<1x3200xi32, #tpu.memory_space<vmem>>
    %dma_start3A_6 = tpu.memref_squeeze %dma_start3A_5 : memref<1x3200xi32, #tpu.memory_space<vmem>> -> memref<3200xi32, #tpu.memory_space<vmem>>
    %dma_start3A_7 = arith.constant 0 : i32
    %dma_start3A_8 = tpu.memref_slice %arg3[%dma_start3A_7] : memref<320000xi32, #tpu.memory_space<hbm>> -> memref<3200xi32, #tpu.memory_space<hbm>>
    %dma_start3A_9 = tpu.memref_slice %arg16[%dma_start3A_3] : memref<2x!tpu.dma_semaphore, #tpu.memory_space<semaphore_mem>> -> memref<1x!tpu.dma_semaphore, #tpu.memory_space<semaphore_mem>>
    %dma_start3A_10 = tpu.memref_squeeze %dma_start3A_9 : memref<1x!tpu.dma_semaphore, #tpu.memory_space<semaphore_mem>> -> memref<!tpu.dma_semaphore, #tpu.memory_space<semaphore_mem>>
    %dma_start3A_11 = arith.constant 0 : i32
    %dma_start3A_12 = tpu.memref_slice %arg11[%dma_start3A, %dma_start3A_11] : memref<2x3200xi32, #tpu.memory_space<vmem>> -> memref<1x3200xi32, #tpu.memory_space<vmem>>
    %dma_start3A_13 = tpu.memref_squeeze %dma_start3A_12 : memref<1x3200xi32, #tpu.memory_space<vmem>> -> memref<3200xi32, #tpu.memory_space<vmem>>
    %dma_start3A_14 = arith.constant 0 : i32
    %dma_start3A_15 = tpu.memref_slice %arg3[%dma_start3A_14] : memref<320000xi32, #tpu.memory_space<hbm>> -> memref<3200xi32, #tpu.memory_space<hbm>>
    tpu.enqueue_dma source(%dma_start3A_15 : memref<3200xi32, #tpu.memory_space<hbm>>) target(%dma_start3A_13 : memref<3200xi32, #tpu.memory_space<vmem>>) target_semaphore(%dma_start3A_10 : memref<!tpu.dma_semaphore, #tpu.memory_space<semaphore_mem>>)
    %dma_start3A_16 = arith.constant 0 : i32
    %dma_start3A_17 = arith.constant 0 : i32
    %dma_start3A_18 = arith.constant 0 : i32
    %dma_start3A_19 = tpu.memref_slice %arg12[%dma_start3A_16, %dma_start3A_18] : memref<2x3200xf32, #tpu.memory_space<vmem>> -> memref<1x3200xf32, #tpu.memory_space<vmem>>
    %dma_start3A_20 = tpu.memref_squeeze %dma_start3A_19 : memref<1x3200xf32, #tpu.memory_space<vmem>> -> memref<3200xf32, #tpu.memory_space<vmem>>
    %dma_start3A_21 = arith.constant 0 : i32
    %dma_start3A_22 = tpu.memref_slice %arg4[%dma_start3A_21] : memref<320000xf32, #tpu.memory_space<hbm>> -> memref<3200xf32, #tpu.memory_space<hbm>>
    %dma_start3A_23 = tpu.memref_slice %arg16[%dma_start3A_17] : memref<2x!tpu.dma_semaphore, #tpu.memory_space<semaphore_mem>> -> memref<1x!tpu.dma_semaphore, #tpu.memory_space<semaphore_mem>>
    %dma_start3A_24 = tpu.memref_squeeze %dma_start3A_23 : memref<1x!tpu.dma_semaphore, #tpu.memory_space<semaphore_mem>> -> memref<!tpu.dma_semaphore, #tpu.memory_space<semaphore_mem>>
    %dma_start3A_25 = arith.constant 0 : i32
    %dma_start3A_26 = tpu.memref_slice %arg12[%dma_start3A_16, %dma_start3A_25] : memref<2x3200xf32, #tpu.memory_space<vmem>> -> memref<1x3200xf32, #tpu.memory_space<vmem>>
    %dma_start3A_27 = tpu.memref_squeeze %dma_start3A_26 : memref<1x3200xf32, #tpu.memory_space<vmem>> -> memref<3200xf32, #tpu.memory_space<vmem>>
    %dma_start3A_28 = arith.constant 0 : i32
    %dma_start3A_29 = tpu.memref_slice %arg4[%dma_start3A_28] : memref<320000xf32, #tpu.memory_space<hbm>> -> memref<3200xf32, #tpu.memory_space<hbm>>
    tpu.enqueue_dma source(%dma_start3A_29 : memref<3200xf32, #tpu.memory_space<hbm>>) target(%dma_start3A_27 : memref<3200xf32, #tpu.memory_space<vmem>>) target_semaphore(%dma_start3A_24 : memref<!tpu.dma_semaphore, #tpu.memory_space<semaphore_mem>>)
    %add3A_30 = arith.constant 0 : i32
    %add3A_31 = arith.addi %mul3A_2, %add3A_30 : i32
    "tpu.region"() ({
      %run_scoped3A_78 = tpu.sem_alloc : memref<!tpu.dma_semaphore, #tpu.memory_space<semaphore_mem>>
      %dma_start3A_79 = arith.constant 0 : i32
      %dma_start3A_80 = tpu.memref_slice %arg2[%add3A_31, %dma_start3A_79] : memref<128x10240xf32, #tpu.memory_space<hbm>> -> memref<2x10240xf32, #tpu.memory_space<hbm>>
      %dma_start3A_81 = arith.constant 0 : i32
      %dma_start3A_82 = tpu.memref_slice %arg2[%add3A_31, %dma_start3A_81] : memref<128x10240xf32, #tpu.memory_space<hbm>> -> memref<2x10240xf32, #tpu.memory_space<hbm>>
      tpu.enqueue_dma source(%dma_start3A_82 : memref<2x10240xf32, #tpu.memory_space<hbm>>) target(%arg8 : memref<2x10240xf32, #tpu.memory_space<vmem>>) target_semaphore(%run_scoped3A_78 : memref<!tpu.dma_semaphore, #tpu.memory_space<semaphore_mem>>)
      %dma_wait3A = arith.constant 0 : i32
      %dma_wait3A_83 = tpu.memref_slice %arg2[%add3A_31, %dma_wait3A] : memref<128x10240xf32, #tpu.memory_space<hbm>> -> memref<2x10240xf32, #tpu.memory_space<hbm>>
      %dma_wait3A_84 = arith.constant 0 : i32
      %dma_wait3A_85 = tpu.memref_slice %arg2[%add3A_31, %dma_wait3A_84] : memref<128x10240xf32, #tpu.memory_space<hbm>> -> memref<2x10240xf32, #tpu.memory_space<hbm>>
      tpu.wait_dma2 semaphore(%run_scoped3A_78 : memref<!tpu.dma_semaphore, #tpu.memory_space<semaphore_mem>>) src(%dma_wait3A_85 : memref<2x10240xf32, #tpu.memory_space<hbm>>) dst(%arg8 : memref<2x10240xf32, #tpu.memory_space<vmem>>)
      tpu.yield
    }) : () -> ()
    %parallel_loop3A = arith.constant 0 : i32
    %parallel_loop3A_32 = arith.constant 640 : i32
    %parallel_loop3A_33 = arith.constant 1 : i32
    scf.for %parallel_loop3A_78 = %parallel_loop3A to %parallel_loop3A_32 step %parallel_loop3A_33  : i32 {
      %parallel_loop3A_79 = arith.constant 16 : i32
      %parallel_loop3A_80 = arith.muli %parallel_loop3A_78, %parallel_loop3A_79 : i32
      %parallel_loop3A_81 = arith.constant 0 : i32
      %parallel_loop3A_82 = arith.index_cast %parallel_loop3A_81 : i32 to index
      %parallel_loop3A_83 = arith.index_cast %parallel_loop3A_80 : i32 to index
      %parallel_loop3A_84 = tpu.vector_load %arg8[%parallel_loop3A_82, %parallel_loop3A_83] {strides = array<i32>} : memref<2x10240xf32, #tpu.memory_space<vmem>>, vector<16xf32>,
      %parallel_loop3A_85 = arith.constant 16 : i32
      %parallel_loop3A_86 = arith.muli %parallel_loop3A_78, %parallel_loop3A_85 : i32
      %parallel_loop3A_87 = arith.constant 1 : i32
      %parallel_loop3A_88 = arith.index_cast %parallel_loop3A_87 : i32 to index
      %parallel_loop3A_89 = arith.index_cast %parallel_loop3A_86 : i32 to index
      %parallel_loop3A_90 = tpu.vector_load %arg8[%parallel_loop3A_88, %parallel_loop3A_89] {strides = array<i32>} : memref<2x10240xf32, #tpu.memory_space<vmem>>, vector<16xf32>,
      %parallel_loop3A_91 = tpu.pack_subelements %parallel_loop3A_84, %parallel_loop3A_90 {pack_format = #tpu.pack_format<interleaved>, positions = array<i32: 0, 1>} : vector<16xf32>, vector<16xf32> -> vector<32xbf16>
      %parallel_loop3A_92 = vector.bitcast %parallel_loop3A_91 : vector<32xbf16> to vector<16xi32>
      %parallel_loop3A_93 = arith.constant 16 : i32
      %parallel_loop3A_94 = arith.muli %parallel_loop3A_78, %parallel_loop3A_93 : i32
      %parallel_loop3A_95 = arith.constant 0 : i32
      %parallel_loop3A_96 = arith.index_cast %parallel_loop3A_95 : i32 to index
      %parallel_loop3A_97 = arith.index_cast %parallel_loop3A_94 : i32 to index
      %parallel_loop3A_98 = tpu.vector_load %arg9[%parallel_loop3A_96, %parallel_loop3A_97] {strides = array<i32>} : memref<2x10240xi32, #tpu.memory_space<vmem>>, vector<16xi32>,
      tpu.vector_store %arg9[%parallel_loop3A_96, %parallel_loop3A_97], %parallel_loop3A_92 {strides = array<i32>} : memref<2x10240xi32, #tpu.memory_space<vmem>>, vector<16xi32>,
    } {sc.loop_unroll_factor = 4 : i64, sc.parallel_access}
    %add3A_34 = arith.constant 2 : i32
    %add3A_35 = arith.addi %mul3A_2, %add3A_34 : i32
    "tpu.region"() ({
      %run_scoped3A_78 = tpu.sem_alloc : memref<!tpu.dma_semaphore, #tpu.memory_space<semaphore_mem>>
      %dma_start3A_79 = arith.constant 0 : i32
      %dma_start3A_80 = tpu.memref_slice %arg2[%add3A_35, %dma_start3A_79] : memref<128x10240xf32, #tpu.memory_space<hbm>> -> memref<2x10240xf32, #tpu.memory_space<hbm>>
      %dma_start3A_81 = arith.constant 0 : i32
      %dma_start3A_82 = tpu.memref_slice %arg2[%add3A_35, %dma_start3A_81] : memref<128x10240xf32, #tpu.memory_space<hbm>> -> memref<2x10240xf32, #tpu.memory_space<hbm>>
      tpu.enqueue_dma source(%dma_start3A_82 : memref<2x10240xf32, #tpu.memory_space<hbm>>) target(%arg8 : memref<2x10240xf32, #tpu.memory_space<vmem>>) target_semaphore(%run_scoped3A_78 : memref<!tpu.dma_semaphore, #tpu.memory_space<semaphore_mem>>)
      %dma_wait3A = arith.constant 0 : i32
      %dma_wait3A_83 = tpu.memref_slice %arg2[%add3A_35, %dma_wait3A] : memref<128x10240xf32, #tpu.memory_space<hbm>> -> memref<2x10240xf32, #tpu.memory_space<hbm>>
      %dma_wait3A_84 = arith.constant 0 : i32
      %dma_wait3A_85 = tpu.memref_slice %arg2[%add3A_35, %dma_wait3A_84] : memref<128x10240xf32, #tpu.memory_space<hbm>> -> memref<2x10240xf32, #tpu.memory_space<hbm>>
      tpu.wait_dma2 semaphore(%run_scoped3A_78 : memref<!tpu.dma_semaphore, #tpu.memory_space<semaphore_mem>>) src(%dma_wait3A_85 : memref<2x10240xf32, #tpu.memory_space<hbm>>) dst(%arg8 : memref<2x10240xf32, #tpu.memory_space<vmem>>)
      tpu.yield
    }) : () -> ()
    %parallel_loop3A_36 = arith.constant 0 : i32
    %parallel_loop3A_37 = arith.constant 640 : i32
    %parallel_loop3A_38 = arith.constant 1 : i32
    scf.for %parallel_loop3A_78 = %parallel_loop3A_36 to %parallel_loop3A_37 step %parallel_loop3A_38  : i32 {
      %parallel_loop3A_79 = arith.constant 16 : i32
      %parallel_loop3A_80 = arith.muli %parallel_loop3A_78, %parallel_loop3A_79 : i32
      %parallel_loop3A_81 = arith.constant 0 : i32
      %parallel_loop3A_82 = arith.index_cast %parallel_loop3A_81 : i32 to index
      %parallel_loop3A_83 = arith.index_cast %parallel_loop3A_80 : i32 to index
      %parallel_loop3A_84 = tpu.vector_load %arg8[%parallel_loop3A_82, %parallel_loop3A_83] {strides = array<i32>} : memref<2x10240xf32, #tpu.memory_space<vmem>>, vector<16xf32>,
      %parallel_loop3A_85 = arith.constant 16 : i32
      %parallel_loop3A_86 = arith.muli %parallel_loop3A_78, %parallel_loop3A_85 : i32
      %parallel_loop3A_87 = arith.constant 1 : i32
      %parallel_loop3A_88 = arith.index_cast %parallel_loop3A_87 : i32 to index
      %parallel_loop3A_89 = arith.index_cast %parallel_loop3A_86 : i32 to index
      %parallel_loop3A_90 = tpu.vector_load %arg8[%parallel_loop3A_88, %parallel_loop3A_89] {strides = array<i32>} : memref<2x10240xf32, #tpu.memory_space<vmem>>, vector<16xf32>,
      %parallel_loop3A_91 = tpu.pack_subelements %parallel_loop3A_84, %parallel_loop3A_90 {pack_format = #tpu.pack_format<interleaved>, positions = array<i32: 0, 1>} : vector<16xf32>, vector<16xf32> -> vector<32xbf16>
      %parallel_loop3A_92 = vector.bitcast %parallel_loop3A_91 : vector<32xbf16> to vector<16xi32>
      %parallel_loop3A_93 = arith.constant 16 : i32
      %parallel_loop3A_94 = arith.muli %parallel_loop3A_78, %parallel_loop3A_93 : i32
      %parallel_loop3A_95 = arith.constant 1 : i32
      %parallel_loop3A_96 = arith.index_cast %parallel_loop3A_95 : i32 to index
      %parallel_loop3A_97 = arith.index_cast %parallel_loop3A_94 : i32 to index
      %parallel_loop3A_98 = tpu.vector_load %arg9[%parallel_loop3A_96, %parallel_loop3A_97] {strides = array<i32>} : memref<2x10240xi32, #tpu.memory_space<vmem>>, vector<16xi32>,
      tpu.vector_store %arg9[%parallel_loop3A_96, %parallel_loop3A_97], %parallel_loop3A_92 {strides = array<i32>} : memref<2x10240xi32, #tpu.memory_space<vmem>>, vector<16xi32>,
    } {sc.loop_unroll_factor = 4 : i64, sc.parallel_access}
    %parallel_loop3A_39 = arith.constant 0 : i32
    %parallel_loop3A_40 = arith.constant 640 : i32
    %parallel_loop3A_41 = arith.constant 1 : i32
    scf.for %parallel_loop3A_78 = %parallel_loop3A_39 to %parallel_loop3A_40 step %parallel_loop3A_41  : i32 {
      %parallel_loop3A_79 = arith.constant 0.000000e+00 : f32
      %parallel_loop3A_80 = vector.broadcast %parallel_loop3A_79 : f32 to vector<16xf32>
      %parallel_loop3A_81 = arith.constant 16 : i32
      %parallel_loop3A_82 = arith.muli %parallel_loop3A_78, %parallel_loop3A_81 : i32
      %parallel_loop3A_83 = arith.constant 0 : i32
      %parallel_loop3A_84 = arith.index_cast %parallel_loop3A_83 : i32 to index
      %parallel_loop3A_85 = arith.index_cast %parallel_loop3A_82 : i32 to index
      %parallel_loop3A_86 = tpu.vector_load %arg10[%parallel_loop3A_84, %parallel_loop3A_85] {strides = array<i32>} : memref<4x10240xf32, #tpu.memory_space<vmem>>, vector<16xf32>,
      tpu.vector_store %arg10[%parallel_loop3A_84, %parallel_loop3A_85], %parallel_loop3A_80 {strides = array<i32>} : memref<4x10240xf32, #tpu.memory_space<vmem>>, vector<16xf32>,
      %parallel_loop3A_87 = arith.constant 0.000000e+00 : f32
      %parallel_loop3A_88 = vector.broadcast %parallel_loop3A_87 : f32 to vector<16xf32>
      %parallel_loop3A_89 = arith.constant 16 : i32
      %parallel_loop3A_90 = arith.muli %parallel_loop3A_78, %parallel_loop3A_89 : i32
      %parallel_loop3A_91 = arith.constant 1 : i32
      %parallel_loop3A_92 = arith.index_cast %parallel_loop3A_91 : i32 to index
      %parallel_loop3A_93 = arith.index_cast %parallel_loop3A_90 : i32 to index
      %parallel_loop3A_94 = tpu.vector_load %arg10[%parallel_loop3A_92, %parallel_loop3A_93] {strides = array<i32>} : memref<4x10240xf32, #tpu.memory_space<vmem>>, vector<16xf32>,
      tpu.vector_store %arg10[%parallel_loop3A_92, %parallel_loop3A_93], %parallel_loop3A_88 {strides = array<i32>} : memref<4x10240xf32, #tpu.memory_space<vmem>>, vector<16xf32>,
      %parallel_loop3A_95 = arith.constant 0.000000e+00 : f32
      %parallel_loop3A_96 = vector.broadcast %parallel_loop3A_95 : f32 to vector<16xf32>
      %parallel_loop3A_97 = arith.constant 16 : i32
      %parallel_loop3A_98 = arith.muli %parallel_loop3A_78, %parallel_loop3A_97 : i32
      %parallel_loop3A_99 = arith.constant 2 : i32
      %parallel_loop3A_100 = arith.index_cast %parallel_loop3A_99 : i32 to index
      %parallel_loop3A_101 = arith.index_cast %parallel_loop3A_98 : i32 to index
      %parallel_loop3A_102 = tpu.vector_load %arg10[%parallel_loop3A_100, %parallel_loop3A_101] {strides = array<i32>} : memref<4x10240xf32, #tpu.memory_space<vmem>>, vector<16xf32>,
      tpu.vector_store %arg10[%parallel_loop3A_100, %parallel_loop3A_101], %parallel_loop3A_96 {strides = array<i32>} : memref<4x10240xf32, #tpu.memory_space<vmem>>, vector<16xf32>,
      %parallel_loop3A_103 = arith.constant 0.000000e+00 : f32
      %parallel_loop3A_104 = vector.broadcast %parallel_loop3A_103 : f32 to vector<16xf32>
      %parallel_loop3A_105 = arith.constant 16 : i32
      %parallel_loop3A_106 = arith.muli %parallel_loop3A_78, %parallel_loop3A_105 : i32
      %parallel_loop3A_107 = arith.constant 3 : i32
      %parallel_loop3A_108 = arith.index_cast %parallel_loop3A_107 : i32 to index
      %parallel_loop3A_109 = arith.index_cast %parallel_loop3A_106 : i32 to index
      %parallel_loop3A_110 = tpu.vector_load %arg10[%parallel_loop3A_108, %parallel_loop3A_109] {strides = array<i32>} : memref<4x10240xf32, #tpu.memory_space<vmem>>, vector<16xf32>,
      tpu.vector_store %arg10[%parallel_loop3A_108, %parallel_loop3A_109], %parallel_loop3A_104 {strides = array<i32>} : memref<4x10240xf32, #tpu.memory_space<vmem>>, vector<16xf32>,
    } {sc.loop_unroll_factor = 4 : i64, sc.parallel_access}
    %scan3A = arith.constant 0 : i32
    %scan3A_42 = arith.constant 0 : i32
    %scan3A_43 = arith.constant 100 : i32
    %scan3A_44 = arith.addi %scan3A_42, %scan3A_43 : i32
    %scan3A_45 = arith.constant 1 : i32
    %scan3A_46 = scf.for %scan3A_78 = %scan3A_42 to %scan3A_44 step %scan3A_45 iter_args(%scan3A_79 = %scan3A) -> (i32)  : i32 {
      %rem3A = arith.constant 2 : i32
      %rem3A_80 = arith.remsi %scan3A_78, %rem3A : i32
      %add3A_81 = arith.constant 1 : i32
      %add3A_82 = arith.addi %scan3A_78, %add3A_81 : i32
      %lt3A = arith.constant 100 : i32
      %lt3A_83 = arith.cmpi slt, %add3A_82, %lt3A : i32
      %convert_element_type3A = arith.extui %lt3A_83 : i1 to i32
      %cond3A = arith.constant 0 : i32
      %cond3A_84 = arith.cmpi ne, %convert_element_type3A, %cond3A : i32
      scf.if %cond3A_84 {
        %add3A_112 = arith.constant 1 : i32
        %add3A_113 = arith.addi %scan3A_78, %add3A_112 : i32
        %sub3A = arith.constant 1 : i32
        %sub3A_114 = arith.subi %sub3A, %rem3A_80 : i32
        %mul3A_115 = arith.constant 3200 : i32
        %mul3A_116 = arith.muli %add3A_113, %mul3A_115 : i32
        %dma_start3A_117 = arith.constant 0 : i32
        %dma_start3A_118 = tpu.memref_slice %arg11[%sub3A_114, %dma_start3A_117] : memref<2x3200xi32, #tpu.memory_space<vmem>> -> memref<1x3200xi32, #tpu.memory_space<vmem>>
        %dma_start3A_119 = tpu.memref_squeeze %dma_start3A_118 : memref<1x3200xi32, #tpu.memory_space<vmem>> -> memref<3200xi32, #tpu.memory_space<vmem>>
        %dma_start3A_120 = tpu.memref_slice %arg3[%mul3A_116] : memref<320000xi32, #tpu.memory_space<hbm>> -> memref<3200xi32, #tpu.memory_space<hbm>>
        %dma_start3A_121 = tpu.memref_slice %arg16[%sub3A_114] : memref<2x!tpu.dma_semaphore, #tpu.memory_space<semaphore_mem>> -> memref<1x!tpu.dma_semaphore, #tpu.memory_space<semaphore_mem>>
        %dma_start3A_122 = tpu.memref_squeeze %dma_start3A_121 : memref<1x!tpu.dma_semaphore, #tpu.memory_space<semaphore_mem>> -> memref<!tpu.dma_semaphore, #tpu.memory_space<semaphore_mem>>
        %dma_start3A_123 = arith.constant 0 : i32
        %dma_start3A_124 = tpu.memref_slice %arg11[%sub3A_114, %dma_start3A_123] : memref<2x3200xi32, #tpu.memory_space<vmem>> -> memref<1x3200xi32, #tpu.memory_space<vmem>>
        %dma_start3A_125 = tpu.memref_squeeze %dma_start3A_124 : memref<1x3200xi32, #tpu.memory_space<vmem>> -> memref<3200xi32, #tpu.memory_space<vmem>>
        %dma_start3A_126 = tpu.memref_slice %arg3[%mul3A_116] : memref<320000xi32, #tpu.memory_space<hbm>> -> memref<3200xi32, #tpu.memory_space<hbm>>
        tpu.enqueue_dma source(%dma_start3A_126 : memref<3200xi32, #tpu.memory_space<hbm>>) target(%dma_start3A_125 : memref<3200xi32, #tpu.memory_space<vmem>>) target_semaphore(%dma_start3A_122 : memref<!tpu.dma_semaphore, #tpu.memory_space<semaphore_mem>>)
        %dma_start3A_127 = arith.constant 0 : i32
        %dma_start3A_128 = tpu.memref_slice %arg12[%sub3A_114, %dma_start3A_127] : memref<2x3200xf32, #tpu.memory_space<vmem>> -> memref<1x3200xf32, #tpu.memory_space<vmem>>
        %dma_start3A_129 = tpu.memref_squeeze %dma_start3A_128 : memref<1x3200xf32, #tpu.memory_space<vmem>> -> memref<3200xf32, #tpu.memory_space<vmem>>
        %dma_start3A_130 = tpu.memref_slice %arg4[%mul3A_116] : memref<320000xf32, #tpu.memory_space<hbm>> -> memref<3200xf32, #tpu.memory_space<hbm>>
        %dma_start3A_131 = tpu.memref_slice %arg16[%sub3A_114] : memref<2x!tpu.dma_semaphore, #tpu.memory_space<semaphore_mem>> -> memref<1x!tpu.dma_semaphore, #tpu.memory_space<semaphore_mem>>
        %dma_start3A_132 = tpu.memref_squeeze %dma_start3A_131 : memref<1x!tpu.dma_semaphore, #tpu.memory_space<semaphore_mem>> -> memref<!tpu.dma_semaphore, #tpu.memory_space<semaphore_mem>>
        %dma_start3A_133 = arith.constant 0 : i32
        %dma_start3A_134 = tpu.memref_slice %arg12[%sub3A_114, %dma_start3A_133] : memref<2x3200xf32, #tpu.memory_space<vmem>> -> memref<1x3200xf32, #tpu.memory_space<vmem>>
        %dma_start3A_135 = tpu.memref_squeeze %dma_start3A_134 : memref<1x3200xf32, #tpu.memory_space<vmem>> -> memref<3200xf32, #tpu.memory_space<vmem>>
        %dma_start3A_136 = tpu.memref_slice %arg4[%mul3A_116] : memref<320000xf32, #tpu.memory_space<hbm>> -> memref<3200xf32, #tpu.memory_space<hbm>>
        tpu.enqueue_dma source(%dma_start3A_136 : memref<3200xf32, #tpu.memory_space<hbm>>) target(%dma_start3A_135 : memref<3200xf32, #tpu.memory_space<vmem>>) target_semaphore(%dma_start3A_132 : memref<!tpu.dma_semaphore, #tpu.memory_space<semaphore_mem>>)
      } else {
      }
      %dma_wait3A = arith.constant 0 : i32
      %dma_wait3A_85 = tpu.memref_slice %arg11[%rem3A_80, %dma_wait3A] : memref<2x3200xi32, #tpu.memory_space<vmem>> -> memref<1x3200xi32, #tpu.memory_space<vmem>>
      %dma_wait3A_86 = tpu.memref_squeeze %dma_wait3A_85 : memref<1x3200xi32, #tpu.memory_space<vmem>> -> memref<3200xi32, #tpu.memory_space<vmem>>
      %dma_wait3A_87 = arith.constant 0 : i32
      %dma_wait3A_88 = tpu.memref_slice %arg3[%dma_wait3A_87] : memref<320000xi32, #tpu.memory_space<hbm>> -> memref<3200xi32, #tpu.memory_space<hbm>>
      %dma_wait3A_89 = tpu.memref_slice %arg16[%rem3A_80] : memref<2x!tpu.dma_semaphore, #tpu.memory_space<semaphore_mem>> -> memref<1x!tpu.dma_semaphore, #tpu.memory_space<semaphore_mem>>
      %dma_wait3A_90 = tpu.memref_squeeze %dma_wait3A_89 : memref<1x!tpu.dma_semaphore, #tpu.memory_space<semaphore_mem>> -> memref<!tpu.dma_semaphore, #tpu.memory_space<semaphore_mem>>
      %dma_wait3A_91 = arith.constant 0 : i32
      %dma_wait3A_92 = tpu.memref_slice %arg11[%rem3A_80, %dma_wait3A_91] : memref<2x3200xi32, #tpu.memory_space<vmem>> -> memref<1x3200xi32, #tpu.memory_space<vmem>>
      %dma_wait3A_93 = tpu.memref_squeeze %dma_wait3A_92 : memref<1x3200xi32, #tpu.memory_space<vmem>> -> memref<3200xi32, #tpu.memory_space<vmem>>
      %dma_wait3A_94 = arith.constant 0 : i32
      %dma_wait3A_95 = tpu.memref_slice %arg3[%dma_wait3A_94] : memref<320000xi32, #tpu.memory_space<hbm>> -> memref<3200xi32, #tpu.memory_space<hbm>>
      tpu.wait_dma2 semaphore(%dma_wait3A_90 : memref<!tpu.dma_semaphore, #tpu.memory_space<semaphore_mem>>) src(%dma_wait3A_95 : memref<3200xi32, #tpu.memory_space<hbm>>) dst(%dma_wait3A_93 : memref<3200xi32, #tpu.memory_space<vmem>>)
      %dma_wait3A_96 = arith.constant 0 : i32
      %dma_wait3A_97 = tpu.memref_slice %arg12[%rem3A_80, %dma_wait3A_96] : memref<2x3200xf32, #tpu.memory_space<vmem>> -> memref<1x3200xf32, #tpu.memory_space<vmem>>
      %dma_wait3A_98 = tpu.memref_squeeze %dma_wait3A_97 : memref<1x3200xf32, #tpu.memory_space<vmem>> -> memref<3200xf32, #tpu.memory_space<vmem>>
      %dma_wait3A_99 = arith.constant 0 : i32
      %dma_wait3A_100 = tpu.memref_slice %arg4[%dma_wait3A_99] : memref<320000xf32, #tpu.memory_space<hbm>> -> memref<3200xf32, #tpu.memory_space<hbm>>
      %dma_wait3A_101 = tpu.memref_slice %arg16[%rem3A_80] : memref<2x!tpu.dma_semaphore, #tpu.memory_space<semaphore_mem>> -> memref<1x!tpu.dma_semaphore, #tpu.memory_space<semaphore_mem>>
      %dma_wait3A_102 = tpu.memref_squeeze %dma_wait3A_101 : memref<1x!tpu.dma_semaphore, #tpu.memory_space<semaphore_mem>> -> memref<!tpu.dma_semaphore, #tpu.memory_space<semaphore_mem>>
      %dma_wait3A_103 = arith.constant 0 : i32
      %dma_wait3A_104 = tpu.memref_slice %arg12[%rem3A_80, %dma_wait3A_103] : memref<2x3200xf32, #tpu.memory_space<vmem>> -> memref<1x3200xf32, #tpu.memory_space<vmem>>
      %dma_wait3A_105 = tpu.memref_squeeze %dma_wait3A_104 : memref<1x3200xf32, #tpu.memory_space<vmem>> -> memref<3200xf32, #tpu.memory_space<vmem>>
      %dma_wait3A_106 = arith.constant 0 : i32
      %dma_wait3A_107 = tpu.memref_slice %arg4[%dma_wait3A_106] : memref<320000xf32, #tpu.memory_space<hbm>> -> memref<3200xf32, #tpu.memory_space<hbm>>
      tpu.wait_dma2 semaphore(%dma_wait3A_102 : memref<!tpu.dma_semaphore, #tpu.memory_space<semaphore_mem>>) src(%dma_wait3A_107 : memref<3200xf32, #tpu.memory_space<hbm>>) dst(%dma_wait3A_105 : memref<3200xf32, #tpu.memory_space<vmem>>)
      %parallel_loop3A_108 = arith.constant 0 : i32
      %parallel_loop3A_109 = arith.constant 200 : i32
      %parallel_loop3A_110 = arith.constant 1 : i32
      scf.for %parallel_loop3A_112 = %parallel_loop3A_108 to %parallel_loop3A_109 step %parallel_loop3A_110  : i32 {
        %parallel_loop3A_113 = arith.constant 16 : i32
        %parallel_loop3A_114 = arith.muli %parallel_loop3A_112, %parallel_loop3A_113 : i32
        %parallel_loop3A_115 = arith.index_cast %rem3A_80 : i32 to index
        %parallel_loop3A_116 = arith.index_cast %parallel_loop3A_114 : i32 to index
        %parallel_loop3A_117 = tpu.vector_load %arg11[%parallel_loop3A_115, %parallel_loop3A_116] {strides = array<i32>} : memref<2x3200xi32, #tpu.memory_space<vmem>>, vector<16xi32>,
        %parallel_loop3A_118 = arith.constant 65535 : i32
        %parallel_loop3A_119 = vector.broadcast %parallel_loop3A_118 : i32 to vector<16xi32>
        %parallel_loop3A_120 = arith.andi %parallel_loop3A_117, %parallel_loop3A_119 : vector<16xi32>
        %parallel_loop3A_121 = arith.constant 16 : i32
        %parallel_loop3A_122 = vector.broadcast %parallel_loop3A_121 : i32 to vector<16xi32>
        %parallel_loop3A_123 = arith.shrui %parallel_loop3A_117, %parallel_loop3A_122 : vector<16xi32>
        %parallel_loop3A_124 = arith.constant 16 : i32
        %parallel_loop3A_125 = arith.muli %parallel_loop3A_112, %parallel_loop3A_124 : i32
        %parallel_loop3A_126 = arith.index_cast %rem3A_80 : i32 to index
        %parallel_loop3A_127 = arith.index_cast %parallel_loop3A_125 : i32 to index
        %parallel_loop3A_128 = tpu.vector_load %arg12[%parallel_loop3A_126, %parallel_loop3A_127] {strides = array<i32>} : memref<2x3200xf32, #tpu.memory_space<vmem>>, vector<16xf32>,
        %parallel_loop3A_129 = arith.constant 0 : i32
        %parallel_loop3A_130 = vector.broadcast %parallel_loop3A_129 : i32 to vector<16xi32>
        %parallel_loop3A_131 = tpu.vector_load_idx %arg9[%parallel_loop3A_130, %parallel_loop3A_120] : memref<2x10240xi32, #tpu.memory_space<vmem>>[vector<16xi32>, vector<16xi32>], vector<16xi32>,
        %parallel_loop3A_132 = vector.bitcast %parallel_loop3A_131 : vector<16xi32> to vector<32xbf16>
        %parallel_loop3A_133 = tpu.unpack_subelements %parallel_loop3A_132, 0 {pack_format = #tpu.pack_format<interleaved>} : vector<32xbf16> -> vector<16xf32>
        %parallel_loop3A_134 = tpu.unpack_subelements %parallel_loop3A_132, 1 {pack_format = #tpu.pack_format<interleaved>} : vector<32xbf16> -> vector<16xf32>
        %parallel_loop3A_135 = arith.constant 0 : i32
        %parallel_loop3A_136 = vector.broadcast %parallel_loop3A_135 : i32 to vector<16xi32>
        %parallel_loop3A_137 = arith.mulf %parallel_loop3A_133, %parallel_loop3A_128 : vector<16xf32>
        tpu.vector_store_idx %arg10[%parallel_loop3A_136, %parallel_loop3A_123], %parallel_loop3A_137 {add = true} : memref<4x10240xf32, #tpu.memory_space<vmem>>[vector<16xi32>, vector<16xi32>], vector<16xf32>,
        %parallel_loop3A_138 = arith.constant 1 : i32
        %parallel_loop3A_139 = vector.broadcast %parallel_loop3A_138 : i32 to vector<16xi32>
        %parallel_loop3A_140 = arith.mulf %parallel_loop3A_134, %parallel_loop3A_128 : vector<16xf32>
        tpu.vector_store_idx %arg10[%parallel_loop3A_139, %parallel_loop3A_123], %parallel_loop3A_140 {add = true} : memref<4x10240xf32, #tpu.memory_space<vmem>>[vector<16xi32>, vector<16xi32>], vector<16xf32>,
        %parallel_loop3A_141 = arith.constant 1 : i32
        %parallel_loop3A_142 = vector.broadcast %parallel_loop3A_141 : i32 to vector<16xi32>
        %parallel_loop3A_143 = tpu.vector_load_idx %arg9[%parallel_loop3A_142, %parallel_loop3A_120] : memref<2x10240xi32, #tpu.memory_space<vmem>>[vector<16xi32>, vector<16xi32>], vector<16xi32>,
        %parallel_loop3A_144 = vector.bitcast %parallel_loop3A_143 : vector<16xi32> to vector<32xbf16>
        %parallel_loop3A_145 = tpu.unpack_subelements %parallel_loop3A_144, 0 {pack_format = #tpu.pack_format<interleaved>} : vector<32xbf16> -> vector<16xf32>
        %parallel_loop3A_146 = tpu.unpack_subelements %parallel_loop3A_144, 1 {pack_format = #tpu.pack_format<interleaved>} : vector<32xbf16> -> vector<16xf32>
        %parallel_loop3A_147 = arith.constant 2 : i32
        %parallel_loop3A_148 = vector.broadcast %parallel_loop3A_147 : i32 to vector<16xi32>
        %parallel_loop3A_149 = arith.mulf %parallel_loop3A_145, %parallel_loop3A_128 : vector<16xf32>
        tpu.vector_store_idx %arg10[%parallel_loop3A_148, %parallel_loop3A_123], %parallel_loop3A_149 {add = true} : memref<4x10240xf32, #tpu.memory_space<vmem>>[vector<16xi32>, vector<16xi32>], vector<16xf32>,
        %parallel_loop3A_150 = arith.constant 3 : i32
        %parallel_loop3A_151 = vector.broadcast %parallel_loop3A_150 : i32 to vector<16xi32>
        %parallel_loop3A_152 = arith.mulf %parallel_loop3A_146, %parallel_loop3A_128 : vector<16xf32>
        tpu.vector_store_idx %arg10[%parallel_loop3A_151, %parallel_loop3A_123], %parallel_loop3A_152 {add = true} : memref<4x10240xf32, #tpu.memory_space<vmem>>[vector<16xi32>, vector<16xi32>], vector<16xf32>,
      } {sc.loop_unroll_factor = 8 : i64, sc.parallel_access}
      %scan3A_111 = arith.constant 0 : i32
      scf.yield %scan3A_111 : i32
    }
    %scan3A_47 = arith.constant 100 : i32
    %run_scoped3A = arith.constant 0 : i32
    "tpu.region"() ({
      %run_scoped3A_78 = tpu.sem_alloc : memref<!tpu.dma_semaphore, #tpu.memory_space<semaphore_mem>>
      %dma_start3A_79 = arith.constant 0 : i32
      %dma_start3A_80 = tpu.memref_slice %arg5[%run_scoped3A, %dma_start3A_79] : memref<2x10240xf32, #tpu.memory_space<hbm>> -> memref<1x10240xf32, #tpu.memory_space<hbm>>
      %dma_start3A_81 = tpu.memref_squeeze %dma_start3A_80 : memref<1x10240xf32, #tpu.memory_space<hbm>> -> memref<10240xf32, #tpu.memory_space<hbm>>
      %dma_start3A_82 = arith.constant 0 : i32
      %dma_start3A_83 = tpu.memref_slice %arg5[%run_scoped3A, %dma_start3A_82] : memref<2x10240xf32, #tpu.memory_space<hbm>> -> memref<1x10240xf32, #tpu.memory_space<hbm>>
      %dma_start3A_84 = tpu.memref_squeeze %dma_start3A_83 : memref<1x10240xf32, #tpu.memory_space<hbm>> -> memref<10240xf32, #tpu.memory_space<hbm>>
      tpu.enqueue_dma source(%dma_start3A_84 : memref<10240xf32, #tpu.memory_space<hbm>>) target(%arg13 : memref<10240xf32, #tpu.memory_space<vmem>>) target_semaphore(%run_scoped3A_78 : memref<!tpu.dma_semaphore, #tpu.memory_space<semaphore_mem>>)
      %dma_wait3A = arith.constant 0 : i32
      %dma_wait3A_85 = tpu.memref_slice %arg5[%run_scoped3A, %dma_wait3A] : memref<2x10240xf32, #tpu.memory_space<hbm>> -> memref<1x10240xf32, #tpu.memory_space<hbm>>
      %dma_wait3A_86 = tpu.memref_squeeze %dma_wait3A_85 : memref<1x10240xf32, #tpu.memory_space<hbm>> -> memref<10240xf32, #tpu.memory_space<hbm>>
      %dma_wait3A_87 = arith.constant 0 : i32
      %dma_wait3A_88 = tpu.memref_slice %arg5[%run_scoped3A, %dma_wait3A_87] : memref<2x10240xf32, #tpu.memory_space<hbm>> -> memref<1x10240xf32, #tpu.memory_space<hbm>>
      %dma_wait3A_89 = tpu.memref_squeeze %dma_wait3A_88 : memref<1x10240xf32, #tpu.memory_space<hbm>> -> memref<10240xf32, #tpu.memory_space<hbm>>
      tpu.wait_dma2 semaphore(%run_scoped3A_78 : memref<!tpu.dma_semaphore, #tpu.memory_space<semaphore_mem>>) src(%dma_wait3A_89 : memref<10240xf32, #tpu.memory_space<hbm>>) dst(%arg13 : memref<10240xf32, #tpu.memory_space<vmem>>)
      tpu.yield
    }) : () -> ()
    %run_scoped3A_48 = arith.constant 1 : i32
    "tpu.region"() ({
      %run_scoped3A_78 = tpu.sem_alloc : memref<!tpu.dma_semaphore, #tpu.memory_space<semaphore_mem>>
      %dma_start3A_79 = arith.constant 0 : i32
      %dma_start3A_80 = tpu.memref_slice %arg5[%run_scoped3A_48, %dma_start3A_79] : memref<2x10240xf32, #tpu.memory_space<hbm>> -> memref<1x10240xf32, #tpu.memory_space<hbm>>
      %dma_start3A_81 = tpu.memref_squeeze %dma_start3A_80 : memref<1x10240xf32, #tpu.memory_space<hbm>> -> memref<10240xf32, #tpu.memory_space<hbm>>
      %dma_start3A_82 = arith.constant 0 : i32
      %dma_start3A_83 = tpu.memref_slice %arg5[%run_scoped3A_48, %dma_start3A_82] : memref<2x10240xf32, #tpu.memory_space<hbm>> -> memref<1x10240xf32, #tpu.memory_space<hbm>>
      %dma_start3A_84 = tpu.memref_squeeze %dma_start3A_83 : memref<1x10240xf32, #tpu.memory_space<hbm>> -> memref<10240xf32, #tpu.memory_space<hbm>>
      tpu.enqueue_dma source(%dma_start3A_84 : memref<10240xf32, #tpu.memory_space<hbm>>) target(%arg14 : memref<10240xf32, #tpu.memory_space<vmem>>) target_semaphore(%run_scoped3A_78 : memref<!tpu.dma_semaphore, #tpu.memory_space<semaphore_mem>>)
      %dma_wait3A = arith.constant 0 : i32
      %dma_wait3A_85 = tpu.memref_slice %arg5[%run_scoped3A_48, %dma_wait3A] : memref<2x10240xf32, #tpu.memory_space<hbm>> -> memref<1x10240xf32, #tpu.memory_space<hbm>>
      %dma_wait3A_86 = tpu.memref_squeeze %dma_wait3A_85 : memref<1x10240xf32, #tpu.memory_space<hbm>> -> memref<10240xf32, #tpu.memory_space<hbm>>
      %dma_wait3A_87 = arith.constant 0 : i32
      %dma_wait3A_88 = tpu.memref_slice %arg5[%run_scoped3A_48, %dma_wait3A_87] : memref<2x10240xf32, #tpu.memory_space<hbm>> -> memref<1x10240xf32, #tpu.memory_space<hbm>>
      %dma_wait3A_89 = tpu.memref_squeeze %dma_wait3A_88 : memref<1x10240xf32, #tpu.memory_space<hbm>> -> memref<10240xf32, #tpu.memory_space<hbm>>
      tpu.wait_dma2 semaphore(%run_scoped3A_78 : memref<!tpu.dma_semaphore, #tpu.memory_space<semaphore_mem>>) src(%dma_wait3A_89 : memref<10240xf32, #tpu.memory_space<hbm>>) dst(%arg14 : memref<10240xf32, #tpu.memory_space<vmem>>)
      tpu.yield
    }) : () -> ()
    "tpu.region"() ({
      %run_scoped3A_78 = tpu.sem_alloc : memref<!tpu.dma_semaphore, #tpu.memory_space<semaphore_mem>>
      tpu.enqueue_dma source(%arg6 : memref<128xf32, #tpu.memory_space<hbm>>) target(%arg15 : memref<128xf32, #tpu.memory_space<vmem>>) target_semaphore(%run_scoped3A_78 : memref<!tpu.dma_semaphore, #tpu.memory_space<semaphore_mem>>)
      tpu.wait_dma2 semaphore(%run_scoped3A_78 : memref<!tpu.dma_semaphore, #tpu.memory_space<semaphore_mem>>) src(%arg6 : memref<128xf32, #tpu.memory_space<hbm>>) dst(%arg15 : memref<128xf32, #tpu.memory_space<vmem>>)
      tpu.yield
    }) : () -> ()
    %broadcast_in_dim3A = arith.constant 1 : i32
    %broadcast_in_dim3A_49 = vector.broadcast %broadcast_in_dim3A : i32 to vector<16xi32>
    %add3A_50 = arith.constant 0 : i32
    %add3A_51 = arith.addi %mul3A_2, %add3A_50 : i32
    %mul3A_52 = vector.broadcast %add3A_51 : i32 to vector<16xi32>
    %mul3A_53 = arith.muli %broadcast_in_dim3A_49, %mul3A_52 : vector<16xi32>
    %gather3A = tpu.vector_load_idx %arg15[%mul3A_53] : memref<128xf32, #tpu.memory_space<vmem>>[vector<16xi32>], vector<16xf32>,
    %broadcast_in_dim3A_54 = arith.constant 1 : i32
    %broadcast_in_dim3A_55 = vector.broadcast %broadcast_in_dim3A_54 : i32 to vector<16xi32>
    %add3A_56 = arith.constant 1 : i32
    %add3A_57 = arith.addi %mul3A_2, %add3A_56 : i32
    %mul3A_58 = vector.broadcast %add3A_57 : i32 to vector<16xi32>
    %mul3A_59 = arith.muli %broadcast_in_dim3A_55, %mul3A_58 : vector<16xi32>
    %gather3A_60 = tpu.vector_load_idx %arg15[%mul3A_59] : memref<128xf32, #tpu.memory_space<vmem>>[vector<16xi32>], vector<16xf32>,
    %broadcast_in_dim3A_61 = arith.constant 1 : i32
    %broadcast_in_dim3A_62 = vector.broadcast %broadcast_in_dim3A_61 : i32 to vector<16xi32>
    %add3A_63 = arith.constant 2 : i32
    %add3A_64 = arith.addi %mul3A_2, %add3A_63 : i32
    %mul3A_65 = vector.broadcast %add3A_64 : i32 to vector<16xi32>
    %mul3A_66 = arith.muli %broadcast_in_dim3A_62, %mul3A_65 : vector<16xi32>
    %gather3A_67 = tpu.vector_load_idx %arg15[%mul3A_66] : memref<128xf32, #tpu.memory_space<vmem>>[vector<16xi32>], vector<16xf32>,
    %broadcast_in_dim3A_68 = arith.constant 1 : i32
    %broadcast_in_dim3A_69 = vector.broadcast %broadcast_in_dim3A_68 : i32 to vector<16xi32>
    %add3A_70 = arith.constant 3 : i32
    %add3A_71 = arith.addi %mul3A_2, %add3A_70 : i32
    %mul3A_72 = vector.broadcast %add3A_71 : i32 to vector<16xi32>
    %mul3A_73 = arith.muli %broadcast_in_dim3A_69, %mul3A_72 : vector<16xi32>
    %gather3A_74 = tpu.vector_load_idx %arg15[%mul3A_73] : memref<128xf32, #tpu.memory_space<vmem>>[vector<16xi32>], vector<16xf32>,
    %parallel_loop3A_75 = arith.constant 0 : i32
    %parallel_loop3A_76 = arith.constant 640 : i32
    %parallel_loop3A_77 = arith.constant 1 : i32
    scf.for %parallel_loop3A_78 = %parallel_loop3A_75 to %parallel_loop3A_76 step %parallel_loop3A_77  : i32 {
      %parallel_loop3A_79 = arith.constant 16 : i32
      %parallel_loop3A_80 = arith.muli %parallel_loop3A_78, %parallel_loop3A_79 : i32
      %parallel_loop3A_81 = arith.index_cast %parallel_loop3A_80 : i32 to index
      %parallel_loop3A_82 = tpu.vector_load %arg13[%parallel_loop3A_81] {strides = array<i32>} : memref<10240xf32, #tpu.memory_space<vmem>>, vector<16xf32>,
      %parallel_loop3A_83 = arith.constant 16 : i32
      %parallel_loop3A_84 = arith.muli %parallel_loop3A_78, %parallel_loop3A_83 : i32
      %parallel_loop3A_85 = arith.index_cast %parallel_loop3A_84 : i32 to index
      %parallel_loop3A_86 = tpu.vector_load %arg14[%parallel_loop3A_85] {strides = array<i32>} : memref<10240xf32, #tpu.memory_space<vmem>>, vector<16xf32>,
      %parallel_loop3A_87 = arith.addf %parallel_loop3A_82, %parallel_loop3A_86 : vector<16xf32>
      %parallel_loop3A_88 = arith.constant 1.000000e-16 : f32
      %parallel_loop3A_89 = vector.broadcast %parallel_loop3A_88 : f32 to vector<16xf32>
      %parallel_loop3A_90 = arith.addf %parallel_loop3A_87, %parallel_loop3A_89 : vector<16xf32>
      %parallel_loop3A_91 = arith.constant 1.000000e+00 : f32
      %parallel_loop3A_92 = vector.broadcast %parallel_loop3A_91 : f32 to vector<16xf32>
      %parallel_loop3A_93 = arith.divf %parallel_loop3A_92, %parallel_loop3A_90 : vector<16xf32>
      %parallel_loop3A_94 = arith.constant 16 : i32
      %parallel_loop3A_95 = arith.muli %parallel_loop3A_78, %parallel_loop3A_94 : i32
      %parallel_loop3A_96 = arith.constant 0 : i32
      %parallel_loop3A_97 = arith.index_cast %parallel_loop3A_96 : i32 to index
      %parallel_loop3A_98 = arith.index_cast %parallel_loop3A_95 : i32 to index
      %parallel_loop3A_99 = tpu.vector_load %arg10[%parallel_loop3A_97, %parallel_loop3A_98] {strides = array<i32>} : memref<4x10240xf32, #tpu.memory_space<vmem>>, vector<16xf32>,
      %parallel_loop3A_100 = arith.mulf %parallel_loop3A_99, %parallel_loop3A_93 : vector<16xf32>
      %parallel_loop3A_101 = arith.addf %parallel_loop3A_100, %gather3A : vector<16xf32>
      %parallel_loop3A_102 = arith.constant 0.000000e+00 : f32
      %parallel_loop3A_103 = vector.broadcast %parallel_loop3A_102 : f32 to vector<16xf32>
      %parallel_loop3A_104 = arith.cmpf ogt, %parallel_loop3A_101, %parallel_loop3A_103 : vector<16xf32>
      %parallel_loop3A_105 = math.exp %parallel_loop3A_101 : vector<16xf32>
      %parallel_loop3A_106 = arith.constant 1.000000e+00 : f32
      %parallel_loop3A_107 = vector.broadcast %parallel_loop3A_106 : f32 to vector<16xf32>
      %parallel_loop3A_108 = arith.subf %parallel_loop3A_105, %parallel_loop3A_107 : vector<16xf32>
      %parallel_loop3A_109 = arith.select %parallel_loop3A_104, %parallel_loop3A_101, %parallel_loop3A_108 : vector<16xi1>, vector<16xf32>
      %parallel_loop3A_110 = arith.constant 16 : i32
      %parallel_loop3A_111 = arith.muli %parallel_loop3A_78, %parallel_loop3A_110 : i32
      %parallel_loop3A_112 = arith.constant 0 : i32
      %parallel_loop3A_113 = arith.index_cast %parallel_loop3A_112 : i32 to index
      %parallel_loop3A_114 = arith.index_cast %parallel_loop3A_111 : i32 to index
      %parallel_loop3A_115 = tpu.vector_load %arg10[%parallel_loop3A_113, %parallel_loop3A_114] {strides = array<i32>} : memref<4x10240xf32, #tpu.memory_space<vmem>>, vector<16xf32>,
      tpu.vector_store %arg10[%parallel_loop3A_113, %parallel_loop3A_114], %parallel_loop3A_109 {strides = array<i32>} : memref<4x10240xf32, #tpu.memory_space<vmem>>, vector<16xf32>,
      %parallel_loop3A_116 = arith.constant 16 : i32
      %parallel_loop3A_117 = arith.muli %parallel_loop3A_78, %parallel_loop3A_116 : i32
      %parallel_loop3A_118 = arith.constant 1 : i32
      %parallel_loop3A_119 = arith.index_cast %parallel_loop3A_118 : i32 to index
      %parallel_loop3A_120 = arith.index_cast %parallel_loop3A_117 : i32 to index
      %parallel_loop3A_121 = tpu.vector_load %arg10[%parallel_loop3A_119, %parallel_loop3A_120] {strides = array<i32>} : memref<4x10240xf32, #tpu.memory_space<vmem>>, vector<16xf32>,
      %parallel_loop3A_122 = arith.mulf %parallel_loop3A_121, %parallel_loop3A_93 : vector<16xf32>
      %parallel_loop3A_123 = arith.addf %parallel_loop3A_122, %gather3A_60 : vector<16xf32>
      %parallel_loop3A_124 = arith.constant 0.000000e+00 : f32
      %parallel_loop3A_125 = vector.broadcast %parallel_loop3A_124 : f32 to vector<16xf32>
      %parallel_loop3A_126 = arith.cmpf ogt, %parallel_loop3A_123, %parallel_loop3A_125 : vector<16xf32>
      %parallel_loop3A_127 = math.exp %parallel_loop3A_123 : vector<16xf32>
      %parallel_loop3A_128 = arith.constant 1.000000e+00 : f32
      %parallel_loop3A_129 = vector.broadcast %parallel_loop3A_128 : f32 to vector<16xf32>
      %parallel_loop3A_130 = arith.subf %parallel_loop3A_127, %parallel_loop3A_129 : vector<16xf32>
      %parallel_loop3A_131 = arith.select %parallel_loop3A_126, %parallel_loop3A_123, %parallel_loop3A_130 : vector<16xi1>, vector<16xf32>
      %parallel_loop3A_132 = arith.constant 16 : i32
      %parallel_loop3A_133 = arith.muli %parallel_loop3A_78, %parallel_loop3A_132 : i32
      %parallel_loop3A_134 = arith.constant 1 : i32
      %parallel_loop3A_135 = arith.index_cast %parallel_loop3A_134 : i32 to index
      %parallel_loop3A_136 = arith.index_cast %parallel_loop3A_133 : i32 to index
      %parallel_loop3A_137 = tpu.vector_load %arg10[%parallel_loop3A_135, %parallel_loop3A_136] {strides = array<i32>} : memref<4x10240xf32, #tpu.memory_space<vmem>>, vector<16xf32>,
      tpu.vector_store %arg10[%parallel_loop3A_135, %parallel_loop3A_136], %parallel_loop3A_131 {strides = array<i32>} : memref<4x10240xf32, #tpu.memory_space<vmem>>, vector<16xf32>,
      %parallel_loop3A_138 = arith.constant 16 : i32
      %parallel_loop3A_139 = arith.muli %parallel_loop3A_78, %parallel_loop3A_138 : i32
      %parallel_loop3A_140 = arith.constant 2 : i32
      %parallel_loop3A_141 = arith.index_cast %parallel_loop3A_140 : i32 to index
      %parallel_loop3A_142 = arith.index_cast %parallel_loop3A_139 : i32 to index
      %parallel_loop3A_143 = tpu.vector_load %arg10[%parallel_loop3A_141, %parallel_loop3A_142] {strides = array<i32>} : memref<4x10240xf32, #tpu.memory_space<vmem>>, vector<16xf32>,
      %parallel_loop3A_144 = arith.mulf %parallel_loop3A_143, %parallel_loop3A_93 : vector<16xf32>
      %parallel_loop3A_145 = arith.addf %parallel_loop3A_144, %gather3A_67 : vector<16xf32>
      %parallel_loop3A_146 = arith.constant 0.000000e+00 : f32
      %parallel_loop3A_147 = vector.broadcast %parallel_loop3A_146 : f32 to vector<16xf32>
      %parallel_loop3A_148 = arith.cmpf ogt, %parallel_loop3A_145, %parallel_loop3A_147 : vector<16xf32>
      %parallel_loop3A_149 = math.exp %parallel_loop3A_145 : vector<16xf32>
      %parallel_loop3A_150 = arith.constant 1.000000e+00 : f32
      %parallel_loop3A_151 = vector.broadcast %parallel_loop3A_150 : f32 to vector<16xf32>
      %parallel_loop3A_152 = arith.subf %parallel_loop3A_149, %parallel_loop3A_151 : vector<16xf32>
      %parallel_loop3A_153 = arith.select %parallel_loop3A_148, %parallel_loop3A_145, %parallel_loop3A_152 : vector<16xi1>, vector<16xf32>
      %parallel_loop3A_154 = arith.constant 16 : i32
      %parallel_loop3A_155 = arith.muli %parallel_loop3A_78, %parallel_loop3A_154 : i32
      %parallel_loop3A_156 = arith.constant 2 : i32
      %parallel_loop3A_157 = arith.index_cast %parallel_loop3A_156 : i32 to index
      %parallel_loop3A_158 = arith.index_cast %parallel_loop3A_155 : i32 to index
      %parallel_loop3A_159 = tpu.vector_load %arg10[%parallel_loop3A_157, %parallel_loop3A_158] {strides = array<i32>} : memref<4x10240xf32, #tpu.memory_space<vmem>>, vector<16xf32>,
      tpu.vector_store %arg10[%parallel_loop3A_157, %parallel_loop3A_158], %parallel_loop3A_153 {strides = array<i32>} : memref<4x10240xf32, #tpu.memory_space<vmem>>, vector<16xf32>,
      %parallel_loop3A_160 = arith.constant 16 : i32
      %parallel_loop3A_161 = arith.muli %parallel_loop3A_78, %parallel_loop3A_160 : i32
      %parallel_loop3A_162 = arith.constant 3 : i32
      %parallel_loop3A_163 = arith.index_cast %parallel_loop3A_162 : i32 to index
      %parallel_loop3A_164 = arith.index_cast %parallel_loop3A_161 : i32 to index
      %parallel_loop3A_165 = tpu.vector_load %arg10[%parallel_loop3A_163, %parallel_loop3A_164] {strides = array<i32>} : memref<4x10240xf32, #tpu.memory_space<vmem>>, vector<16xf32>,
      %parallel_loop3A_166 = arith.mulf %parallel_loop3A_165, %parallel_loop3A_93 : vector<16xf32>
      %parallel_loop3A_167 = arith.addf %parallel_loop3A_166, %gather3A_74 : vector<16xf32>
      %parallel_loop3A_168 = arith.constant 0.000000e+00 : f32
      %parallel_loop3A_169 = vector.broadcast %parallel_loop3A_168 : f32 to vector<16xf32>
      %parallel_loop3A_170 = arith.cmpf ogt, %parallel_loop3A_167, %parallel_loop3A_169 : vector<16xf32>
      %parallel_loop3A_171 = math.exp %parallel_loop3A_167 : vector<16xf32>
      %parallel_loop3A_172 = arith.constant 1.000000e+00 : f32
      %parallel_loop3A_173 = vector.broadcast %parallel_loop3A_172 : f32 to vector<16xf32>
      %parallel_loop3A_174 = arith.subf %parallel_loop3A_171, %parallel_loop3A_173 : vector<16xf32>
      %parallel_loop3A_175 = arith.select %parallel_loop3A_170, %parallel_loop3A_167, %parallel_loop3A_174 : vector<16xi1>, vector<16xf32>
      %parallel_loop3A_176 = arith.constant 16 : i32
      %parallel_loop3A_177 = arith.muli %parallel_loop3A_78, %parallel_loop3A_176 : i32
      %parallel_loop3A_178 = arith.constant 3 : i32
      %parallel_loop3A_179 = arith.index_cast %parallel_loop3A_178 : i32 to index
      %parallel_loop3A_180 = arith.index_cast %parallel_loop3A_177 : i32 to index
      %parallel_loop3A_181 = tpu.vector_load %arg10[%parallel_loop3A_179, %parallel_loop3A_180] {strides = array<i32>} : memref<4x10240xf32, #tpu.memory_space<vmem>>, vector<16xf32>,
      tpu.vector_store %arg10[%parallel_loop3A_179, %parallel_loop3A_180], %parallel_loop3A_175 {strides = array<i32>} : memref<4x10240xf32, #tpu.memory_space<vmem>>, vector<16xf32>,
    } {sc.loop_unroll_factor = 2 : i64, sc.parallel_access}
    "tpu.region"() ({
      %run_scoped3A_78 = tpu.sem_alloc : memref<!tpu.dma_semaphore, #tpu.memory_space<semaphore_mem>>
      %dma_start3A_79 = arith.constant 0 : i32
      %dma_start3A_80 = tpu.memref_slice %arg7[%mul3A_2, %dma_start3A_79] : memref<128x10240xf32, #tpu.memory_space<hbm>> -> memref<4x10240xf32, #tpu.memory_space<hbm>>
      %dma_start3A_81 = arith.constant 0 : i32
      %dma_start3A_82 = tpu.memref_slice %arg7[%mul3A_2, %dma_start3A_81] : memref<128x10240xf32, #tpu.memory_space<hbm>> -> memref<4x10240xf32, #tpu.memory_space<hbm>>
      tpu.enqueue_dma source(%arg10 : memref<4x10240xf32, #tpu.memory_space<vmem>>) target(%dma_start3A_82 : memref<4x10240xf32, #tpu.memory_space<hbm>>) target_semaphore(%run_scoped3A_78 : memref<!tpu.dma_semaphore, #tpu.memory_space<semaphore_mem>>)
      %dma_wait3A = arith.constant 0 : i32
      %dma_wait3A_83 = tpu.memref_slice %arg7[%mul3A_2, %dma_wait3A] : memref<128x10240xf32, #tpu.memory_space<hbm>> -> memref<4x10240xf32, #tpu.memory_space<hbm>>
      %dma_wait3A_84 = arith.constant 0 : i32
      %dma_wait3A_85 = tpu.memref_slice %arg7[%mul3A_2, %dma_wait3A_84] : memref<128x10240xf32, #tpu.memory_space<hbm>> -> memref<4x10240xf32, #tpu.memory_space<hbm>>
      tpu.wait_dma2 semaphore(%run_scoped3A_78 : memref<!tpu.dma_semaphore, #tpu.memory_space<semaphore_mem>>) src(%arg10 : memref<4x10240xf32, #tpu.memory_space<vmem>>) dst(%dma_wait3A_85 : memref<4x10240xf32, #tpu.memory_space<hbm>>)
      tpu.yield
    }) : () -> ()
    return
  }
}

#map = affine_map<(d0, d1) -> (0)>
#map1 = affine_map<(d0, d1) -> (0, 0)>
module attributes {stable_mosaic.version = 14 : i64} {
  func.func @_k2_body(%arg0: i32, %arg1: i32, %arg2: memref<320000xi32, #tpu.memory_space<hbm>>, %arg3: memref<8x10240xf32, #tpu.memory_space<hbm>>, %arg4: memref<320000xf32, #tpu.memory_space<hbm>>, %arg5: memref<2x10240xf32, #tpu.memory_space<hbm>>, %arg6: memref<10240xf32, #tpu.memory_space<vmem>>, %arg7: memref<10240xf32, #tpu.memory_space<vmem>>, %arg8: memref<10240xf32, #tpu.memory_space<vmem>>, %arg9: memref<10000xi32, #tpu.memory_space<vmem>>, %arg10: memref<10000xf32, #tpu.memory_space<vmem>>, %arg11: memref<16x640xf32, #tpu.memory_space<vmem>>, %arg12: memref<640xf32, #tpu.memory_space<vmem>>, %arg13: memref<16x10240xf32, #tpu.memory_space<vmem_shared>>) attributes {dimension_semantics = [#tpu.dimension_semantics<core_parallel>, #tpu.dimension_semantics<subcore_parallel>], iteration_bounds = array<i64: 2, 16>, scalar_prefetch = 0 : i64, scratch_operands = 8 : i64, tpu.core_type = #tpu.core_type<sc_vector_subcore>, window_params = [{transform_indices = #map}, {transform_indices = #map1}, {transform_indices = #map}, {transform_indices = #map1}]} {
    %mul3A = arith.constant 16 : i32
    %mul3A_0 = arith.muli %arg0, %mul3A : i32
    %add3A = arith.addi %mul3A_0, %arg1 : i32
    %run_scoped3A = arith.constant 0 : i32
    "tpu.region"() ({
      %run_scoped3A_22 = tpu.sem_alloc : memref<!tpu.dma_semaphore, #tpu.memory_space<semaphore_mem>>
      %dma_start3A = arith.constant 0 : i32
      %dma_start3A_23 = tpu.memref_slice %arg3[%run_scoped3A, %dma_start3A] : memref<8x10240xf32, #tpu.memory_space<hbm>> -> memref<1x10240xf32, #tpu.memory_space<hbm>>
      %dma_start3A_24 = tpu.memref_squeeze %dma_start3A_23 : memref<1x10240xf32, #tpu.memory_space<hbm>> -> memref<10240xf32, #tpu.memory_space<hbm>>
      %dma_start3A_25 = arith.constant 0 : i32
      %dma_start3A_26 = tpu.memref_slice %arg3[%run_scoped3A, %dma_start3A_25] : memref<8x10240xf32, #tpu.memory_space<hbm>> -> memref<1x10240xf32, #tpu.memory_space<hbm>>
      %dma_start3A_27 = tpu.memref_squeeze %dma_start3A_26 : memref<1x10240xf32, #tpu.memory_space<hbm>> -> memref<10240xf32, #tpu.memory_space<hbm>>
      tpu.enqueue_dma source(%dma_start3A_27 : memref<10240xf32, #tpu.memory_space<hbm>>) target(%arg6 : memref<10240xf32, #tpu.memory_space<vmem>>) target_semaphore(%run_scoped3A_22 : memref<!tpu.dma_semaphore, #tpu.memory_space<semaphore_mem>>)
      %dma_wait3A = arith.constant 0 : i32
      %dma_wait3A_28 = tpu.memref_slice %arg3[%run_scoped3A, %dma_wait3A] : memref<8x10240xf32, #tpu.memory_space<hbm>> -> memref<1x10240xf32, #tpu.memory_space<hbm>>
      %dma_wait3A_29 = tpu.memref_squeeze %dma_wait3A_28 : memref<1x10240xf32, #tpu.memory_space<hbm>> -> memref<10240xf32, #tpu.memory_space<hbm>>
      %dma_wait3A_30 = arith.constant 0 : i32
      %dma_wait3A_31 = tpu.memref_slice %arg3[%run_scoped3A, %dma_wait3A_30] : memref<8x10240xf32, #tpu.memory_space<hbm>> -> memref<1x10240xf32, #tpu.memory_space<hbm>>
      %dma_wait3A_32 = tpu.memref_squeeze %dma_wait3A_31 : memref<1x10240xf32, #tpu.memory_space<hbm>> -> memref<10240xf32, #tpu.memory_space<hbm>>
      tpu.wait_dma2 semaphore(%run_scoped3A_22 : memref<!tpu.dma_semaphore, #tpu.memory_space<semaphore_mem>>) src(%dma_wait3A_32 : memref<10240xf32, #tpu.memory_space<hbm>>) dst(%arg6 : memref<10240xf32, #tpu.memory_space<vmem>>)
      tpu.yield
    }) : () -> ()
    %run_scoped3A_1 = arith.constant 1 : i32
    "tpu.region"() ({
      %run_scoped3A_22 = tpu.sem_alloc : memref<!tpu.dma_semaphore, #tpu.memory_space<semaphore_mem>>
      %dma_start3A = arith.constant 0 : i32
      %dma_start3A_23 = tpu.memref_slice %arg3[%run_scoped3A_1, %dma_start3A] : memref<8x10240xf32, #tpu.memory_space<hbm>> -> memref<1x10240xf32, #tpu.memory_space<hbm>>
      %dma_start3A_24 = tpu.memref_squeeze %dma_start3A_23 : memref<1x10240xf32, #tpu.memory_space<hbm>> -> memref<10240xf32, #tpu.memory_space<hbm>>
      %dma_start3A_25 = arith.constant 0 : i32
      %dma_start3A_26 = tpu.memref_slice %arg3[%run_scoped3A_1, %dma_start3A_25] : memref<8x10240xf32, #tpu.memory_space<hbm>> -> memref<1x10240xf32, #tpu.memory_space<hbm>>
      %dma_start3A_27 = tpu.memref_squeeze %dma_start3A_26 : memref<1x10240xf32, #tpu.memory_space<hbm>> -> memref<10240xf32, #tpu.memory_space<hbm>>
      tpu.enqueue_dma source(%dma_start3A_27 : memref<10240xf32, #tpu.memory_space<hbm>>) target(%arg7 : memref<10240xf32, #tpu.memory_space<vmem>>) target_semaphore(%run_scoped3A_22 : memref<!tpu.dma_semaphore, #tpu.memory_space<semaphore_mem>>)
      %dma_wait3A = arith.constant 0 : i32
      %dma_wait3A_28 = tpu.memref_slice %arg3[%run_scoped3A_1, %dma_wait3A] : memref<8x10240xf32, #tpu.memory_space<hbm>> -> memref<1x10240xf32, #tpu.memory_space<hbm>>
      %dma_wait3A_29 = tpu.memref_squeeze %dma_wait3A_28 : memref<1x10240xf32, #tpu.memory_space<hbm>> -> memref<10240xf32, #tpu.memory_space<hbm>>
      %dma_wait3A_30 = arith.constant 0 : i32
      %dma_wait3A_31 = tpu.memref_slice %arg3[%run_scoped3A_1, %dma_wait3A_30] : memref<8x10240xf32, #tpu.memory_space<hbm>> -> memref<1x10240xf32, #tpu.memory_space<hbm>>
      %dma_wait3A_32 = tpu.memref_squeeze %dma_wait3A_31 : memref<1x10240xf32, #tpu.memory_space<hbm>> -> memref<10240xf32, #tpu.memory_space<hbm>>
      tpu.wait_dma2 semaphore(%run_scoped3A_22 : memref<!tpu.dma_semaphore, #tpu.memory_space<semaphore_mem>>) src(%dma_wait3A_32 : memref<10240xf32, #tpu.memory_space<hbm>>) dst(%arg7 : memref<10240xf32, #tpu.memory_space<vmem>>)
      tpu.yield
    }) : () -> ()
    %parallel_loop3A = arith.constant 0 : i32
    %parallel_loop3A_2 = arith.constant 640 : i32
    %parallel_loop3A_3 = arith.constant 1 : i32
    scf.for %parallel_loop3A_22 = %parallel_loop3A to %parallel_loop3A_2 step %parallel_loop3A_3  : i32 {
      %parallel_loop3A_23 = arith.constant 0.000000e+00 : f32
      %parallel_loop3A_24 = vector.broadcast %parallel_loop3A_23 : f32 to vector<16xf32>
      %parallel_loop3A_25 = arith.constant 16 : i32
      %parallel_loop3A_26 = arith.muli %parallel_loop3A_22, %parallel_loop3A_25 : i32
      %parallel_loop3A_27 = arith.index_cast %parallel_loop3A_26 : i32 to index
      %parallel_loop3A_28 = tpu.vector_load %arg8[%parallel_loop3A_27] {strides = array<i32>} : memref<10240xf32, #tpu.memory_space<vmem>>, vector<16xf32>,
      tpu.vector_store %arg8[%parallel_loop3A_27], %parallel_loop3A_24 {strides = array<i32>} : memref<10240xf32, #tpu.memory_space<vmem>>, vector<16xf32>,
    } {sc.loop_unroll_factor = 4 : i64, sc.parallel_access}
    %mul3A_4 = arith.constant 10000 : i32
    %mul3A_5 = arith.muli %add3A, %mul3A_4 : i32
    %scan3A = arith.constant 0 : i32
    %scan3A_6 = arith.constant 0 : i32
    %mul3A_7 = arith.constant 10000 : i32
    %mul3A_8 = arith.muli %scan3A_6, %mul3A_7 : i32
    %add3A_9 = arith.addi %mul3A_5, %mul3A_8 : i32
    "tpu.region"() ({
      %run_scoped3A_22 = tpu.sem_alloc : memref<!tpu.dma_semaphore, #tpu.memory_space<semaphore_mem>>
      %dma_start3A = tpu.memref_slice %arg2[%add3A_9] : memref<320000xi32, #tpu.memory_space<hbm>> -> memref<10000xi32, #tpu.memory_space<hbm>>
      %dma_start3A_23 = tpu.memref_slice %arg2[%add3A_9] : memref<320000xi32, #tpu.memory_space<hbm>> -> memref<10000xi32, #tpu.memory_space<hbm>>
      tpu.enqueue_dma source(%dma_start3A_23 : memref<10000xi32, #tpu.memory_space<hbm>>) target(%arg9 : memref<10000xi32, #tpu.memory_space<vmem>>) target_semaphore(%run_scoped3A_22 : memref<!tpu.dma_semaphore, #tpu.memory_space<semaphore_mem>>)
      %dma_wait3A = tpu.memref_slice %arg2[%add3A_9] : memref<320000xi32, #tpu.memory_space<hbm>> -> memref<10000xi32, #tpu.memory_space<hbm>>
      %dma_wait3A_24 = tpu.memref_slice %arg2[%add3A_9] : memref<320000xi32, #tpu.memory_space<hbm>> -> memref<10000xi32, #tpu.memory_space<hbm>>
      tpu.wait_dma2 semaphore(%run_scoped3A_22 : memref<!tpu.dma_semaphore, #tpu.memory_space<semaphore_mem>>) src(%dma_wait3A_24 : memref<10000xi32, #tpu.memory_space<hbm>>) dst(%arg9 : memref<10000xi32, #tpu.memory_space<vmem>>)
      tpu.yield
    }) : () -> ()
    %parallel_loop3A_10 = arith.constant 0 : i32
    %parallel_loop3A_11 = arith.constant 625 : i32
    %parallel_loop3A_12 = arith.constant 1 : i32
    scf.for %parallel_loop3A_22 = %parallel_loop3A_10 to %parallel_loop3A_11 step %parallel_loop3A_12  : i32 {
      %parallel_loop3A_23 = arith.constant 16 : i32
      %parallel_loop3A_24 = arith.muli %parallel_loop3A_22, %parallel_loop3A_23 : i32
      %parallel_loop3A_25 = arith.index_cast %parallel_loop3A_24 : i32 to index
      %parallel_loop3A_26 = tpu.vector_load %arg9[%parallel_loop3A_25] {strides = array<i32>} : memref<10000xi32, #tpu.memory_space<vmem>>, vector<16xi32>,
      %parallel_loop3A_27 = arith.constant 65535 : i32
      %parallel_loop3A_28 = vector.broadcast %parallel_loop3A_27 : i32 to vector<16xi32>
      %parallel_loop3A_29 = arith.andi %parallel_loop3A_26, %parallel_loop3A_28 : vector<16xi32>
      %parallel_loop3A_30 = arith.constant 16 : i32
      %parallel_loop3A_31 = vector.broadcast %parallel_loop3A_30 : i32 to vector<16xi32>
      %parallel_loop3A_32 = arith.shrui %parallel_loop3A_26, %parallel_loop3A_31 : vector<16xi32>
      %parallel_loop3A_33 = tpu.vector_load_idx %arg6[%parallel_loop3A_29] : memref<10240xf32, #tpu.memory_space<vmem>>[vector<16xi32>], vector<16xf32>,
      %parallel_loop3A_34 = tpu.vector_load_idx %arg7[%parallel_loop3A_32] : memref<10240xf32, #tpu.memory_space<vmem>>[vector<16xi32>], vector<16xf32>,
      %parallel_loop3A_35 = arith.addf %parallel_loop3A_33, %parallel_loop3A_34 : vector<16xf32>
      %parallel_loop3A_36 = arith.constant 0.000000e+00 : f32
      %parallel_loop3A_37 = vector.broadcast %parallel_loop3A_36 : f32 to vector<16xf32>
      %parallel_loop3A_38 = arith.cmpf oge, %parallel_loop3A_35, %parallel_loop3A_37 : vector<16xf32>
      %parallel_loop3A_39 = arith.constant 2.000000e-01 : f32
      %parallel_loop3A_40 = vector.broadcast %parallel_loop3A_39 : f32 to vector<16xf32>
      %parallel_loop3A_41 = arith.mulf %parallel_loop3A_35, %parallel_loop3A_40 : vector<16xf32>
      %parallel_loop3A_42 = arith.select %parallel_loop3A_38, %parallel_loop3A_35, %parallel_loop3A_41 : vector<16xi1>, vector<16xf32>
      %parallel_loop3A_43 = math.exp %parallel_loop3A_42 : vector<16xf32>
      %parallel_loop3A_44 = arith.constant 16 : i32
      %parallel_loop3A_45 = arith.muli %parallel_loop3A_22, %parallel_loop3A_44 : i32
      %parallel_loop3A_46 = arith.index_cast %parallel_loop3A_45 : i32 to index
      %parallel_loop3A_47 = tpu.vector_load %arg10[%parallel_loop3A_46] {strides = array<i32>} : memref<10000xf32, #tpu.memory_space<vmem>>, vector<16xf32>,
      tpu.vector_store %arg10[%parallel_loop3A_46], %parallel_loop3A_43 {strides = array<i32>} : memref<10000xf32, #tpu.memory_space<vmem>>, vector<16xf32>,
      tpu.vector_store_idx %arg8[%parallel_loop3A_32], %parallel_loop3A_43 {add = true} : memref<10240xf32, #tpu.memory_space<vmem>>[vector<16xi32>], vector<16xf32>,
    } {sc.loop_unroll_factor = 16 : i64, sc.parallel_access}
    "tpu.region"() ({
      %run_scoped3A_22 = tpu.sem_alloc : memref<!tpu.dma_semaphore, #tpu.memory_space<semaphore_mem>>
      %dma_start3A = tpu.memref_slice %arg4[%add3A_9] : memref<320000xf32, #tpu.memory_space<hbm>> -> memref<10000xf32, #tpu.memory_space<hbm>>
      %dma_start3A_23 = tpu.memref_slice %arg4[%add3A_9] : memref<320000xf32, #tpu.memory_space<hbm>> -> memref<10000xf32, #tpu.memory_space<hbm>>
      tpu.enqueue_dma source(%arg10 : memref<10000xf32, #tpu.memory_space<vmem>>) target(%dma_start3A_23 : memref<10000xf32, #tpu.memory_space<hbm>>) target_semaphore(%run_scoped3A_22 : memref<!tpu.dma_semaphore, #tpu.memory_space<semaphore_mem>>)
      %dma_wait3A = tpu.memref_slice %arg4[%add3A_9] : memref<320000xf32, #tpu.memory_space<hbm>> -> memref<10000xf32, #tpu.memory_space<hbm>>
      %dma_wait3A_24 = tpu.memref_slice %arg4[%add3A_9] : memref<320000xf32, #tpu.memory_space<hbm>> -> memref<10000xf32, #tpu.memory_space<hbm>>
      tpu.wait_dma2 semaphore(%run_scoped3A_22 : memref<!tpu.dma_semaphore, #tpu.memory_space<semaphore_mem>>) src(%arg10 : memref<10000xf32, #tpu.memory_space<vmem>>) dst(%dma_wait3A_24 : memref<10000xf32, #tpu.memory_space<hbm>>)
      tpu.yield
    }) : () -> ()
    %scan3A_13 = arith.constant 0 : i32
    %scan3A_14 = arith.constant 1 : i32
    "tpu.region"() ({
      %run_scoped3A_22 = tpu.sem_alloc : memref<!tpu.dma_semaphore, #tpu.memory_space<semaphore_mem>>
      %dma_start3A = arith.constant 0 : i32
      %dma_start3A_23 = tpu.memref_slice %arg13[%arg1, %dma_start3A] : memref<16x10240xf32, #tpu.memory_space<vmem_shared>> -> memref<1x10240xf32, #tpu.memory_space<vmem_shared>>
      %dma_start3A_24 = tpu.memref_squeeze %dma_start3A_23 : memref<1x10240xf32, #tpu.memory_space<vmem_shared>> -> memref<10240xf32, #tpu.memory_space<vmem_shared>>
      %dma_start3A_25 = arith.constant 0 : i32
      %dma_start3A_26 = tpu.memref_slice %arg13[%arg1, %dma_start3A_25] : memref<16x10240xf32, #tpu.memory_space<vmem_shared>> -> memref<1x10240xf32, #tpu.memory_space<vmem_shared>>
      %dma_start3A_27 = tpu.memref_squeeze %dma_start3A_26 : memref<1x10240xf32, #tpu.memory_space<vmem_shared>> -> memref<10240xf32, #tpu.memory_space<vmem_shared>>
      tpu.enqueue_dma source(%arg8 : memref<10240xf32, #tpu.memory_space<vmem>>) target(%dma_start3A_27 : memref<10240xf32, #tpu.memory_space<vmem_shared>>) target_semaphore(%run_scoped3A_22 : memref<!tpu.dma_semaphore, #tpu.memory_space<semaphore_mem>>)
      %dma_wait3A = arith.constant 0 : i32
      %dma_wait3A_28 = tpu.memref_slice %arg13[%arg1, %dma_wait3A] : memref<16x10240xf32, #tpu.memory_space<vmem_shared>> -> memref<1x10240xf32, #tpu.memory_space<vmem_shared>>
      %dma_wait3A_29 = tpu.memref_squeeze %dma_wait3A_28 : memref<1x10240xf32, #tpu.memory_space<vmem_shared>> -> memref<10240xf32, #tpu.memory_space<vmem_shared>>
      %dma_wait3A_30 = arith.constant 0 : i32
      %dma_wait3A_31 = tpu.memref_slice %arg13[%arg1, %dma_wait3A_30] : memref<16x10240xf32, #tpu.memory_space<vmem_shared>> -> memref<1x10240xf32, #tpu.memory_space<vmem_shared>>
      %dma_wait3A_32 = tpu.memref_squeeze %dma_wait3A_31 : memref<1x10240xf32, #tpu.memory_space<vmem_shared>> -> memref<10240xf32, #tpu.memory_space<vmem_shared>>
      tpu.wait_dma2 semaphore(%run_scoped3A_22 : memref<!tpu.dma_semaphore, #tpu.memory_space<semaphore_mem>>) src(%arg8 : memref<10240xf32, #tpu.memory_space<vmem>>) dst(%dma_wait3A_32 : memref<10240xf32, #tpu.memory_space<vmem_shared>>)
      tpu.yield
    }) : () -> ()
    %barrier3A = arith.constant 0 : index
    tpu.barrier barrier_id(%barrier3A)
    %mul3A_15 = arith.constant 640 : i32
    %mul3A_16 = arith.muli %arg1, %mul3A_15 : i32
    "tpu.region"() ({
      %run_scoped3A_22 = tpu.sem_alloc : memref<!tpu.dma_semaphore, #tpu.memory_space<semaphore_mem>>
      %dma_start3A = arith.constant 0 : i32
      %dma_start3A_23 = tpu.memref_slice %arg13[%dma_start3A, %mul3A_16] : memref<16x10240xf32, #tpu.memory_space<vmem_shared>> -> memref<16x640xf32, #tpu.memory_space<vmem_shared>>
      %dma_start3A_24 = arith.constant 0 : i32
      %dma_start3A_25 = tpu.memref_slice %arg13[%dma_start3A_24, %mul3A_16] : memref<16x10240xf32, #tpu.memory_space<vmem_shared>> -> memref<16x640xf32, #tpu.memory_space<vmem_shared>>
      tpu.enqueue_dma source(%dma_start3A_25 : memref<16x640xf32, #tpu.memory_space<vmem_shared>>) target(%arg11 : memref<16x640xf32, #tpu.memory_space<vmem>>) target_semaphore(%run_scoped3A_22 : memref<!tpu.dma_semaphore, #tpu.memory_space<semaphore_mem>>)
      %dma_wait3A = arith.constant 0 : i32
      %dma_wait3A_26 = tpu.memref_slice %arg13[%dma_wait3A, %mul3A_16] : memref<16x10240xf32, #tpu.memory_space<vmem_shared>> -> memref<16x640xf32, #tpu.memory_space<vmem_shared>>
      %dma_wait3A_27 = arith.constant 0 : i32
      %dma_wait3A_28 = tpu.memref_slice %arg13[%dma_wait3A_27, %mul3A_16] : memref<16x10240xf32, #tpu.memory_space<vmem_shared>> -> memref<16x640xf32, #tpu.memory_space<vmem_shared>>
      tpu.wait_dma2 semaphore(%run_scoped3A_22 : memref<!tpu.dma_semaphore, #tpu.memory_space<semaphore_mem>>) src(%dma_wait3A_28 : memref<16x640xf32, #tpu.memory_space<vmem_shared>>) dst(%arg11 : memref<16x640xf32, #tpu.memory_space<vmem>>)
      tpu.yield
    }) : () -> ()
    %parallel_loop3A_17 = arith.constant 0 : i32
    %parallel_loop3A_18 = arith.constant 40 : i32
    %parallel_loop3A_19 = arith.constant 1 : i32
    scf.for %parallel_loop3A_22 = %parallel_loop3A_17 to %parallel_loop3A_18 step %parallel_loop3A_19  : i32 {
      %parallel_loop3A_23 = arith.constant 0.000000e+00 : f32
      %parallel_loop3A_24 = vector.broadcast %parallel_loop3A_23 : f32 to vector<16xf32>
      %parallel_loop3A_25 = arith.constant 16 : i32
      %parallel_loop3A_26 = arith.muli %parallel_loop3A_22, %parallel_loop3A_25 : i32
      %parallel_loop3A_27 = arith.constant 0 : i32
      %parallel_loop3A_28 = arith.index_cast %parallel_loop3A_27 : i32 to index
      %parallel_loop3A_29 = arith.index_cast %parallel_loop3A_26 : i32 to index
      %parallel_loop3A_30 = tpu.vector_load %arg11[%parallel_loop3A_28, %parallel_loop3A_29] {strides = array<i32>} : memref<16x640xf32, #tpu.memory_space<vmem>>, vector<16xf32>,
      %parallel_loop3A_31 = arith.addf %parallel_loop3A_24, %parallel_loop3A_30 : vector<16xf32>
      %parallel_loop3A_32 = arith.constant 16 : i32
      %parallel_loop3A_33 = arith.muli %parallel_loop3A_22, %parallel_loop3A_32 : i32
      %parallel_loop3A_34 = arith.constant 1 : i32
      %parallel_loop3A_35 = arith.index_cast %parallel_loop3A_34 : i32 to index
      %parallel_loop3A_36 = arith.index_cast %parallel_loop3A_33 : i32 to index
      %parallel_loop3A_37 = tpu.vector_load %arg11[%parallel_loop3A_35, %parallel_loop3A_36] {strides = array<i32>} : memref<16x640xf32, #tpu.memory_space<vmem>>, vector<16xf32>,
      %parallel_loop3A_38 = arith.addf %parallel_loop3A_31, %parallel_loop3A_37 : vector<16xf32>
      %parallel_loop3A_39 = arith.constant 16 : i32
      %parallel_loop3A_40 = arith.muli %parallel_loop3A_22, %parallel_loop3A_39 : i32
      %parallel_loop3A_41 = arith.constant 2 : i32
      %parallel_loop3A_42 = arith.index_cast %parallel_loop3A_41 : i32 to index
      %parallel_loop3A_43 = arith.index_cast %parallel_loop3A_40 : i32 to index
      %parallel_loop3A_44 = tpu.vector_load %arg11[%parallel_loop3A_42, %parallel_loop3A_43] {strides = array<i32>} : memref<16x640xf32, #tpu.memory_space<vmem>>, vector<16xf32>,
      %parallel_loop3A_45 = arith.addf %parallel_loop3A_38, %parallel_loop3A_44 : vector<16xf32>
      %parallel_loop3A_46 = arith.constant 16 : i32
      %parallel_loop3A_47 = arith.muli %parallel_loop3A_22, %parallel_loop3A_46 : i32
      %parallel_loop3A_48 = arith.constant 3 : i32
      %parallel_loop3A_49 = arith.index_cast %parallel_loop3A_48 : i32 to index
      %parallel_loop3A_50 = arith.index_cast %parallel_loop3A_47 : i32 to index
      %parallel_loop3A_51 = tpu.vector_load %arg11[%parallel_loop3A_49, %parallel_loop3A_50] {strides = array<i32>} : memref<16x640xf32, #tpu.memory_space<vmem>>, vector<16xf32>,
      %parallel_loop3A_52 = arith.addf %parallel_loop3A_45, %parallel_loop3A_51 : vector<16xf32>
      %parallel_loop3A_53 = arith.constant 16 : i32
      %parallel_loop3A_54 = arith.muli %parallel_loop3A_22, %parallel_loop3A_53 : i32
      %parallel_loop3A_55 = arith.constant 4 : i32
      %parallel_loop3A_56 = arith.index_cast %parallel_loop3A_55 : i32 to index
      %parallel_loop3A_57 = arith.index_cast %parallel_loop3A_54 : i32 to index
      %parallel_loop3A_58 = tpu.vector_load %arg11[%parallel_loop3A_56, %parallel_loop3A_57] {strides = array<i32>} : memref<16x640xf32, #tpu.memory_space<vmem>>, vector<16xf32>,
      %parallel_loop3A_59 = arith.addf %parallel_loop3A_52, %parallel_loop3A_58 : vector<16xf32>
      %parallel_loop3A_60 = arith.constant 16 : i32
      %parallel_loop3A_61 = arith.muli %parallel_loop3A_22, %parallel_loop3A_60 : i32
      %parallel_loop3A_62 = arith.constant 5 : i32
      %parallel_loop3A_63 = arith.index_cast %parallel_loop3A_62 : i32 to index
      %parallel_loop3A_64 = arith.index_cast %parallel_loop3A_61 : i32 to index
      %parallel_loop3A_65 = tpu.vector_load %arg11[%parallel_loop3A_63, %parallel_loop3A_64] {strides = array<i32>} : memref<16x640xf32, #tpu.memory_space<vmem>>, vector<16xf32>,
      %parallel_loop3A_66 = arith.addf %parallel_loop3A_59, %parallel_loop3A_65 : vector<16xf32>
      %parallel_loop3A_67 = arith.constant 16 : i32
      %parallel_loop3A_68 = arith.muli %parallel_loop3A_22, %parallel_loop3A_67 : i32
      %parallel_loop3A_69 = arith.constant 6 : i32
      %parallel_loop3A_70 = arith.index_cast %parallel_loop3A_69 : i32 to index
      %parallel_loop3A_71 = arith.index_cast %parallel_loop3A_68 : i32 to index
      %parallel_loop3A_72 = tpu.vector_load %arg11[%parallel_loop3A_70, %parallel_loop3A_71] {strides = array<i32>} : memref<16x640xf32, #tpu.memory_space<vmem>>, vector<16xf32>,
      %parallel_loop3A_73 = arith.addf %parallel_loop3A_66, %parallel_loop3A_72 : vector<16xf32>
      %parallel_loop3A_74 = arith.constant 16 : i32
      %parallel_loop3A_75 = arith.muli %parallel_loop3A_22, %parallel_loop3A_74 : i32
      %parallel_loop3A_76 = arith.constant 7 : i32
      %parallel_loop3A_77 = arith.index_cast %parallel_loop3A_76 : i32 to index
      %parallel_loop3A_78 = arith.index_cast %parallel_loop3A_75 : i32 to index
      %parallel_loop3A_79 = tpu.vector_load %arg11[%parallel_loop3A_77, %parallel_loop3A_78] {strides = array<i32>} : memref<16x640xf32, #tpu.memory_space<vmem>>, vector<16xf32>,
      %parallel_loop3A_80 = arith.addf %parallel_loop3A_73, %parallel_loop3A_79 : vector<16xf32>
      %parallel_loop3A_81 = arith.constant 16 : i32
      %parallel_loop3A_82 = arith.muli %parallel_loop3A_22, %parallel_loop3A_81 : i32
      %parallel_loop3A_83 = arith.constant 8 : i32
      %parallel_loop3A_84 = arith.index_cast %parallel_loop3A_83 : i32 to index
      %parallel_loop3A_85 = arith.index_cast %parallel_loop3A_82 : i32 to index
      %parallel_loop3A_86 = tpu.vector_load %arg11[%parallel_loop3A_84, %parallel_loop3A_85] {strides = array<i32>} : memref<16x640xf32, #tpu.memory_space<vmem>>, vector<16xf32>,
      %parallel_loop3A_87 = arith.addf %parallel_loop3A_80, %parallel_loop3A_86 : vector<16xf32>
      %parallel_loop3A_88 = arith.constant 16 : i32
      %parallel_loop3A_89 = arith.muli %parallel_loop3A_22, %parallel_loop3A_88 : i32
      %parallel_loop3A_90 = arith.constant 9 : i32
      %parallel_loop3A_91 = arith.index_cast %parallel_loop3A_90 : i32 to index
      %parallel_loop3A_92 = arith.index_cast %parallel_loop3A_89 : i32 to index
      %parallel_loop3A_93 = tpu.vector_load %arg11[%parallel_loop3A_91, %parallel_loop3A_92] {strides = array<i32>} : memref<16x640xf32, #tpu.memory_space<vmem>>, vector<16xf32>,
      %parallel_loop3A_94 = arith.addf %parallel_loop3A_87, %parallel_loop3A_93 : vector<16xf32>
      %parallel_loop3A_95 = arith.constant 16 : i32
      %parallel_loop3A_96 = arith.muli %parallel_loop3A_22, %parallel_loop3A_95 : i32
      %parallel_loop3A_97 = arith.constant 10 : i32
      %parallel_loop3A_98 = arith.index_cast %parallel_loop3A_97 : i32 to index
      %parallel_loop3A_99 = arith.index_cast %parallel_loop3A_96 : i32 to index
      %parallel_loop3A_100 = tpu.vector_load %arg11[%parallel_loop3A_98, %parallel_loop3A_99] {strides = array<i32>} : memref<16x640xf32, #tpu.memory_space<vmem>>, vector<16xf32>,
      %parallel_loop3A_101 = arith.addf %parallel_loop3A_94, %parallel_loop3A_100 : vector<16xf32>
      %parallel_loop3A_102 = arith.constant 16 : i32
      %parallel_loop3A_103 = arith.muli %parallel_loop3A_22, %parallel_loop3A_102 : i32
      %parallel_loop3A_104 = arith.constant 11 : i32
      %parallel_loop3A_105 = arith.index_cast %parallel_loop3A_104 : i32 to index
      %parallel_loop3A_106 = arith.index_cast %parallel_loop3A_103 : i32 to index
      %parallel_loop3A_107 = tpu.vector_load %arg11[%parallel_loop3A_105, %parallel_loop3A_106] {strides = array<i32>} : memref<16x640xf32, #tpu.memory_space<vmem>>, vector<16xf32>,
      %parallel_loop3A_108 = arith.addf %parallel_loop3A_101, %parallel_loop3A_107 : vector<16xf32>
      %parallel_loop3A_109 = arith.constant 16 : i32
      %parallel_loop3A_110 = arith.muli %parallel_loop3A_22, %parallel_loop3A_109 : i32
      %parallel_loop3A_111 = arith.constant 12 : i32
      %parallel_loop3A_112 = arith.index_cast %parallel_loop3A_111 : i32 to index
      %parallel_loop3A_113 = arith.index_cast %parallel_loop3A_110 : i32 to index
      %parallel_loop3A_114 = tpu.vector_load %arg11[%parallel_loop3A_112, %parallel_loop3A_113] {strides = array<i32>} : memref<16x640xf32, #tpu.memory_space<vmem>>, vector<16xf32>,
      %parallel_loop3A_115 = arith.addf %parallel_loop3A_108, %parallel_loop3A_114 : vector<16xf32>
      %parallel_loop3A_116 = arith.constant 16 : i32
      %parallel_loop3A_117 = arith.muli %parallel_loop3A_22, %parallel_loop3A_116 : i32
      %parallel_loop3A_118 = arith.constant 13 : i32
      %parallel_loop3A_119 = arith.index_cast %parallel_loop3A_118 : i32 to index
      %parallel_loop3A_120 = arith.index_cast %parallel_loop3A_117 : i32 to index
      %parallel_loop3A_121 = tpu.vector_load %arg11[%parallel_loop3A_119, %parallel_loop3A_120] {strides = array<i32>} : memref<16x640xf32, #tpu.memory_space<vmem>>, vector<16xf32>,
      %parallel_loop3A_122 = arith.addf %parallel_loop3A_115, %parallel_loop3A_121 : vector<16xf32>
      %parallel_loop3A_123 = arith.constant 16 : i32
      %parallel_loop3A_124 = arith.muli %parallel_loop3A_22, %parallel_loop3A_123 : i32
      %parallel_loop3A_125 = arith.constant 14 : i32
      %parallel_loop3A_126 = arith.index_cast %parallel_loop3A_125 : i32 to index
      %parallel_loop3A_127 = arith.index_cast %parallel_loop3A_124 : i32 to index
      %parallel_loop3A_128 = tpu.vector_load %arg11[%parallel_loop3A_126, %parallel_loop3A_127] {strides = array<i32>} : memref<16x640xf32, #tpu.memory_space<vmem>>, vector<16xf32>,
      %parallel_loop3A_129 = arith.addf %parallel_loop3A_122, %parallel_loop3A_128 : vector<16xf32>
      %parallel_loop3A_130 = arith.constant 16 : i32
      %parallel_loop3A_131 = arith.muli %parallel_loop3A_22, %parallel_loop3A_130 : i32
      %parallel_loop3A_132 = arith.constant 15 : i32
      %parallel_loop3A_133 = arith.index_cast %parallel_loop3A_132 : i32 to index
      %parallel_loop3A_134 = arith.index_cast %parallel_loop3A_131 : i32 to index
      %parallel_loop3A_135 = tpu.vector_load %arg11[%parallel_loop3A_133, %parallel_loop3A_134] {strides = array<i32>} : memref<16x640xf32, #tpu.memory_space<vmem>>, vector<16xf32>,
      %parallel_loop3A_136 = arith.addf %parallel_loop3A_129, %parallel_loop3A_135 : vector<16xf32>
      %parallel_loop3A_137 = arith.constant 16 : i32
      %parallel_loop3A_138 = arith.muli %parallel_loop3A_22, %parallel_loop3A_137 : i32
      %parallel_loop3A_139 = arith.index_cast %parallel_loop3A_138 : i32 to index
      %parallel_loop3A_140 = tpu.vector_load %arg12[%parallel_loop3A_139] {strides = array<i32>} : memref<640xf32, #tpu.memory_space<vmem>>, vector<16xf32>,
      tpu.vector_store %arg12[%parallel_loop3A_139], %parallel_loop3A_136 {strides = array<i32>} : memref<640xf32, #tpu.memory_space<vmem>>, vector<16xf32>,
    } {sc.loop_unroll_factor = 2 : i64, sc.parallel_access}
    %mul3A_20 = arith.constant 640 : i32
    %mul3A_21 = arith.muli %arg1, %mul3A_20 : i32
    "tpu.region"() ({
      %run_scoped3A_22 = tpu.sem_alloc : memref<!tpu.dma_semaphore, #tpu.memory_space<semaphore_mem>>
      %dma_start3A = tpu.memref_slice %arg5[%arg0, %mul3A_21] : memref<2x10240xf32, #tpu.memory_space<hbm>> -> memref<1x640xf32, #tpu.memory_space<hbm>>
      %dma_start3A_23 = tpu.memref_squeeze %dma_start3A : memref<1x640xf32, #tpu.memory_space<hbm>> -> memref<640xf32, #tpu.memory_space<hbm>>
      %dma_start3A_24 = tpu.memref_slice %arg5[%arg0, %mul3A_21] : memref<2x10240xf32, #tpu.memory_space<hbm>> -> memref<1x640xf32, #tpu.memory_space<hbm>>
      %dma_start3A_25 = tpu.memref_squeeze %dma_start3A_24 : memref<1x640xf32, #tpu.memory_space<hbm>> -> memref<640xf32, #tpu.memory_space<hbm>>
      tpu.enqueue_dma source(%arg12 : memref<640xf32, #tpu.memory_space<vmem>>) target(%dma_start3A_25 : memref<640xf32, #tpu.memory_space<hbm>>) target_semaphore(%run_scoped3A_22 : memref<!tpu.dma_semaphore, #tpu.memory_space<semaphore_mem>>)
      %dma_wait3A = tpu.memref_slice %arg5[%arg0, %mul3A_21] : memref<2x10240xf32, #tpu.memory_space<hbm>> -> memref<1x640xf32, #tpu.memory_space<hbm>>
      %dma_wait3A_26 = tpu.memref_squeeze %dma_wait3A : memref<1x640xf32, #tpu.memory_space<hbm>> -> memref<640xf32, #tpu.memory_space<hbm>>
      %dma_wait3A_27 = tpu.memref_slice %arg5[%arg0, %mul3A_21] : memref<2x10240xf32, #tpu.memory_space<hbm>> -> memref<1x640xf32, #tpu.memory_space<hbm>>
      %dma_wait3A_28 = tpu.memref_squeeze %dma_wait3A_27 : memref<1x640xf32, #tpu.memory_space<hbm>> -> memref<640xf32, #tpu.memory_space<hbm>>
      tpu.wait_dma2 semaphore(%run_scoped3A_22 : memref<!tpu.dma_semaphore, #tpu.memory_space<semaphore_mem>>) src(%arg12 : memref<640xf32, #tpu.memory_space<vmem>>) dst(%dma_wait3A_28 : memref<640xf32, #tpu.memory_space<hbm>>)
      tpu.yield
    }) : () -> ()
    return
  }
}

module attributes {stable_mosaic.version = 14 : i64} {
  func.func @_tc_body(%arg0: i32, %arg1: memref<1280x128xf32, #tpu.memory_space<vmem>>, %arg2: memref<128x128xf32, #tpu.memory_space<vmem>>, %arg3: memref<8x128xf32, #tpu.memory_space<vmem>>, %arg4: memref<128x1280xf32, #tpu.memory_space<vmem>>, %arg5: memref<8x1280xf32, #tpu.memory_space<vmem>>) attributes {dimension_semantics = [#tpu.dimension_semantics<arbitrary>], iteration_bounds = array<i64: 8>, scalar_prefetch = 0 : i64, scratch_operands = 0 : i64, tpu.core_type = #tpu.core_type<tc>, window_params = [{transform_indices = @transform_0, window_bounds = array<i64: 1280, 128>}, {pipeline_mode = #tpu.pipeline_mode<synchronous>, transform_indices = @transform_1, window_bounds = array<i64: 128, 128>}, {pipeline_mode = #tpu.pipeline_mode<synchronous>, transform_indices = @transform_2, window_bounds = array<i64: 8, 128>}, {transform_indices = @transform_3, window_bounds = array<i64: 128, 1280>}, {transform_indices = @transform_4, window_bounds = array<i64: 8, 1280>}]} {
    %get3A = arith.constant 0 : index
    %get3A_0 = arith.constant 0 : index
    %get3A_1 = vector.load %arg1[%get3A, %get3A_0] : memref<1280x128xf32, #tpu.memory_space<vmem>>, vector<1280x128xf32>
    %get3A_2 = arith.constant 0 : index
    %get3A_3 = arith.constant 0 : index
    %get3A_4 = vector.load %arg2[%get3A_2, %get3A_3] : memref<128x128xf32, #tpu.memory_space<vmem>>, vector<128x128xf32>
    %dot_general3A = arith.constant dense<0.000000e+00> : vector<128x1280xf32>
    %dot_general3A_5 = tpu.matmul %get3A_4, %get3A_1, %dot_general3A {dimension_numbers = #tpu.dot_dimension_numbers<[0], [1], [1], [0], [0, 1, 1, 0], [], []>, transpose_lhs_hint = false} : vector<128x128xf32>, vector<1280x128xf32>, vector<128x1280xf32> -> vector<128x1280xf32>
    %swap3A = arith.constant 0 : index
    %swap3A_6 = arith.constant 0 : index
    %swap3A_7 = vector.load %arg4[%swap3A, %swap3A_6] : memref<128x1280xf32, #tpu.memory_space<vmem>>, vector<128x1280xf32>
    tpu.vector_store %arg4[%swap3A, %swap3A_6], %dot_general3A_5 {strides = array<i32>} : memref<128x1280xf32, #tpu.memory_space<vmem>>, vector<128x1280xf32>,
    %get3A_8 = arith.constant 0 : index
    %get3A_9 = arith.constant 0 : index
    %get3A_10 = vector.load %arg3[%get3A_8, %get3A_9] : memref<8x128xf32, #tpu.memory_space<vmem>>, vector<8x128xf32>
    %dot_general3A_11 = arith.constant dense<0.000000e+00> : vector<8x1280xf32>
    %dot_general3A_12 = tpu.matmul %get3A_10, %dot_general3A_5, %dot_general3A_11 {dimension_numbers = #tpu.dot_dimension_numbers<[1], [0], [0], [1], [0, 0, 1, 1], [], []>, transpose_lhs_hint = false} : vector<8x128xf32>, vector<128x1280xf32>, vector<8x1280xf32> -> vector<8x1280xf32>
    %swap3A_13 = arith.constant 0 : index
    %swap3A_14 = arith.constant 0 : index
    %swap3A_15 = vector.load %arg5[%swap3A_13, %swap3A_14] : memref<8x1280xf32, #tpu.memory_space<vmem>>, vector<8x1280xf32>
    tpu.vector_store %arg5[%swap3A_13, %swap3A_14], %dot_general3A_12 {strides = array<i32>} : memref<8x1280xf32, #tpu.memory_space<vmem>>, vector<8x1280xf32>,
    return
  }
  func.func @transform_0(%arg0: i32) -> (i32, i32) {
    %c0_i32 = arith.constant 0 : i32
    %c0_i32_0 = arith.constant 0 : i32
    return %arg0, %c0_i32 : i32, i32
  }
  func.func @transform_1(%arg0: i32) -> (i32, i32) {
    %c0_i32 = arith.constant 0 : i32
    %c0_i32_0 = arith.constant 0 : i32
    %c0_i32_1 = arith.constant 0 : i32
    return %c0_i32, %c0_i32_0 : i32, i32
  }
  func.func @transform_2(%arg0: i32) -> (i32, i32) {
    %c0_i32 = arith.constant 0 : i32
    %c0_i32_0 = arith.constant 0 : i32
    %c0_i32_1 = arith.constant 0 : i32
    return %c0_i32, %c0_i32_0 : i32, i32
  }
  func.func @transform_3(%arg0: i32) -> (i32, i32) {
    %c0_i32 = arith.constant 0 : i32
    %c0_i32_0 = arith.constant 0 : i32
    return %c0_i32, %arg0 : i32, i32
  }
  func.func @transform_4(%arg0: i32) -> (i32, i32) {
    %c0_i32 = arith.constant 0 : i32
    %c0_i32_0 = arith.constant 0 : i32
    return %c0_i32, %arg0 : i32, i32
  }
}

</mosaic_0001>

<sc_bundles>
// kernel: kernel.5.cloned.1.call-start
scs
__scs_entry_jumppad:
0x0: {  	(pc) =	sbr.rel $0x88, $3  }
0x1: {  	(tag) =	ssettag $0x0;
	lr =	simm.s32 $0x1  }
0x2: {  	[smem:$0x3F9B] =	sst lr;
	_ =	strace $0xD0000000  }
0x3: {  	_ = 	snop  }
0x4: {  	_ = 	snop  }
0x5: {  	_ = 	snop  }
0x6: {  	_ = 	snop  }
0x7: {  	_ = 	snop  }
__scs_overlays_trampoline_lowered:
0x8: {  	[smem:$0x3FAA] =	sst s0  }
0x9: {  	[smem:$0x3FAB] =	sst s1  }
0xa: {  	[smem:$0x3FAC] =	sst s2  }
0xb: {  	[smem:$0x3FAD] =	sst s3  }
0xc: {  	[smem:$0x3FAE] =	sst s4  }
0xd: {  	[smem:$0x3FAF] =	sst s5  }
0xe: {  	[smem:$0x3FB0] =	sst s6  }
0xf: {  	[smem:$0x3FB1] =	sst s7  }
0x10: {  	[smem:$0x3FB2] =	sst s8  }
0x11: {  	[smem:$0x3FB3] =	sst s9;
	s0 =	simm.s32 @!p0 $0x0  }
0x12: {  	s1 =	sld [smem:$0x3F99];
	s0 =	simm.s32 @p0 $0x1  }
0x13: {  	[smem:$0x3FB4] =	sst s0;
	s0 =	simm.s32 @!p1 $0x0  }
0x14: {  	s2 =	sld [smem:$0x3F98];
	s0 =	simm.s32 @p1 $0x1  }
0x15: {  	[smem:$0x3FB5] =	sst s0;
	s0 =	simm.s32 @!p2 $0x0  }
0x16: {  	s3 =	sld [smem:$0x3FDB];
	s0 =	simm.s32 @p2 $0x1  }
0x17: {  	s4 =	simm.s32 $0x1BF5;
	[smem:$0x3FB7] =	sst s0  }
0x18: {  	s0 =	sld [smem:$0x3F9A];
	_ =	swait.ge [sflag:s4], $0x0  }
0x19: {  	s7 =	sld [smem:$0x3F9B]  }
0x1a: {  	s8 =	sadd.s32 $0xFFFFE003, lr  }
0x1b: {  	s9 =	sadd.s32 $0xFFFFFEF7, lr;
	s5 =	simm.s32 $0xFFFFFFFF;
	p2 =	slt.u32 s8, $0xFFFFF086  }
0x1c: {  	p1 =	slt.u32 s9, $0xF7A;
	s5 =	simm.s32 @!p2 $0x0  }
0x1d: {  	s5 =	simm.s32 @p1 $0x1;
	p0 =	seq.s32 s7, s2  }
0x1e: {  	s7 =	smul.u32 @!p0 $0xF7A, s2;
	p2 =	seq.s32 @!p0 s5, $0x0  }
0x1f: {  	s9 =	smul.u32 $0xF7A, s1;
	s8 =	simm.s32 @!p0 $0x1BF5;
	p2 =	por !p2, p0  }
0x20: {  	[sflag:s8] =	ssyncset.s32 @!p0 $0xFFFFF086;
	s6 =	sadd.s32 @!p0 s3, s7;
	s7 =	simm.s32 @!p0 $0x108  }
0x21: {  	s3 =	sadd.s32 s3, s9;
	s6 =	sadd.s32 @!p0 $0x88, s6;
	s7 =	simm.s32 @p2 $0x1082  }
0x22: {  	[simem:s7], [sflag:s8] =	dma.local @!p0 [hbm:s6], $0xF7A  }
0x23: {  	s9 =	sor.u32 $0xD0000000, s2;
	s6 =	simm.s32 $0x108;
	_ =	swait.ge @!p0 [sflag:s8], $0x0  }
0x24: {  	s3 =	sadd.s32 $0x88, s3;
	s6 =	simm.s32 @!p1 $0x1082;
	[sflag:s4] =	ssyncset.s32 $0xFFFFF086  }
0x25: {  	[simem:s6], [sflag:s4] =	dma.local [hbm:s3], $0xF7A  }
0x26: {  	[smem:$0x3F9B] =	sst s1;
	(tag) =	ssettag s2;
	_ =	strace s9  }
0x27: {  	s1 =	sld [smem:$0x3FAB]  }
0x28: {  	s2 =	sld [smem:$0x3FAC]  }
0x29: {  	s4 =	sld [smem:$0x3FAE]  }
0x2a: {  	p0 =	seq.s32 s5, $0x0;
	s5 =	sld [smem:$0x3FAF]  }
0x2b: {  	s6 =	sld [smem:$0x3FB0]  }
0x2c: {  	s7 =	sld [smem:$0x3FB1]  }
0x2d: {  	s3 =	simm.s32 $0x108;
	s8 =	sld [smem:$0x3FB2]  }
0x2e: {  	s3 =	simm.s32 @!p0 $0x1082;
	s9 =	sld [smem:$0x3FB3]  }
0x2f: {  	lr =	sadd.s32 s0, s3;
	s0 =	sld [smem:$0x3FAA]  }
0x30: {  	s3 =	sld [smem:$0x3FAD]  }
0x31: {  	[smem:$0x3FB6] =	sst s10  }
0x32: {  	s10 =	sld [smem:$0x3FB4];
	_ =	sdelay $0x3  }
0x33: {  	p0 =	seq.s32 s10, $0x1;
	s10 =	sld [smem:$0x3FB6];
	_ =	sdelay $0x3  }
0x34: {  	[smem:$0x3FB6] =	sst s10  }
0x35: {  	s10 =	sld [smem:$0x3FB5];
	_ =	sdelay $0x3  }
0x36: {  	p1 =	seq.s32 s10, $0x1;
	s10 =	sld [smem:$0x3FB6];
	_ =	sdelay $0x3  }
0x37: {  	[smem:$0x3FB6] =	sst s10  }
0x38: {  	s10 =	sld [smem:$0x3FB7]  }
0x39: {  	_ = 	snop;
	(pc) =	sbr.ind lr, $3  }
0x3a: {  	_ = 	snop  }
0x3b: {  	_ = 	snop  }
0x3c: {  	p2 =	seq.s32 s10, $0x1;
	s10 =	sld [smem:$0x3FB6]  }
0x3d: {  	_ =	shalt  }
0x3e: {  	_ =	shalt  }
0x3f: {  	_ =	shalt  }
0x40: {  	_ =	shalt  }
0x41: {  	_ =	shalt  }
0x42: {  	_ =	shalt  }
0x43: {  	_ =	shalt  }
0x44: {  	_ =	shalt  }
0x45: {  	_ =	shalt  }
0x46: {  	_ =	shalt  }
0x47: {  	_ =	shalt  }
0x48: {  	_ =	shalt  }
0x49: {  	_ =	shalt  }
0x4a: {  	_ =	shalt  }
0x4b: {  	_ =	shalt  }
0x4c: {  	_ =	shalt  }
0x4d: {  	_ =	shalt  }
0x4e: {  	_ =	shalt  }
0x4f: {  	_ =	shalt  }
0x50: {  	_ =	shalt  }
0x51: {  	_ =	shalt  }
0x52: {  	_ =	shalt  }
0x53: {  	_ =	shalt  }
0x54: {  	_ =	shalt  }
0x55: {  	_ =	shalt  }
0x56: {  	_ =	shalt  }
0x57: {  	_ =	shalt  }
0x58: {  	_ =	shalt  }
0x59: {  	_ =	shalt  }
0x5a: {  	_ =	shalt  }
0x5b: {  	_ =	shalt  }
0x5c: {  	_ =	shalt  }
0x5d: {  	_ =	shalt  }
0x5e: {  	_ =	shalt  }
0x5f: {  	_ =	shalt  }
0x60: {  	_ =	shalt  }
0x61: {  	_ =	shalt  }
0x62: {  	_ =	shalt  }
0x63: {  	_ =	shalt  }
0x64: {  	_ =	shalt  }
0x65: {  	_ =	shalt  }
0x66: {  	_ =	shalt  }
0x67: {  	_ =	shalt  }
0x68: {  	_ =	shalt  }
0x69: {  	_ =	shalt  }
0x6a: {  	_ =	shalt  }
0x6b: {  	_ =	shalt  }
0x6c: {  	_ =	shalt  }
0x6d: {  	_ =	shalt  }
0x6e: {  	_ =	shalt  }
0x6f: {  	_ =	shalt  }
0x70: {  	_ =	shalt  }
0x71: {  	_ =	shalt  }
0x72: {  	_ =	shalt  }
0x73: {  	_ =	shalt  }
0x74: {  	_ =	shalt  }
0x75: {  	_ =	shalt  }
0x76: {  	_ =	shalt  }
0x77: {  	_ =	shalt  }
0x78: {  	_ =	shalt  }
0x79: {  	_ =	shalt  }
0x7a: {  	_ =	shalt  }
0x7b: {  	_ =	shalt  }
0x7c: {  	_ =	shalt  }
0x7d: {  	_ =	shalt  }
0x7e: {  	_ =	shalt  }
0x7f: {  	_ =	shalt  }
0x80: {  	_ =	shalt  }
0x81: {  	_ =	shalt  }
0x82: {  	_ =	shalt  }
0x83: {  	_ =	shalt  }
0x84: {  	_ =	shalt  }
0x85: {  	_ =	shalt  }
0x86: {  	_ =	shalt  }
0x87: {  	_ =	shalt  }
.Lfunc_end0:
.L_simem_size_0:
called_computation_lowered:
.L_overlay_start_0:
0x88: {  	s2 =	sld [smem:$0x3FD9]  }
0x89: {  	s3 =	sld [smem:$0x3FFE];
	_ =	sdelay $0x1  }
0x8a: {  	s1 =	srdreg.scid  }
0x8b: {  	s0 =	sand.u32 $0x1, s1  }
0x8c: {  	s17 =	sshll.u32 s0, $0xA;
	s2 =	sadd.s32 s3, s2  }
0x8d: {  	s2 =	sadd.s32 s2, s17  }
0x8e: {  	[smem:$0x3FC2] =	sst s2  }
0x8f: {  	_ = 	snop  }
0x90: {  	s2 =	sld [smem:$0x3FD0];
	(tm) =	ssettm $0x1  }
0x91: {  	s18 =	sld [smem:$0x3FFB];
	_ =	sdelay $0x3  }
0x92: {  	_ =	strace s18  }
0x93: {  	s3 =	sld [smem:$0x3FFC];
	_ =	sdelay $0x3  }
0x94: {  	_ =	strace s3  }
0x95: {  	s3 =	sld [smem:$0x3FFD];
	_ =	sdelay $0x3  }
0x96: {  	_ =	strace s3  }
0x97: {  	_ =	strace $0x8FFFFFFF  }
0x98: {  	s19 =	sld [smem:$0x3FDB];
	_ =	sdelay $0x1  }
0x99: {  	s4 =	simm.s32 $_scs_section_size  }
0x9a: {  	s5 =	simm.s32 $_size__tile_overlayer_lowered;
	s6 =	simm.s32 $_tile_overlayer_lowered  }
0x9b: {  	s22 =	simm.s32 $0x1BFF;
	s21 =	sshll.u32 s6, $0x1;
	s3 =	sadd.s32 s4, s19  }
0x9c: {  	s7 =	simm.s32 $0x0;
	s20 =	sshll.u32 s5, $0x1;
	s5 =	sadd.s32 s21, s3  }
0x9d: {  	[timem:s7], [sflag:s22] =	dma.local [hbm:s5], s20  }
0x9e: {  	_ =	swait.ge [sflag:s22], s20  }
0x9f: {  	s4 =	ssub.s32 $0x0, s20;
	[sflag:s22] =	ssyncset.done $0x0  }
0xa0: {  	[sflag:s22] =	ssyncadd.s32 s4;
	_ =	sdelay $0x1  }
0xa1: {  	s23 =	simm.s32 $0x1B8B  }
0xa2: {  	_ =	swait.ge [sflag:s23], $0x1  }
0xa3: {  	[sflag:s23] =	ssyncset.done $0x0  }
0xa4: {  	s25 =	simm.s32 $0x1B8E;
	s24 =	sld [smem:$0x3FFE];
	[sflag:s23] =	ssyncadd.s32 $0xFFFFFFFF  }
0xa5: {  	s26 =	simm.s32 $execute0_lowered;
	[smem:$0x3FD2] =	sst s25  }
0xa6: {  	s5 =	sshll.u32 s26, $0x1;
	_ =	strace $0x80000046;
	[dreg:$0x1] =	wrdreg $0xFFFFFFFF  }
0xa7: {  	s28 =	simm.s32 $_size_execute0_lowered;
	s3 =	sadd.s32 s3, s5;
	[dreg:$0x0] =	wrdreg $0x0  }
0xa8: {  	s5 =	sshll.u32 s28, $0x1;
	[dreg:$0x2] =	wrdreg s3  }
0xa9: {  	[dreg:$0x3] =	wrdreg s5  }
0xaa: {  	[dreg:$0x4] =	wrdreg $0xC0  }
0xab: {  	_ =	task [dreg:s7], $0x5FFFF  }
0xac: {  	[dreg:$0x1] =	wrdreg $0xFFFFFFFF  }
0xad: {  	[dreg:$0x0] =	wrdreg $0x60  }
0xae: {  	[dreg:$0x2] =	wrdreg s2  }
0xaf: {  	[dreg:$0x3] =	wrdreg s24  }
0xb0: {  	[dreg:$0x4] =	wrdreg $0xF1800  }
0xb1: {  	[dreg:$0x5] =	wrdreg $0x9  }
0xb2: {  	_ =	task.clear_ibuf [dreg:s7], $0x6FFFF;
	_ =	strace $0x90000046  }
0xb3: {  	s29 =	simm.s32 $0x9;
	_ =	strace $0x80000048  }
0xb4: {  	_ =	swait.ge [sflag:s29], $0x1  }
0xb5: {  	[sflag:s29] =	ssyncadd.s32 $0xFFFFFFFF  }
0xb6: {  	_ =	strace $0x90000048  }
0xb7: {  	_ =	sfence  }
0xb8: {  	s30 =	sld [smem:$0x0];
	_ =	sdelay $0x2  }
0xb9: {  	s31 =	sshll.u32 s1, $0xD;
	s1 =	sshrl.u32 s1, $0x2  }
0xba: {  	s3 =	sand.u32 $0x4000, s31;
	s1 =	sadd.s32 s1, s30  }
0xbb: {  	s0 =	sor.u32 s3, s0;
	s1 =	sshll.u32 s1, $0x11  }
0xbc: {  	s0 =	sor.u32 s1, s0  }
0xbd: {  	s0 =	sadd.s32 $0x8F2B, s0  }
0xbe: {  	[sflag:s0] =	ssyncadd.remote.s32 $0x1  }
0xbf: {  	_ =	sfence.sel $0xFFFF  }
0xc0: {  	[dreg:$0x0] =	wrdreg $0xFFFFFFFF;
	(pc) =	sbr.abs _section_cstart, $3  }
0xc1: {  	[dreg:$0x1] =	wrdreg $0xFFFFFFFF  }
0xc2: {  	_ =	task.clear_ibuf [dreg:s7], $0x2FFFF;
	_ =	strace $0x9FFFFFFF  }
0xc3: {  	(tm) =	ssettm $0x7FFFFFFF  }
tec
execute0_lowered:
.L_overlay_start_1:
0x0: {  	(tag) =	ssettag $0x1  }
0x1: {  	s1 =	rddreg [dreg:$0x0]  }
0x2: {  	s0 =	srdreg.scid;
	s4 =	rddreg [dreg:$0x1]  }
0x3: {  	s11 =	stileid.u32;
	s8 =	rddreg [dreg:$0x2]  }
0x4: {  	s12 =	simm.s32 $0x400;
	s13 =	simm.s32 $0x1;
	s14 =	simm.s32 $0x2800  }
0x5: {  	s16 =	simm.s32 $0x5000;
	s22 =	simm.s32 $0xEF00;
	s23 =	simm.s32 $0x0  }
0x6: {  	s0 =	sand.u32 $0x1, s0;
	s6 =	smul.u32 $0x500, s11;
	s26 =	sshrl.u32 s11, $0x3  }
0x7: {  	s29 =	smul.u32 $0x5000, s11;
	s30 =	sshll.u32 s11, $0x7;
	s2 =	sshll.u32 s0, $0x4  }
0x8: {  	s7 =	sshll.u32 s0, $0x7;
	s0 =	ssub.s32 $0x2, s0;
	s3 =	sor.u32 s11, s2  }
0x9: {  	s2 =	simm.s32 $0x0;
	s6 =	sor.u32 s7, s6;
	s28 =	sshrl.u32 s0, $0x1  }
0xa: {  	s7 =	smul.u32 $0x50000, s26;
	s31 =	sshrl.u32 s29, $0x2;
	s11 =	simm.s32 $0x80  }
0xb: {  	s5 =	smul.u32 $0x4E2, s3;
	[smem:$0x7FF] =	sst s2;
	s3 =	sadd.s32 $0x29400, s4  }
0xc: {  	s6 =	sshrl.u32 s6, $0x3;
	s0 =	ssub.s32 s0, s28;
	_ =	strace $0x80000047  }
0xd: {  	s10 =	sadd.s32 s6, s4;
	s7 =	sshrl.u32 s7, $0x2;
	s9 =	sadd.s32 s5, s4  }
0xe: {  	s4 =	sadd.s32 $0x29410, s4;
	s5 =	sadd.s32 s1, s5;
	s1 =	sand.u32 $0x380, s30  }
0xf: {  	s7 =	sadd.s32 s7, s8;
	s8 =	sadd.s32 s31, s8;
	s6 =	sadd.s32 $0x2BC00, s9  }
0x10: {  	v0 =	vimm.f32 $0.0e+00;
	s7 =	sadd.s32 s1, s7;
	s9 =	sadd.s32 $0x35A00, s10;
	s10 =	smax.u32 s0, $0x1  }
.LBB2_1:
0x11: {  	[tilespmem:s2], [sflag:$0x1] =	stream.strided.gather [hbm4b:s3+s11], $0x2800, s12, s11, $0x38;
	[tilespmem:$0x11980] =	vst v63  }
0x12: {  	_ =	swait.ge [sflag:s13], $0x2800  }
0x13: {  	[sflag:s13] =	ssyncset.done $0x0  }
0x14: {  	[sflag:s13] =	ssyncadd.s32 $0xFFFFD800  }
0x15: {  	[tilespmem:s14], [sflag:$0x1] =	stream.strided.gather [hbm4b:s4+s11], $0x2800, s12, s11, $0x38;
	[tilespmem:$0x11980] =	vst v63  }
0x16: {  	_ =	swait.ge [sflag:s13], $0x2800  }
0x17: {  	[sflag:s13] =	ssyncset.done $0x0  }
0x18: {  	s0 =	simm.s32 $0x5020;
	[sflag:s13] =	ssyncadd.s32 $0xFFFFD800  }
0x19: {  	[tilespmem:s0+$0xFFFFFFE0] =	vst v0  }
0x1a: {  	[tilespmem:s0+$0x10] =	vst v0  }
0x1b: {  	s1 =	simm.s32 $0x0;
	[tilespmem:s0+$0x0] =	vst v0  }
.LBB2_2:
0x1c: {  	s1 =	sadd.s32 $0x4, s1  }
0x1d: {  	[tilespmem:s0+$0xFFFFFFF0] =	vst v0;
	s0 =	sadd.s32 $0x40, s0;
	p0 =	slt.u32 s1, $0x27C  }
.Ltmp0:
0x1e: {  	[tilespmem:s0+$0xFFFFFFE0] =	vst v0;
	(pc) =	sbr.rel @p0 .LBB2_2-.Ltmp0, $3  }
0x1f: {  	_ =	sdelay $0x1  }
0x20: {  	[tilespmem:s0+$0x10] =	vst v0  }
0x21: {  	[tilespmem:s0+$0x0] =	vst v0  }
0x22: {  	[tilespmem:s0+$0xFFFFFFF0] =	vst v0;
	s30 =	simm.s32 $0x7800  }
0x23: {  	[tilespmem:s30], [sflag:$0x1] =	stream.linear.gather [hbm4b:s5+s2], $0x2710, $0x38;
	[tilespmem:$0x11980] =	vst v63  }
0x24: {  	_ =	swait.ge [sflag:s13], $0x2710  }
0x25: {  	[sflag:s13] =	ssyncset.done $0x0  }
0x26: {  	s31 =	simm.s32 $0x7880;
	[sflag:s13] =	ssyncadd.s32 $0xFFFFD8F0  }
0x27: {  	v4 =	vld [tilespmem:s31+$0xFFFFFFC0]  }
0x28: {  	v6 =	vld [tilespmem:s31+$0xFFFFFFA0]  }
0x29: {  	v9 =	vld [tilespmem:s31+$0xFFFFFF90]  }
0x2a: {  	v8 =	vld [tilespmem:s31+$0xFFFFFFB0]  }
0x2b: {  	v1 =	vld [tilespmem:s31+$0x60]  }
0x2c: {  	v16 =	vld [tilespmem:s31+$0xFFFFFF80]  }
0x2d: {  	v3 =	vld [tilespmem:s31+$0x70]  }
0x2e: {  	v5 =	vld [tilespmem:s31+$0x10]  }
0x2f: {  	v11 =	vld [tilespmem:s31+$0x0]  }
0x30: {  	v7 =	vld [tilespmem:s31+$0x40]  }
0x31: {  	v10 =	vld [tilespmem:s31+$0x20]  }
0x32: {  	v12 =	vld [tilespmem:s31+$0x30];
	v17 =	vshrl.u32 v1, $0x10  }
0x33: {  	v14 =	vld [tilespmem:s31+$0x50];
	v2 =	vshrl.u32 v3, $0x10  }
0x34: {  	v19 =	vld [tilespmem:s31+$0xFFFFFFD0];
	v18 =	vand.u32 $0xFFFF, v1  }
0x35: {  	v22 =	vld [tilespmem:s31+$0xFFFFFFE0];
	v21 =	vand.u32 $0xFFFF, v7  }
0x36: {  	v24 =	vld [tilespmem:s31+$0xFFFFFFF0];
	v23 =	vand.u32 $0xFFFF, v10  }
0x37: {  	v1 =	vshrl.u32 v10, $0x10;
	v20 =	vld.idx.msk [tilespmem:v17+s14+$0x0], $0xffff  }
0x38: {  	v13 =	vshrl.u32 v12, $0x10;
	v15 =	vld.idx.msk [tilespmem:v2+s14+$0x0], $0xffff  }
0x39: {  	v33 =	vshrl.u32 v14, $0x10;
	v18 =	vld.idx.msk [tilespmem:v18+s2+$0x0], $0xffff  }
0x3a: {  	v10 =	vand.u32 $0xFFFF, v14;
	v21 =	vld.idx.msk [tilespmem:v21+s2+$0x0], $0xffff  }
0x3b: {  	v7 =	vshrl.u32 v7, $0x10;
	v27 =	vld.idx.msk [tilespmem:v23+s2+$0x0], $0xffff  }
0x3c: {  	v25 =	vand.u32 $0xFFFF, v5;
	v31 =	vld.idx.msk [tilespmem:v1+s14+$0x0], $0xffff  }
0x3d: {  	v23 =	vand.u32 $0xFFFF, v12;
	v26 =	vld.idx.msk [tilespmem:v13+s14+$0x0], $0xffff  }
0x3e: {  	v12 =	vshrl.u32 v5, $0x10;
	v28 =	vld.idx.msk [tilespmem:v33+s14+$0x0], $0xffff  }
0x3f: {  	v14 =	vshrl.u32 v24, $0x10;
	v29 =	vld.idx.msk [tilespmem:v10+s2+$0x0], $0xffff  }
0x40: {  	v24 =	vand.u32 $0xFFFF, v24;
	v30 =	vld.idx.msk [tilespmem:v7+s14+$0x0], $0xffff  }
0x41: {  	v32 =	vand.u32 $0xFFFF, v3;
	v3 =	vshrl.u32 v11, $0x10;
	v34 =	vand.u32 $0xFFFF, v4;
	v25 =	vld.idx.msk [tilespmem:v25+s2+$0x0], $0xffff  }
0x42: {  	v36 =	vand.u32 $0xFFFF, v8;
	v38 =	vand.u32 $0xFFFF, v6;
	v18 =	vadd.f32 v20, v18;
	v20 =	vld.idx.msk [tilespmem:v23+s2+$0x0], $0xffff  }
0x43: {  	v10 =	vshrl.u32 v19, $0x10;
	v19 =	vand.u32 $0xFFFF, v19;
	v5 =	vshrl.u32 v4, $0x10;
	v35 =	vld.idx.msk [tilespmem:v12+s14+$0x0], $0xffff  }
0x44: {  	v37 =	vld.idx.msk [tilespmem:v14+s14+$0x0], $0xffff;
	v23 =	vand.u32 $0xFFFF, v11;
	v11 =	vshrl.u32 v8, $0x10;
	v4 =	vmul.f32 $2.000000030e-01, v18  }
0x45: {  	v24 =	vld.idx.msk [tilespmem:v24+s2+$0x0], $0xffff;
	v28 =	vadd.f32 v28, v29;
	v8 =	vshrl.u32 v9, $0x10;
	vm0 =	vge.f32 v18, $0.0e+00  }
0x46: {  	v34 =	vld.idx.msk [tilespmem:v34+s2+$0x0], $0xffff;
	v29 =	vand.u32 $0xFFFF, v9;
	v18 =	vsel vm0, v18, v4;
	v4 =	vshrl.u32 v6, $0x10  }
0x47: {  	v58 =	vld.idx.msk [tilespmem:v36+s2+$0x0], $0xffff;
	v6 =	vmul.f32 $1.442695020e+00, v18;
	v20 =	vadd.f32 v26, v20;
	v26 =	vmul.f32 $2.000000030e-01, v28  }
0x48: {  	v60 =	vld.idx.msk [tilespmem:v38+s2+$0x0], $0xffff;
	v9 =	vshrl.u32 v16, $0x10;
	vm0 =	vge.f32 v28, $0.0e+00;
	v25 =	vadd.f32 v35, v25  }
0x49: {  	v19 =	vld.idx.msk [tilespmem:v19+s2+$0x0], $0xffff;
	(erf) = vpow2.f32 v6;
	v6 =	vmul.f32 $2.000000030e-01, v20;
	v26 =	vsel vm0, v28, v26  }
0x4a: {  	v39 =	vld.idx.msk [tilespmem:v5+s14+$0x0], $0xffff;
	v16 =	vand.u32 $0xFFFF, v16;
	vm0 =	vge.f32 v20, $0.0e+00;
	v26 =	vmul.f32 $1.442695020e+00, v26  }
0x4b: {  	v24 =	vadd.f32 v37, v24;
	v18 =	vld.idx.msk [tilespmem:v10+s14+$0x0], $0xffff;
	v59 =	vmul.f32 $2.000000030e-01, v25;
	v6 =	vsel vm0, v20, v6  }
0x4c: {  	v61 =	vld.idx.msk [tilespmem:v8+s14+$0x0], $0xffff;
	vm0 =	vge.f32 v25, $0.0e+00;
	v20 =	vmul.f32 $1.442695020e+00, v6;
	(erf) = vpow2.f32 v26  }
0x4d: {  	v40 =	vand.u32 $0xFFFF, v22;
	v41 =	vld.idx.msk [tilespmem:v29+s2+$0x0], $0xffff;
	v26 =	vmul.f32 $2.000000030e-01, v24;
	v25 =	vsel vm0, v25, v59  }
0x4e: {  	v28 =	vld.idx.msk [tilespmem:v11+s14+$0x0], $0xffff;
	vm0 =	vge.f32 v24, $0.0e+00;
	v25 =	vmul.f32 $1.442695020e+00, v25;
	(erf) = vpow2.f32 v20  }
0x4f: {  	v29 =	vadd.f32 v39, v34;
	v62 =	vld.idx.msk [tilespmem:v4+s14+$0x0], $0xffff;
	v6 =	vshrl.u32 v22, $0x10;
	v20 =	vsel vm0, v24, v26  }
0x50: {  	v22 =	vadd.f32 v30, v21;
	v24 =	vld.idx.msk [tilespmem:v16+s2+$0x0], $0xffff;
	v16 =	vmul.f32 $1.442695020e+00, v20;
	(erf) = vpow2.f32 v25  }
0x51: {  	v63 =	vld.idx.msk [tilespmem:v9+s14+$0x0], $0xffff;
	v18 =	vadd.f32 v18, v19;
	v19 =	vmul.f32 $2.000000030e-01, v29;
	v21 =	vadd.f32 v31, v27  }
0x52: {  	v30 =	vld.idx.msk [tilespmem:v3+s14+$0x0], $0xffff;
	vm0 =	vge.f32 v29, $0.0e+00;
	vm2 =	vge.f32 v22, $0.0e+00;
	v25 =	vpop (erf);
	(erf) = vpow2.f32 v16  }
0x53: {  	s24 =	simm.s32 $0xA000;
	v26 =	vld.idx.msk [tilespmem:v23+s2+$0x0], $0xffff;
	v27 =	vmul.f32 $2.000000030e-01, v21;
	v20 =	vadd.f32 v28, v58;
	v28 =	vmul.f32 $2.000000030e-01, v18  }
0x54: {  	v23 =	vsel vm0, v29, v19;
	vm0 =	vge.f32 v18, $0.0e+00;
	v29 =	vld.idx.msk [tilespmem:v32+s2+$0x0], $0xffff;
	v32 =	vmul.f32 $2.000000030e-01, v22;
	[tilespmem:s24+$0x60] =	vst v25  }
0x55: {  	vm1 =	vge.f32 v20, $0.0e+00;
	v16 =	vadd.f32 v62, v60;
	[tilespmem:v17+s16+$0x0] =	vst.idx.add.f32.msk $0xffff, v25;
	v17 =	vsel vm0, v18, v28;
	v18 =	vpop (erf)  }
0x56: {  	v31 =	vmul.f32 $2.000000030e-01, v20;
	v25 =	vadd.f32 v61, v41;
	v28 =	vmul.f32 $1.442695020e+00, v17;
	v17 =	vld.idx.msk [tilespmem:v40+s2+$0x0], $0xffff;
	[tilespmem:s24+$0x50] =	vst v18  }
0x57: {  	s25 =	simm.s32 $0x0;
	s26 =	simm.s32 $0x7980;
	s28 =	simm.s32 $0xA000;
	v24 =	vadd.f32 v63, v24;
	vm0 =	vge.f32 v16, $0.0e+00;
	v19 =	vmul.f32 $2.000000030e-01, v16;
	[tilespmem:v33+s16+$0x0] =	vst.idx.add.f32.msk $0xffff, v18;
	v18 =	vpop (erf)  }
.LBB2_4:
0x58: {  	s25 =	sadd.s32 $0x10, s25;
	vm3 =	vge.f32 v25, $0.0e+00;
	v33 =	vld.idx.msk [tilespmem:v6+s14+$0x0], $0xffff;
	vm4 =	vge.f32 v21, $0.0e+00;
	[tilespmem:s24+$0x30] =	vst v18;
	v34 =	vsel vm2, v22, v32;
	s28 =	sadd.s32 $0x100, s28  }
0x59: {  	v22 =	vld [tilespmem:s26+$0xFFFFFFC0];
	p0 =	slt.u32 s25, $0x260;
	v31 =	vsel vm1, v20, v31;
	v20 =	vsel vm4, v21, v27;
	v27 =	vmul.f32 $1.442695020e+00, v34;
	v32 =	vpop (erf)  }
0x5a: {  	vm1 =	vge.f32 v24, $0.0e+00;
	v34 =	vmul.f32 $1.442695020e+00, v20;
	[tilespmem:v13+s16+$0x0] =	vst.idx.add.f32.msk $0xffff, v18;
	v13 =	vadd.f32 v15, v29  }
0x5b: {  	v15 =	vmul.f32 $2.000000030e-01, v24;
	v18 =	vadd.f32 v30, v26;
	v21 =	vld [tilespmem:s26+$0xFFFFFFA0];
	[tilespmem:s24+$0x10] =	vst v32;
	(erf) = vpow2.f32 v28;
	v26 =	vpop (erf)  }
0x5c: {  	v16 =	vsel vm0, v16, v19;
	v20 =	vld [tilespmem:s26+$0xFFFFFF90];
	[tilespmem:s24+$0xFFFFFFF0] =	vst v26;
	vm0 =	vge.f32 v13, $0.0e+00;
	(erf) = vpow2.f32 v27  }
0x5d: {  	v15 =	vsel vm1, v24, v15;
	v24 =	vmul.f32 $2.000000030e-01, v25;
	[tilespmem:v14+s16+$0x0] =	vst.idx.add.f32.msk $0xffff, v26;
	v14 =	vmul.f32 $2.000000030e-01, v18  }
0x5e: {  	vm1 =	vge.f32 v18, $0.0e+00;
	v15 =	vmul.f32 $1.442695020e+00, v15;
	[tilespmem:v12+s16+$0x0] =	vst.idx.add.f32.msk $0xffff, v32;
	v12 =	vmul.f32 $2.000000030e-01, v13  }
0x5f: {  	v27 =	vmul.f32 $1.442695020e+00, v16;
	v16 =	vmul.f32 $1.442695020e+00, v31;
	v26 =	vld [tilespmem:s26+$0xFFFFFFB0];
	v14 =	vsel vm1, v18, v14  }
0x60: {  	v17 =	vadd.f32 v33, v17;
	v18 =	vsel vm3, v25, v24;
	v19 =	vld [tilespmem:s26+$0xFFFFFF80];
	v12 =	vsel vm0, v13, v12  }
0x61: {  	v14 =	vmul.f32 $1.442695020e+00, v14;
	v13 =	vld [tilespmem:s26+$0x60];
	(erf) = vpow2.f32 v16  }
0x62: {  	v16 =	vmul.f32 $1.442695020e+00, v23;
	v12 =	vmul.f32 $1.442695020e+00, v12;
	v24 =	vld [tilespmem:s26+$0x70]  }
0x63: {  	v29 =	vmul.f32 $2.000000030e-01, v17;
	v23 =	vld [tilespmem:s26+$0x10];
	(erf) = vpow2.f32 v14  }
0x64: {  	v18 =	vmul.f32 $1.442695020e+00, v18;
	vm0 =	vge.f32 v17, $0.0e+00;
	v14 =	vld [tilespmem:s26+$0x0];
	v28 =	vpop (erf);
	(erf) = vpow2.f32 v12  }
0x65: {  	v17 =	vsel vm0, v17, v29;
	v12 =	vld [tilespmem:s26+$0x30];
	[tilespmem:s24+$0xFFFFFFD0] =	vst v28;
	(erf) = vpow2.f32 v16;
	v25 =	vpop (erf)  }
0x66: {  	v29 =	vld [tilespmem:s26+$0x20];
	v16 =	vshrl.u32 v13, $0x10;
	v30 =	vand.u32 $0xFFFF, v13;
	[tilespmem:s24+$0x40] =	vst v25;
	(erf) = vpow2.f32 v18  }
0x67: {  	v13 =	vmul.f32 $1.442695020e+00, v17;
	[tilespmem:v7+s16+$0x0] =	vst.idx.add.f32.msk $0xffff, v25;
	(erf) = vpow2.f32 v15  }
0x68: {  	v15 =	vld [tilespmem:s26+$0x40]  }
0x69: {  	v25 =	vshrl.u32 v24, $0x10;
	v7 =	vld [tilespmem:s26+$0x50]  }
0x6a: {  	v17 =	vand.u32 $0xFFFF, v24;
	[tilespmem:v10+s16+$0x0] =	vst.idx.add.f32.msk $0xffff, v28;
	v10 =	vpop (erf)  }
0x6b: {  	v28 =	vld [tilespmem:s26+$0xFFFFFFD0];
	[tilespmem:s24+$0xFFFFFFB0] =	vst v10  }
0x6c: {  	[tilespmem:v11+s16+$0x0] =	vst.idx.add.f32.msk $0xffff, v10;
	v10 =	vpop (erf);
	(erf) = vpow2.f32 v34  }
0x6d: {  	v31 =	vld.idx.msk [tilespmem:v16+s14+$0x0], $0xffff;
	[tilespmem:s24+$0x0] =	vst v10;
	v11 =	vpop (erf)  }
0x6e: {  	v24 =	vld [tilespmem:s26+$0xFFFFFFE0];
	[tilespmem:s24+$0x70] =	vst v11;
	(erf) = vpow2.f32 v27;
	v27 =	vpop (erf)  }
0x6f: {  	v18 =	vshrl.u32 v7, $0x10;
	v33 =	vand.u32 $0xFFFF, v7;
	v32 =	vld [tilespmem:s26+$0xFFFFFFF0];
	[tilespmem:s24+$0xFFFFFFC0] =	vst v27;
	v34 =	vpop (erf)  }
0x70: {  	v35 =	vand.u32 $0xFFFF, v15;
	v7 =	vshrl.u32 v15, $0x10;
	[tilespmem:v2+s16+$0x0] =	vst.idx.add.f32.msk $0xffff, v11;
	v11 =	vpop (erf);
	(erf) = vpow2.f32 v13  }
0x71: {  	v36 =	vand.u32 $0xFFFF, v12;
	v13 =	vshrl.u32 v12, $0x10;
	v2 =	vmov v25;
	v15 =	vld.idx.msk [tilespmem:v25+s14+$0x0], $0xffff;
	[tilespmem:s24+$0xFFFFFF90] =	vst v34  }
0x72: {  	v25 =	vshrl.u32 v29, $0x10;
	v29 =	vand.u32 $0xFFFF, v29;
	[tilespmem:v5+s16+$0x0] =	vst.idx.add.f32.msk $0xffff, v27  }
0x73: {  	v12 =	vshrl.u32 v23, $0x10;
	v23 =	vand.u32 $0xFFFF, v23;
	[tilespmem:v3+s16+$0x0] =	vst.idx.add.f32.msk $0xffff, v10  }
0x74: {  	v27 =	vand.u32 $0xFFFF, v14;
	v3 =	vshrl.u32 v14, $0x10;
	[tilespmem:v8+s16+$0x0] =	vst.idx.add.f32.msk $0xffff, v34  }
0x75: {  	v14 =	vshrl.u32 v32, $0x10;
	v32 =	vand.u32 $0xFFFF, v32;
	v30 =	vld.idx.msk [tilespmem:v30+s2+$0x0], $0xffff;
	[tilespmem:s24+$0xFFFFFF80] =	vst v11;
	v8 =	vpop (erf)  }
0x76: {  	v34 =	vshrl.u32 v24, $0x10;
	v24 =	vand.u32 $0xFFFF, v24;
	v35 =	vld.idx.msk [tilespmem:v35+s2+$0x0], $0xffff;
	[tilespmem:s24+$0x20] =	vst v8  }
0x77: {  	v10 =	vshrl.u32 v28, $0x10;
	v28 =	vand.u32 $0xFFFF, v28;
	[tilespmem:v9+s16+$0x0] =	vst.idx.add.f32.msk $0xffff, v11;
	v9 =	vpop (erf)  }
0x78: {  	v5 =	vshrl.u32 v22, $0x10;
	v22 =	vand.u32 $0xFFFF, v22;
	[tilespmem:v1+s16+$0x0] =	vst.idx.add.f32.msk $0xffff, v8;
	v1 =	vmov v25  }
0x79: {  	v11 =	vshrl.u32 v26, $0x10;
	v26 =	vand.u32 $0xFFFF, v26;
	v37 =	vld.idx.msk [tilespmem:v29+s2+$0x0], $0xffff;
	[tilespmem:s24+$0xFFFFFFA0] =	vst v9;
	v29 =	vpop (erf)  }
0x7a: {  	v38 =	vand.u32 $0xFFFF, v21;
	v39 =	vld.idx.msk [tilespmem:v25+s14+$0x0], $0xffff;
	[tilespmem:s24+$0xFFFFFFE0] =	vst v29;
	s24 =	smov.u32 s28  }
0x7b: {  	v21 =	vshrl.u32 v21, $0x10;
	v8 =	vshrl.u32 v20, $0x10;
	v25 =	vadd.f32 v31, v30;
	[tilespmem:v6+s16+$0x0] =	vst.idx.add.f32.msk $0xffff, v29;
	v6 =	vmovc v34  }
0x7c: {  	v29 =	vld.idx.msk [tilespmem:v13+s14+$0x0], $0xffff  }
0x7d: {  	vm0 =	vge.f32 v25, $0.0e+00;
	v31 =	vmul.f32 $2.000000030e-01, v25;
	v30 =	vld.idx.msk [tilespmem:v18+s14+$0x0], $0xffff  }
0x7e: {  	[tilespmem:v4+s16+$0x0] =	vst.idx.add.f32.msk $0xffff, v9;
	v4 =	vmov v21  }
0x7f: {  	v21 =	vsel vm0, v25, v31;
	v9 =	vld.idx.msk [tilespmem:v33+s2+$0x0], $0xffff  }
0x80: {  	v21 =	vmul.f32 $1.442695020e+00, v21;
	v25 =	vld.idx.msk [tilespmem:v7+s14+$0x0], $0xffff  }
0x81: {  	v20 =	vand.u32 $0xFFFF, v20;
	v31 =	vld.idx.msk [tilespmem:v36+s2+$0x0], $0xffff  }
0x82: {  	v23 =	vld.idx.msk [tilespmem:v23+s2+$0x0], $0xffff  }
0x83: {  	v33 =	vld.idx.msk [tilespmem:v12+s14+$0x0], $0xffff  }
0x84: {  	v34 =	vld.idx.msk [tilespmem:v14+s14+$0x0], $0xffff  }
0x85: {  	v30 =	vadd.f32 v30, v9;
	v32 =	vld.idx.msk [tilespmem:v32+s2+$0x0], $0xffff  }
0x86: {  	v36 =	vld.idx.msk [tilespmem:v10+s14+$0x0], $0xffff  }
0x87: {  	v29 =	vadd.f32 v29, v31;
	v31 =	vmul.f32 $2.000000030e-01, v30;
	v28 =	vld.idx.msk [tilespmem:v28+s2+$0x0], $0xffff  }
0x88: {  	v9 =	vshrl.u32 v19, $0x10;
	vm0 =	vge.f32 v30, $0.0e+00;
	v22 =	vld.idx.msk [tilespmem:v22+s2+$0x0], $0xffff;
	(erf) = vpow2.f32 v21  }
0x89: {  	v23 =	vadd.f32 v33, v23;
	v33 =	vmul.f32 $2.000000030e-01, v29;
	v30 =	vsel vm0, v30, v31;
	v21 =	vld.idx.msk [tilespmem:v5+s14+$0x0], $0xffff  }
0x8a: {  	v19 =	vand.u32 $0xFFFF, v19;
	vm0 =	vge.f32 v29, $0.0e+00;
	v30 =	vmul.f32 $1.442695020e+00, v30;
	v31 =	vld.idx.msk [tilespmem:v11+s14+$0x0], $0xffff  }
0x8b: {  	v32 =	vadd.f32 v34, v32;
	v34 =	vmul.f32 $2.000000030e-01, v23;
	v29 =	vsel vm0, v29, v33;
	v26 =	vld.idx.msk [tilespmem:v26+s2+$0x0], $0xffff  }
0x8c: {  	vm0 =	vge.f32 v23, $0.0e+00;
	v29 =	vmul.f32 $1.442695020e+00, v29;
	v33 =	vld.idx.msk [tilespmem:v38+s2+$0x0], $0xffff;
	(erf) = vpow2.f32 v30  }
0x8d: {  	v38 =	vmul.f32 $2.000000030e-01, v32;
	v23 =	vsel vm0, v23, v34;
	v30 =	vld.idx.msk [tilespmem:v8+s14+$0x0], $0xffff  }
0x8e: {  	vm0 =	vge.f32 v32, $0.0e+00;
	v23 =	vmul.f32 $1.442695020e+00, v23;
	v34 =	vld.idx.msk [tilespmem:v4+s14+$0x0], $0xffff;
	(erf) = vpow2.f32 v29  }
0x8f: {  	v28 =	vadd.f32 v36, v28;
	v21 =	vadd.f32 v21, v22;
	v40 =	vld.idx.msk [tilespmem:v20+s2+$0x0], $0xffff;
	v20 =	vsel vm0, v32, v38  }
0x90: {  	v36 =	vld.idx.msk [tilespmem:v19+s2+$0x0], $0xffff;
	v19 =	vmul.f32 $1.442695020e+00, v20;
	(erf) = vpow2.f32 v23  }
0x91: {  	v20 =	vadd.f32 v31, v26;
	vm0 =	vge.f32 v21, $0.0e+00;
	v23 =	vmul.f32 $2.000000030e-01, v21;
	v38 =	vld.idx.msk [tilespmem:v9+s14+$0x0], $0xffff;
	v29 =	vpop (erf)  }
0x92: {  	v22 =	vadd.f32 v25, v35;
	v31 =	vmul.f32 $2.000000030e-01, v28;
	v26 =	vld.idx.msk [tilespmem:v27+s2+$0x0], $0xffff;
	[tilespmem:s28+$0x60] =	vst v29;
	(erf) = vpow2.f32 v19  }
.Ltmp1:
0x93: {  	vm1 =	vge.f32 v20, $0.0e+00;
	v23 =	vsel vm0, v21, v23;
	vm0 =	vge.f32 v28, $0.0e+00;
	[tilespmem:v16+s16+$0x0] =	vst.idx.add.f32.msk $0xffff, v29;
	(pc) =	sbr.rel @p0 .LBB2_4-.Ltmp1, $4  }
0x94: {  	vm2 =	vge.f32 v22, $0.0e+00;
	v16 =	vadd.f32 v34, v33;
	v19 =	vsel vm0, v28, v31;
	v29 =	vld.idx.msk [tilespmem:v17+s2+$0x0], $0xffff  }
0x95: {  	v21 =	vadd.f32 v39, v37;
	v25 =	vadd.f32 v30, v40;
	v28 =	vmul.f32 $1.442695020e+00, v19;
	v30 =	vld.idx.msk [tilespmem:v3+s14+$0x0], $0xffff;
	v33 =	vpop (erf)  }
0x96: {  	v32 =	vmul.f32 $2.000000030e-01, v22;
	vm0 =	vge.f32 v16, $0.0e+00;
	v19 =	vmul.f32 $2.000000030e-01, v16;
	v17 =	vld.idx.msk [tilespmem:v24+s2+$0x0], $0xffff;
	[tilespmem:s28+$0x50] =	vst v33  }
0x97: {  	s26 =	sadd.s32 $0x100, s26;
	v31 =	vmul.f32 $2.000000030e-01, v20;
	v27 =	vmul.f32 $2.000000030e-01, v21;
	v24 =	vadd.f32 v38, v36;
	[tilespmem:v18+s16+$0x0] =	vst.idx.add.f32.msk $0xffff, v33;
	v18 =	vpop (erf)  }
0x98: {  	_ =	sdelay $0x1  }
0x99: {  	v22 =	vsel vm2, v22, v32;
	(erf) = vpow2.f32 v28;
	v26 =	vadd.f32 v30, v26  }
0x9a: {  	v22 =	vmul.f32 $1.442695020e+00, v22;
	v15 =	vadd.f32 v15, v29;
	v20 =	vsel vm1, v20, v31  }
0x9b: {  	v20 =	vmul.f32 $1.442695020e+00, v20;
	v47 =	vmul.f32 $2.000000030e-01, v26  }
0x9c: {  	(erf) = vpow2.f32 v22;
	v48 =	vmul.f32 $2.000000030e-01, v15;
	vm9 =	vge.f32 v26, $0.0e+00  }
0x9d: {  	vm10 =	vge.f32 v15, $0.0e+00;
	v22 =	vsel vm9, v26, v47  }
0x9e: {  	[tilespmem:s24+$0x30] =	vst v18;
	(erf) = vpow2.f32 v20;
	v15 =	vsel vm10, v15, v48;
	v22 =	vmul.f32 $1.442695020e+00, v22  }
0x9f: {  	v49 =	vpop (erf);
	[tilespmem:v13+s16+$0x0] =	vst.idx.add.f32.msk $0xffff, v18;
	v15 =	vmul.f32 $1.442695020e+00, v15  }
0xa0: {  	v50 =	vmul.f32 $2.000000030e-01, v25;
	[tilespmem:s24+$0x10] =	vst v49;
	(erf) = vpow2.f32 v22  }
0xa1: {  	vm11 =	vge.f32 v25, $0.0e+00;
	v23 =	vmul.f32 $1.442695020e+00, v23;
	v51 =	vpop (erf);
	[tilespmem:v12+s16+$0x0] =	vst.idx.add.f32.msk $0xffff, v49;
	(erf) = vpow2.f32 v15  }
0xa2: {  	v52 =	vld.idx.msk [tilespmem:v6+s14+$0x0], $0xffff;
	v53 =	vmul.f32 $2.000000030e-01, v24;
	v13 =	vsel vm11, v25, v50;
	[tilespmem:s24+$0xFFFFFFF0] =	vst v51  }
0xa3: {  	v13 =	vmul.f32 $1.442695020e+00, v13;
	[tilespmem:v14+s16+$0x0] =	vst.idx.add.f32.msk $0xffff, v51;
	v54 =	vpop (erf);
	(erf) = vpow2.f32 v23  }
0xa4: {  	vm12 =	vge.f32 v24, $0.0e+00;
	[tilespmem:s24+$0xFFFFFFD0] =	vst v54  }
0xa5: {  	v56 =	vsel vm12, v24, v53;
	[tilespmem:v10+s16+$0x0] =	vst.idx.add.f32.msk $0xffff, v54;
	v55 =	vpop (erf);
	(erf) = vpow2.f32 v13  }
0xa6: {  	vm13 =	vge.f32 v21, $0.0e+00;
	v13 =	vmul.f32 $1.442695020e+00, v56;
	[tilespmem:s24+$0x40] =	vst v55  }
0xa7: {  	v57 =	vsel vm13, v21, v27;
	v17 =	vadd.f32 v52, v17;
	v10 =	vpop (erf);
	[tilespmem:v7+s16+$0x0] =	vst.idx.add.f32.msk $0xffff, v55  }
0xa8: {  	v7 =	vmul.f32 $1.442695020e+00, v57;
	(erf) = vpow2.f32 v13;
	[tilespmem:s24+$0xFFFFFFB0] =	vst v10  }
0xa9: {  	v59 =	vsel vm0, v16, v19;
	v58 =	vmul.f32 $2.000000030e-01, v17;
	[tilespmem:v11+s16+$0x0] =	vst.idx.add.f32.msk $0xffff, v10;
	v10 =	vpop (erf)  }
0xaa: {  	vm14 =	vge.f32 v17, $0.0e+00;
	(erf) = vpow2.f32 v7;
	v7 =	vmul.f32 $1.442695020e+00, v59;
	[tilespmem:s24+$0x0] =	vst v10;
	v60 =	vpop (erf)  }
0xab: {  	v11 =	vsel vm14, v17, v58;
	[tilespmem:s24+$0x70] =	vst v60  }
0xac: {  	v11 =	vmul.f32 $1.442695020e+00, v11;
	v61 =	vpop (erf);
	(erf) = vpow2.f32 v7;
	[tilespmem:v3+s16+$0x0] =	vst.idx.add.f32.msk $0xffff, v10  }
0xad: {  	[tilespmem:s24+$0xFFFFFFC0] =	vst v61  }
0xae: {  	[tilespmem:v2+s16+$0x0] =	vst.idx.add.f32.msk $0xffff, v60;
	v7 =	vpop (erf);
	(erf) = vpow2.f32 v11  }
0xaf: {  	[tilespmem:v5+s16+$0x0] =	vst.idx.add.f32.msk $0xffff, v61  }
0xb0: {  	[tilespmem:s24+$0xFFFFFF90] =	vst v7  }
0xb1: {  	v2 =	vpop (erf);
	[tilespmem:v8+s16+$0x0] =	vst.idx.add.f32.msk $0xffff, v7  }
0xb2: {  	[tilespmem:s24+$0xFFFFFF80] =	vst v2  }
0xb3: {  	[tilespmem:v9+s16+$0x0] =	vst.idx.add.f32.msk $0xffff, v2;
	v3 =	vpop (erf)  }
0xb4: {  	[tilespmem:s24+$0x20] =	vst v3  }
0xb5: {  	v2 =	vpop (erf);
	[tilespmem:v1+s16+$0x0] =	vst.idx.add.f32.msk $0xffff, v3  }
0xb6: {  	[tilespmem:s24+$0xFFFFFFA0] =	vst v2  }
0xb7: {  	v1 =	vpop (erf);
	[tilespmem:v4+s16+$0x0] =	vst.idx.add.f32.msk $0xffff, v2  }
0xb8: {  	[tilespmem:s24+$0xFFFFFFE0] =	vst v1  }
0xb9: {  	[tilespmem:v6+s16+$0x0] =	vst.idx.add.f32.msk $0xffff, v1  }
0xba: {  	v1 =	vld [tilespmem:$0x9F00];
	_ =	sdelay $0x4  }
0xbb: {  	v2 =	vand.u32 $0xFFFF, v1  }
0xbc: {  	v1 =	vshrl.u32 v1, $0x10;
	_ =	sdelay $0x2  }
0xbd: {  	s30 =	simm.s32 $0x0  }
0xbe: {  	v2 =	vld.idx.msk [tilespmem:v2+s30+$0x0], $0xffff  }
0xbf: {  	v3 =	vld.idx.msk [tilespmem:v1+s14+$0x0], $0xffff;
	_ =	sdelay $0x4  }
0xc0: {  	v2 =	vadd.f32 v3, v2;
	_ =	sdelay $0x1  }
0xc1: {  	v3 =	vmul.f32 $2.000000030e-01, v2  }
0xc2: {  	vm15 =	vge.f32 v2, $0.0e+00  }
0xc3: {  	v2 =	vsel vm15, v2, v3  }
0xc4: {  	v2 =	vmul.f32 $1.442695020e+00, v2;
	_ =	sdelay $0x1  }
0xc5: {  	(erf) = vpow2.f32 v2;
	_ =	sdelay $0x8  }
0xc6: {  	v2 =	vpop (erf)  }
0xc7: {  	[tilespmem:$0xC680] =	vst v2  }
0xc8: {  	s0 =	simm.s32 $0x9F80;
	[tilespmem:v1+s16+$0x0] =	vst.idx.add.f32.msk $0xffff, v2  }
0xc9: {  	[hbm4b:s6+s30] =	stream.linear.scatter [tilespmem:s0], [sflag:$0x1], $0x2710, $0x38;
	[tilespmem:$0x11980] =	vst v63  }
0xca: {  	_ =	swait.ge [sflag:s13], $0x2710  }
0xcb: {  	[sflag:s13] =	ssyncset.done $0x0  }
0xcc: {  	[sflag:s13] =	ssyncadd.s32 $0xFFFFD8F0  }
0xcd: {  	[spmem:s7] =	stream.strided.scatter [tilespmem:s16], [sflag:$0x1], $0x2800, s12, s11, $0x38;
	[tilespmem:$0x11980] =	vst v63  }
0xce: {  	_ =	swait.ge [sflag:s13], $0x2800  }
0xcf: {  	[sflag:s13] =	ssyncset.done $0x0  }
0xd0: {  	s18 =	simm.s32 $0x1400;
	[sflag:s13] =	ssyncadd.s32 $0xFFFFD800  }
0xd1: {  	s1 =	simm.s32 $0x14000;
	s15 =	simm.s32 $0xC700;
	[bflag:$0x0] =	sbarrier.arrive $0xFFFF  }
0xd2: {  	[tilespmem:s15], [sflag:$0x1] =	stream.strided.gather [spmem:s8], $0x2800, s1, s18, $0x38;
	[tilespmem:$0x11980] =	vst v63  }
0xd3: {  	s25 =	sand.u32 $0x60, s30;
	s15 =	sand.u32 $0x1C00, s30;
	_ =	swait.ge [sflag:s13], $0x2800  }
0xd4: {  	s31 =	sor.u32 $0x10, s25;
	s19 =	sadd.s32 $0xC700, s15;
	[sflag:s13] =	ssyncset.done $0x0  }
0xd5: {  	s20 =	sor.u32 s31, s19;
	[sflag:s13] =	ssyncadd.s32 $0xFFFFD800  }
0xd6: {  	s0 =	sor.u32 s25, s19;
	v1 =	vld [tilespmem:s20+$0x0]  }
0xd7: {  	v2 =	vld [tilespmem:s0+$0x0]  }
0xd8: {  	v3 =	vld [tilespmem:s20+$0x80]  }
0xd9: {  	v4 =	vld [tilespmem:s0+$0x80]  }
0xda: {  	v5 =	vld [tilespmem:s20+$0x100]  }
0xdb: {  	v6 =	vld [tilespmem:s0+$0x100]  }
0xdc: {  	v7 =	vld [tilespmem:s20+$0x180]  }
0xdd: {  	v8 =	vld [tilespmem:s0+$0x180]  }
0xde: {  	v9 =	vld [tilespmem:s20+$0x200]  }
0xdf: {  	v10 =	vld [tilespmem:s0+$0x200]  }
0xe0: {  	v11 =	vld [tilespmem:s20+$0x280]  }
0xe1: {  	v62 =	vld [tilespmem:s0+$0x280]  }
0xe2: {  	v13 =	vld [tilespmem:s20+$0x300]  }
0xe3: {  	v63 =	vld [tilespmem:s0+$0x300]  }
0xe4: {  	s17 =	sadd.s32 $0xDB00, s15;
	v44 =	vld [tilespmem:s20+$0x380]  }
0xe5: {  	s21 =	sor.u32 s31, s17;
	v45 =	vld [tilespmem:s0+$0x380]  }
0xe6: {  	s26 =	sadd.s32 $0xDB80, s15;
	s24 =	sor.u32 s25, s17;
	v46 =	vld [tilespmem:s21+$0x0]  }
0xe7: {  	s18 =	sor.u32 s31, s26;
	v47 =	vld [tilespmem:s24+$0x0]  }
0xe8: {  	s19 =	sor.u32 s25, s26;
	s26 =	sadd.s32 $0xDC80, s15;
	v48 =	vld [tilespmem:s18+$0x0]  }
0xe9: {  	v49 =	vld [tilespmem:s19+$0x0];
	s18 =	sor.u32 s31, s26  }
0xea: {  	s20 =	sadd.s32 $0xDC00, s15;
	s19 =	sor.u32 s25, s26;
	v52 =	vld [tilespmem:s18+$0x0]  }
0xeb: {  	s21 =	sor.u32 s31, s20;
	v53 =	vld [tilespmem:s19+$0x0]  }
0xec: {  	s26 =	sadd.s32 $0xDD80, s15;
	s24 =	sor.u32 s25, s20;
	v50 =	vld [tilespmem:s21+$0x0]  }
0xed: {  	s1 =	sor.u32 s31, s26;
	v51 =	vld [tilespmem:s24+$0x0]  }
0xee: {  	s20 =	sadd.s32 $0xDD00, s15;
	s17 =	sor.u32 s25, s26;
	v56 =	vld [tilespmem:s1+$0x0]  }
0xef: {  	s21 =	sor.u32 s31, s20;
	v57 =	vld [tilespmem:s17+$0x0]  }
0xf0: {  	s0 =	simm.s32 $0x20;
	s18 =	sadd.s32 $0xDE00, s15;
	s24 =	sor.u32 s25, s20;
	v54 =	vld [tilespmem:s21+$0x0]  }
0xf1: {  	s26 =	simm.s32 $0x100;
	s19 =	sor.u32 s25, s18;
	s20 =	sor.u32 s31, s18;
	v55 =	vld [tilespmem:s24+$0x0]  }
0xf2: {  	s1 =	sand.u32 $0x60, s0;
	s18 =	sadd.s32 $0xDE80, s15;
	s17 =	sand.u32 $0x1C00, s26;
	v58 =	vld [tilespmem:s20+$0x0]  }
0xf3: {  	v59 =	vld [tilespmem:s19+$0x0];
	s21 =	sor.u32 s31, s18;
	s26 =	sadd.s32 $0xC700, s17;
	s15 =	sor.u32 $0x10, s1  }
0xf4: {  	v60 =	vld [tilespmem:s21+$0x0];
	s19 =	sor.u32 s15, s26  }
0xf5: {  	s26 =	sor.u32 s1, s26;
	v61 =	vld [tilespmem:s19+$0x0]  }
0xf6: {  	v33 =	vld [tilespmem:s26+$0x0]  }
0xf7: {  	v34 =	vld [tilespmem:s19+$0x80]  }
0xf8: {  	v35 =	vld [tilespmem:s26+$0x80]  }
0xf9: {  	v36 =	vld [tilespmem:s19+$0x100]  }
0xfa: {  	v37 =	vld [tilespmem:s26+$0x100]  }
0xfb: {  	v38 =	vld [tilespmem:s19+$0x180];
	v1 =	vadd.f32 $0.0e+00, v1  }
0xfc: {  	v2 =	vadd.f32 $0.0e+00, v2;
	v39 =	vld [tilespmem:s26+$0x180]  }
0xfd: {  	v40 =	vld [tilespmem:s19+$0x200];
	v1 =	vadd.f32 v3, v1  }
0xfe: {  	v2 =	vadd.f32 v4, v2;
	v3 =	vld [tilespmem:s26+$0x200]  }
0xff: {  	v4 =	vld [tilespmem:s19+$0x280];
	v1 =	vadd.f32 v5, v1  }
0x100: {  	v2 =	vadd.f32 v6, v2;
	v5 =	vld [tilespmem:s26+$0x280]  }
0x101: {  	v6 =	vld [tilespmem:s19+$0x300];
	v1 =	vadd.f32 v7, v1  }
0x102: {  	v2 =	vadd.f32 v8, v2;
	v7 =	vld [tilespmem:s26+$0x300]  }
0x103: {  	s28 =	sadd.s32 $0xDB00, s17;
	v8 =	vld [tilespmem:s19+$0x380];
	v1 =	vadd.f32 v9, v1  }
0x104: {  	s20 =	sor.u32 s15, s28;
	v2 =	vadd.f32 v10, v2;
	v9 =	vld [tilespmem:s26+$0x380]  }
0x105: {  	s21 =	sor.u32 s1, s28;
	s28 =	sadd.s32 $0xDB80, s17;
	v10 =	vld [tilespmem:s20+$0x0];
	v1 =	vadd.f32 v11, v1  }
0x106: {  	s19 =	sor.u32 s1, s28;
	s26 =	sor.u32 s15, s28;
	s28 =	sadd.s32 $0xDC00, s17;
	v2 =	vadd.f32 v62, v2;
	v11 =	vld [tilespmem:s21+$0x0]  }
0x107: {  	s20 =	sor.u32 s15, s28;
	v62 =	vld [tilespmem:s26+$0x0];
	v1 =	vadd.f32 v13, v1  }
0x108: {  	s21 =	sor.u32 s1, s28;
	v41 =	vld [tilespmem:s20+$0x0];
	v2 =	vadd.f32 v63, v2  }
0x109: {  	s28 =	sadd.s32 $0xDC80, s17;
	v42 =	vld [tilespmem:s21+$0x0];
	v1 =	vadd.f32 v44, v1  }
0x10a: {  	s26 =	sor.u32 s15, s28;
	v63 =	vld [tilespmem:s19+$0x0];
	v2 =	vadd.f32 v45, v2  }
0x10b: {  	s19 =	sor.u32 s1, s28;
	s28 =	sadd.s32 $0xDD00, s17;
	v43 =	vld [tilespmem:s26+$0x0];
	v1 =	vadd.f32 v46, v1  }
0x10c: {  	s20 =	sor.u32 s15, s28;
	v44 =	vld [tilespmem:s19+$0x0];
	v2 =	vadd.f32 v47, v2  }
0x10d: {  	s21 =	sor.u32 s1, s28;
	s28 =	sadd.s32 $0xDD80, s17;
	v45 =	vld [tilespmem:s20+$0x0];
	v1 =	vadd.f32 v48, v1  }
0x10e: {  	s24 =	simm.s32 $0x40;
	s26 =	sor.u32 s15, s28;
	v46 =	vld [tilespmem:s21+$0x0];
	v2 =	vadd.f32 v49, v2  }
0x10f: {  	s18 =	sor.u32 s25, s18;
	s19 =	sor.u32 s1, s28;
	s28 =	sadd.s32 $0xDE00, s17;
	v47 =	vadd.f32 $0.0e+00, v61;
	v48 =	vld [tilespmem:s26+$0x0];
	v1 =	vadd.f32 v50, v1  }
0x110: {  	s20 =	sor.u32 s15, s28;
	v49 =	vld [tilespmem:s19+$0x0];
	s19 =	sor.u32 s1, s28;
	s28 =	simm.s32 $0x200;
	v2 =	vadd.f32 v51, v2;
	v50 =	vadd.f32 $0.0e+00, v33  }
0x111: {  	s17 =	sadd.s32 $0xDE80, s17;
	v20 =	vadd.f32 v34, v47;
	s26 =	sand.u32 $0x60, s24;
	s29 =	sand.u32 $0x1C00, s28;
	v51 =	vld [tilespmem:s20+$0x0];
	v1 =	vadd.f32 v52, v1  }
0x112: {  	s21 =	sor.u32 s15, s17;
	s25 =	sor.u32 $0x10, s26;
	s20 =	sadd.s32 $0xC700, s29;
	v2 =	vadd.f32 v53, v2;
	v52 =	vld [tilespmem:s19+$0x0];
	v22 =	vadd.f32 v35, v50  }
0x113: {  	v20 =	vadd.f32 v36, v20;
	v53 =	vld [tilespmem:s21+$0x0];
	s19 =	sor.u32 s25, s20;
	v1 =	vadd.f32 v54, v1  }
0x114: {  	s20 =	sor.u32 s26, s20;
	v2 =	vadd.f32 v55, v2;
	v22 =	vadd.f32 v37, v22;
	v55 =	vld [tilespmem:s19+$0x0]  }
0x115: {  	v20 =	vadd.f32 v38, v20;
	v61 =	vld [tilespmem:s20+$0x180];
	v1 =	vadd.f32 v56, v1  }
0x116: {  	v2 =	vadd.f32 v57, v2;
	v56 =	vld [tilespmem:s20+$0x0];
	v22 =	vadd.f32 v39, v22  }
0x117: {  	v20 =	vadd.f32 v40, v20;
	v57 =	vld [tilespmem:s19+$0x80];
	v1 =	vadd.f32 v58, v1  }
0x118: {  	v58 =	vadd.f32 v59, v2;
	v2 =	vld [tilespmem:s20+$0x80];
	v3 =	vadd.f32 v3, v22  }
0x119: {  	v4 =	vadd.f32 v4, v20;
	v59 =	vld [tilespmem:s19+$0x100];
	v26 =	vadd.f32 $0.0e+00, v55  }
0x11a: {  	v1 =	vadd.f32 v60, v1;
	v60 =	vld [tilespmem:s20+$0x100];
	v3 =	vadd.f32 v5, v3  }
0x11b: {  	v4 =	vadd.f32 v6, v4;
	v5 =	vld [tilespmem:s19+$0x180];
	v6 =	vadd.f32 $0.0e+00, v56  }
0x11c: {  	v54 =	vld [tilespmem:s18+$0x0];
	v26 =	vadd.f32 v57, v26;
	v3 =	vadd.f32 v7, v3  }
0x11d: {  	v4 =	vadd.f32 v8, v4;
	v7 =	vld [tilespmem:s19+$0x200];
	v2 =	vadd.f32 v2, v6  }
0x11e: {  	v6 =	vld [tilespmem:s20+$0x200];
	v8 =	vadd.f32 v59, v26;
	v3 =	vadd.f32 v9, v3  }
0x11f: {  	v4 =	vadd.f32 v10, v4;
	v9 =	vld [tilespmem:s19+$0x280];
	v2 =	vadd.f32 v60, v2  }
0x120: {  	v10 =	vld [tilespmem:s20+$0x280];
	v5 =	vadd.f32 v5, v8;
	v3 =	vadd.f32 v11, v3  }
0x121: {  	v4 =	vadd.f32 v62, v4;
	v8 =	vld [tilespmem:s19+$0x300];
	v2 =	vadd.f32 v61, v2  }
0x122: {  	v11 =	vld [tilespmem:s20+$0x300];
	v5 =	vadd.f32 v7, v5;
	v3 =	vadd.f32 v63, v3  }
0x123: {  	s21 =	sadd.s32 $0xDB00, s29;
	v4 =	vadd.f32 v41, v4;
	v7 =	vld [tilespmem:s19+$0x380];
	v2 =	vadd.f32 v6, v2  }
0x124: {  	s19 =	sor.u32 s25, s21;
	v6 =	vld [tilespmem:s20+$0x380];
	v5 =	vadd.f32 v9, v5;
	v3 =	vadd.f32 v42, v3  }
0x125: {  	v4 =	vadd.f32 v43, v4;
	s20 =	sor.u32 s26, s21;
	s21 =	sadd.s32 $0xDB80, s29;
	v9 =	vld [tilespmem:s19+$0x0];
	v2 =	vadd.f32 v10, v2  }
0x126: {  	s19 =	sor.u32 s25, s21;
	v10 =	vld [tilespmem:s20+$0x0];
	v5 =	vadd.f32 v8, v5;
	v3 =	vadd.f32 v44, v3  }
0x127: {  	v4 =	vadd.f32 v45, v4;
	s20 =	sor.u32 s26, s21;
	s21 =	sadd.s32 $0xDC00, s29;
	v8 =	vld [tilespmem:s19+$0x0];
	v2 =	vadd.f32 v11, v2  }
0x128: {  	s19 =	sor.u32 s25, s21;
	v11 =	vld [tilespmem:s20+$0x0];
	v5 =	vadd.f32 v7, v5;
	v3 =	vadd.f32 v46, v3  }
0x129: {  	v4 =	vadd.f32 v48, v4;
	s20 =	sor.u32 s26, s21;
	s21 =	sadd.s32 $0xDC80, s29;
	v7 =	vld [tilespmem:s19+$0x0];
	v2 =	vadd.f32 v6, v2  }
0x12a: {  	v62 =	vld [tilespmem:s20+$0x0];
	s18 =	sor.u32 s25, s21;
	v5 =	vadd.f32 v9, v5;
	v6 =	vadd.f32 v49, v3  }
0x12b: {  	s19 =	sand.u32 $0x380, s30;
	s20 =	sor.u32 s26, s21;
	s21 =	sadd.s32 $0xDD00, s29;
	v9 =	vld [tilespmem:s18+$0x0];
	v3 =	vadd.f32 v51, v4;
	v10 =	vadd.f32 v10, v2  }
0x12c: {  	s0 =	sand.u32 $0x380, s0;
	s18 =	sor.u32 s31, s19;
	s19 =	sor.u32 s25, s21;
	v2 =	vld [tilespmem:s20+$0x0];
	v5 =	vadd.f32 v8, v5  }
0x12d: {  	s15 =	sor.u32 s15, s0;
	v4 =	vld [tilespmem:s19+$0x0];
	s20 =	sor.u32 s26, s21;
	s21 =	sadd.s32 $0xDD80, s29;
	v8 =	vadd.f32 v53, v3;
	v10 =	vadd.f32 v11, v10  }
0x12e: {  	s0 =	sor.u32 s1, s17;
	s1 =	simm.s32 $0x60;
	v63 =	vadd.f32 v54, v58;
	[tilespmem:s18+$0xEF00] =	vst v1;
	v3 =	vld [tilespmem:s20+$0x0];
	s19 =	sor.u32 s25, s21;
	v7 =	vadd.f32 v7, v5  }
0x12f: {  	s30 =	simm.s32 $0xEF00;
	v1 =	vadd.f32 v52, v6;
	s20 =	sor.u32 s26, s21;
	s21 =	sadd.s32 $0xDE00, s29;
	v6 =	vld [tilespmem:s19+$0x0];
	[tilespmem:s15+$0xEF00] =	vst v8;
	v8 =	vadd.f32 v62, v10  }
0x130: {  	[tilespmem:s30+$0x0] =	vst v63;
	s31 =	simm.s32 $0x4;
	v5 =	vld [tilespmem:s20+$0x0];
	s17 =	sor.u32 s25, s21;
	s15 =	sor.u32 s26, s21;
	v7 =	vadd.f32 v9, v7  }
.LBB2_6:
0x131: {  	s18 =	sand.u32 $0x60, s1;
	v2 =	vadd.f32 v2, v8;
	s19 =	sadd.s32 $0xDE80, s29;
	v8 =	vld [tilespmem:s17+$0x0];
	s28 =	sadd.s32 $0x100, s28  }
0x132: {  	s31 =	sadd.s32 $0x2, s31;
	s29 =	sand.u32 $0x1C00, s28;
	v9 =	vld [tilespmem:s15+$0x0];
	v4 =	vadd.f32 v4, v7;
	s15 =	sor.u32 s25, s19  }
0x133: {  	s20 =	sor.u32 $0x10, s18;
	p0 =	slt.u32 s31, $0x26;
	s17 =	sadd.s32 $0xC700, s29;
	v2 =	vadd.f32 v3, v2;
	v3 =	vld [tilespmem:s15+$0x0]  }
0x134: {  	s15 =	sor.u32 s18, s17;
	s17 =	sor.u32 s20, s17;
	v4 =	vadd.f32 v6, v4;
	v6 =	vld [tilespmem:s0+$0x0];
	s0 =	sor.u32 s26, s19  }
0x135: {  	s26 =	smov.u32 s18;
	v7 =	vld [tilespmem:s17+$0x0];
	v2 =	vadd.f32 v5, v2  }
0x136: {  	v5 =	vld [tilespmem:s15+$0x0];
	v4 =	vadd.f32 v8, v4  }
0x137: {  	v8 =	vld [tilespmem:s17+$0x80];
	v2 =	vadd.f32 v9, v2  }
0x138: {  	s18 =	sand.u32 $0x380, s24;
	s24 =	smov.u32 s1;
	v9 =	vld [tilespmem:s15+$0x80];
	v3 =	vadd.f32 v3, v4  }
0x139: {  	s18 =	sor.u32 s25, s18;
	s25 =	smov.u32 s20;
	v4 =	vld [tilespmem:s17+$0x100];
	v6 =	vadd.f32 v6, v1;
	v1 =	vmov v2  }
0x13a: {  	s30 =	sadd.s32 $0x20, s30;
	v2 =	vld [tilespmem:s15+$0x100];
	v7 =	vadd.f32 $0.0e+00, v7;
	[tilespmem:s18+$0xEF00] =	vst v3  }
0x13b: {  	v3 =	vadd.f32 $0.0e+00, v5;
	v5 =	vld [tilespmem:s17+$0x180];
	[tilespmem:s30+$0x0] =	vst v6  }
0x13c: {  	v6 =	vld [tilespmem:s15+$0x180];
	v7 =	vadd.f32 v8, v7  }
0x13d: {  	v3 =	vadd.f32 v9, v3;
	v8 =	vld [tilespmem:s17+$0x200]  }
0x13e: {  	v9 =	vld [tilespmem:s15+$0x200];
	v4 =	vadd.f32 v4, v7  }
0x13f: {  	v2 =	vadd.f32 v2, v3;
	v3 =	vld [tilespmem:s17+$0x280]  }
0x140: {  	v7 =	vld [tilespmem:s15+$0x280];
	v4 =	vadd.f32 v5, v4  }
0x141: {  	v2 =	vadd.f32 v6, v2;
	v5 =	vld [tilespmem:s17+$0x300]  }
0x142: {  	v6 =	vld [tilespmem:s15+$0x300];
	v4 =	vadd.f32 v8, v4  }
0x143: {  	s18 =	sadd.s32 $0xDB00, s29;
	v2 =	vadd.f32 v9, v2;
	v8 =	vld [tilespmem:s17+$0x380]  }
0x144: {  	s17 =	sor.u32 s25, s18;
	v9 =	vld [tilespmem:s15+$0x380];
	s15 =	sor.u32 s26, s18;
	v3 =	vadd.f32 v3, v4  }
0x145: {  	s18 =	sadd.s32 $0xDB80, s29;
	v2 =	vadd.f32 v7, v2;
	v4 =	vld [tilespmem:s17+$0x0]  }
0x146: {  	s17 =	sor.u32 s25, s18;
	v7 =	vld [tilespmem:s15+$0x0];
	s15 =	sor.u32 s26, s18;
	v3 =	vadd.f32 v5, v3  }
0x147: {  	s18 =	sadd.s32 $0xDC00, s29;
	v2 =	vadd.f32 v6, v2;
	v5 =	vld [tilespmem:s17+$0x0]  }
0x148: {  	s17 =	sor.u32 s25, s18;
	v6 =	vld [tilespmem:s15+$0x0];
	s15 =	sor.u32 s26, s18;
	v3 =	vadd.f32 v8, v3  }
0x149: {  	s18 =	sadd.s32 $0xDC80, s29;
	v2 =	vadd.f32 v9, v2;
	v8 =	vld [tilespmem:s17+$0x0]  }
0x14a: {  	s17 =	sor.u32 s25, s18;
	v9 =	vld [tilespmem:s15+$0x0];
	s15 =	sor.u32 s26, s18;
	v3 =	vadd.f32 v4, v3  }
0x14b: {  	s18 =	sadd.s32 $0xDD00, s29;
	v4 =	vadd.f32 v7, v2;
	v7 =	vld [tilespmem:s17+$0x0]  }
.Ltmp2:
0x14c: {  	s17 =	sor.u32 s25, s18;
	v2 =	vld [tilespmem:s15+$0x0];
	s15 =	sor.u32 s26, s18;
	v5 =	vadd.f32 v5, v3;
	(pc) =	sbr.rel @p0 .LBB2_6-.Ltmp2, $4  }
0x14d: {  	s18 =	sadd.s32 $0xDD80, s29;
	v6 =	vadd.f32 v6, v4;
	v4 =	vld [tilespmem:s17+$0x0]  }
0x14e: {  	s17 =	sor.u32 s25, s18;
	v3 =	vld [tilespmem:s15+$0x0];
	s15 =	sor.u32 s26, s18;
	v10 =	vadd.f32 v8, v5  }
0x14f: {  	s18 =	sadd.s32 $0xDE00, s29;
	v8 =	vadd.f32 v9, v6;
	v6 =	vld [tilespmem:s17+$0x0]  }
0x150: {  	s1 =	sadd.s32 $0x20, s1;
	s17 =	sor.u32 s25, s18;
	v5 =	vld [tilespmem:s15+$0x0];
	s15 =	sor.u32 s26, s18;
	v7 =	vadd.f32 v7, v10  }
0x151: {  	v9 =	vld [tilespmem:s17+$0x0]  }
0x152: {  	s1 =	sadd.s32 $0xDE80, s29;
	v2 =	vadd.f32 v2, v8;
	v60 =	vld [tilespmem:s15+$0x0]  }
0x153: {  	v62 =	vld [tilespmem:s0+$0x0];
	v4 =	vadd.f32 v4, v7;
	s28 =	sor.u32 s25, s1  }
0x154: {  	s1 =	sor.u32 s26, s1;
	v61 =	vld [tilespmem:s28+$0x0];
	v2 =	vadd.f32 v3, v2  }
0x155: {  	v63 =	vld [tilespmem:s1+$0x0];
	v3 =	vadd.f32 v6, v4  }
0x156: {  	v2 =	vadd.f32 v5, v2  }
0x157: {  	v3 =	vadd.f32 v9, v3  }
0x158: {  	v1 =	vadd.f32 v62, v1;
	v2 =	vadd.f32 v60, v2  }
0x159: {  	s29 =	sand.u32 $0x380, s24;
	s30 =	sadd.s32 $0x20, s30;
	v3 =	vadd.f32 v61, v3  }
0x15a: {  	s23 =	sadd.s32 $0x1, s23;
	s0 =	sor.u32 s25, s29;
	[tilespmem:s30+$0x0] =	vst v1;
	v2 =	vadd.f32 v63, v2  }
0x15b: {  	p0 =	sne.s32 s23, s10;
	[tilespmem:s0+$0xEF00] =	vst v3;
	s0 =	sadd.s32 $0x20, s30  }
.Ltmp3:
0x15c: {  	s31 =	simm.s32 $0x100;
	[tilespmem:s0+$0x0] =	vst v2;
	(pc) =	sbr.rel @p0 .LBB2_1-.Ltmp3, $4  }
0x15d: {  	[hbm4b:s9+s11] =	stream.strided.scatter [tilespmem:s22], [sflag:$0x1], $0x280, s31, s11, $0x38;
	[tilespmem:$0x11980] =	vst v63  }
0x15e: {  	_ =	swait.ge [sflag:s13], $0x280  }
0x15f: {  	[sflag:s13] =	ssyncset.done $0x0  }
0x160: {  	[sflag:s13] =	ssyncadd.s32 $0xFFFFFD80  }
0x161: {  	_ =	sfence.sel $0x180000  }
0x162: {  	[bflag:$0x0] =	sbarrier.arrive $0xFFFF  }
0x163: {  	_ =	strace $0x90000047  }
0x164: {  	s0 =	stileid.u32;
	[bflag:$0x2] =	sbarrier.arrive $0xFFFF  }
0x165: {  	p0 =	sne.s32 s0, $0x0;
	s0 =	rddreg [dreg:$0x3]  }
0x166: {  	s0 =	sadd.s32 @!p0 $0x100000, s0  }
0x167: {  	[sflag:s0] =	ssyncadd.tile.s32 @!p0 $0x1;
	_ =	shalt  }
.Lfunc_end2:
_tile_overlayer_lowered:
.L_overlay_start_2:
0x168: {  	(tag) =	ssettag $0x2  }
0x169: {  	s0 =	rddreg [dreg:$0x0];
	s2 =	stileid.u32  }
0x16a: {  	s1 =	rddreg [dreg:$0x1];
	p0 =	sne.s32 s2, $0x0  }
0x16b: {  	s3 =	rddreg [dreg:$0x2];
	[bflag:$0x3] =	sbarrier.arrive $0xFFFF;
	s2 =	simm.s32 @!p0 $0x1C01  }
0x16c: {  	[timem:s3], [sflag:s2] =	dma.local @!p0 [hbm:s0], s1  }
0x16d: {  	s0 =	simm.s32 @!p0 $0x1  }
0x16e: {  	_ =	swait.ge @!p0 [sflag:s0], s1  }
0x16f: {  	s1 =	ssub.s32 @!p0 $0x0, s1;
	[sflag:s0] =	ssyncset.done @!p0 $0x0  }
0x170: {  	[sflag:s0] =	ssyncadd.s32 @!p0 s1  }
0x171: {  	[bflag:$0x3] =	sbarrier.arrive $0xFFFF  }
0x172: {  	_ =	shalt  }

// kernel: kernel.8.cloned.1.call-start
scs
__scs_entry_jumppad:
0x0: {  	(pc) =	sbr.rel $0x88, $3  }
0x1: {  	(tag) =	ssettag $0x0;
	lr =	simm.s32 $0x1  }
0x2: {  	[smem:$0x3F9B] =	sst lr;
	_ =	strace $0xD0000000  }
0x3: {  	_ = 	snop  }
0x4: {  	_ = 	snop  }
0x5: {  	_ = 	snop  }
0x6: {  	_ = 	snop  }
0x7: {  	_ = 	snop  }
__scs_overlays_trampoline_lowered:
0x8: {  	[smem:$0x3FAA] =	sst s0  }
0x9: {  	[smem:$0x3FAB] =	sst s1  }
0xa: {  	[smem:$0x3FAC] =	sst s2  }
0xb: {  	[smem:$0x3FAD] =	sst s3  }
0xc: {  	[smem:$0x3FAE] =	sst s4  }
0xd: {  	[smem:$0x3FAF] =	sst s5  }
0xe: {  	[smem:$0x3FB0] =	sst s6  }
0xf: {  	[smem:$0x3FB1] =	sst s7  }
0x10: {  	[smem:$0x3FB2] =	sst s8  }
0x11: {  	[smem:$0x3FB3] =	sst s9;
	s0 =	simm.s32 @!p0 $0x0  }
0x12: {  	s1 =	sld [smem:$0x3F99];
	s0 =	simm.s32 @p0 $0x1  }
0x13: {  	[smem:$0x3FB4] =	sst s0;
	s0 =	simm.s32 @!p1 $0x0  }
0x14: {  	s2 =	sld [smem:$0x3F98];
	s0 =	simm.s32 @p1 $0x1  }
0x15: {  	[smem:$0x3FB5] =	sst s0;
	s0 =	simm.s32 @!p2 $0x0  }
0x16: {  	s3 =	sld [smem:$0x3FDB];
	s0 =	simm.s32 @p2 $0x1  }
0x17: {  	s4 =	simm.s32 $0x1BF5;
	[smem:$0x3FB7] =	sst s0  }
0x18: {  	s0 =	sld [smem:$0x3F9A];
	_ =	swait.ge [sflag:s4], $0x0  }
0x19: {  	s7 =	sld [smem:$0x3F9B]  }
0x1a: {  	s8 =	sadd.s32 $0xFFFFE003, lr  }
0x1b: {  	s9 =	sadd.s32 $0xFFFFFEF7, lr;
	s5 =	simm.s32 $0xFFFFFFFF;
	p2 =	slt.u32 s8, $0xFFFFF086  }
0x1c: {  	p1 =	slt.u32 s9, $0xF7A;
	s5 =	simm.s32 @!p2 $0x0  }
0x1d: {  	s5 =	simm.s32 @p1 $0x1;
	p0 =	seq.s32 s7, s2  }
0x1e: {  	s7 =	smul.u32 @!p0 $0xF7A, s2;
	p2 =	seq.s32 @!p0 s5, $0x0  }
0x1f: {  	s9 =	smul.u32 $0xF7A, s1;
	s8 =	simm.s32 @!p0 $0x1BF5;
	p2 =	por !p2, p0  }
0x20: {  	[sflag:s8] =	ssyncset.s32 @!p0 $0xFFFFF086;
	s6 =	sadd.s32 @!p0 s3, s7;
	s7 =	simm.s32 @!p0 $0x108  }
0x21: {  	s3 =	sadd.s32 s3, s9;
	s6 =	sadd.s32 @!p0 $0x88, s6;
	s7 =	simm.s32 @p2 $0x1082  }
0x22: {  	[simem:s7], [sflag:s8] =	dma.local @!p0 [hbm:s6], $0xF7A  }
0x23: {  	s9 =	sor.u32 $0xD0000000, s2;
	s6 =	simm.s32 $0x108;
	_ =	swait.ge @!p0 [sflag:s8], $0x0  }
0x24: {  	s3 =	sadd.s32 $0x88, s3;
	s6 =	simm.s32 @!p1 $0x1082;
	[sflag:s4] =	ssyncset.s32 $0xFFFFF086  }
0x25: {  	[simem:s6], [sflag:s4] =	dma.local [hbm:s3], $0xF7A  }
0x26: {  	[smem:$0x3F9B] =	sst s1;
	(tag) =	ssettag s2;
	_ =	strace s9  }
0x27: {  	s1 =	sld [smem:$0x3FAB]  }
0x28: {  	s2 =	sld [smem:$0x3FAC]  }
0x29: {  	s4 =	sld [smem:$0x3FAE]  }
0x2a: {  	p0 =	seq.s32 s5, $0x0;
	s5 =	sld [smem:$0x3FAF]  }
0x2b: {  	s6 =	sld [smem:$0x3FB0]  }
0x2c: {  	s7 =	sld [smem:$0x3FB1]  }
0x2d: {  	s3 =	simm.s32 $0x108;
	s8 =	sld [smem:$0x3FB2]  }
0x2e: {  	s3 =	simm.s32 @!p0 $0x1082;
	s9 =	sld [smem:$0x3FB3]  }
0x2f: {  	lr =	sadd.s32 s0, s3;
	s0 =	sld [smem:$0x3FAA]  }
0x30: {  	s3 =	sld [smem:$0x3FAD]  }
0x31: {  	[smem:$0x3FB6] =	sst s10  }
0x32: {  	s10 =	sld [smem:$0x3FB4];
	_ =	sdelay $0x3  }
0x33: {  	p0 =	seq.s32 s10, $0x1;
	s10 =	sld [smem:$0x3FB6];
	_ =	sdelay $0x3  }
0x34: {  	[smem:$0x3FB6] =	sst s10  }
0x35: {  	s10 =	sld [smem:$0x3FB5];
	_ =	sdelay $0x3  }
0x36: {  	p1 =	seq.s32 s10, $0x1;
	s10 =	sld [smem:$0x3FB6];
	_ =	sdelay $0x3  }
0x37: {  	[smem:$0x3FB6] =	sst s10  }
0x38: {  	s10 =	sld [smem:$0x3FB7]  }
0x39: {  	_ = 	snop;
	(pc) =	sbr.ind lr, $3  }
0x3a: {  	_ = 	snop  }
0x3b: {  	_ = 	snop  }
0x3c: {  	p2 =	seq.s32 s10, $0x1;
	s10 =	sld [smem:$0x3FB6]  }
0x3d: {  	_ =	shalt  }
0x3e: {  	_ =	shalt  }
0x3f: {  	_ =	shalt  }
0x40: {  	_ =	shalt  }
0x41: {  	_ =	shalt  }
0x42: {  	_ =	shalt  }
0x43: {  	_ =	shalt  }
0x44: {  	_ =	shalt  }
0x45: {  	_ =	shalt  }
0x46: {  	_ =	shalt  }
0x47: {  	_ =	shalt  }
0x48: {  	_ =	shalt  }
0x49: {  	_ =	shalt  }
0x4a: {  	_ =	shalt  }
0x4b: {  	_ =	shalt  }
0x4c: {  	_ =	shalt  }
0x4d: {  	_ =	shalt  }
0x4e: {  	_ =	shalt  }
0x4f: {  	_ =	shalt  }
0x50: {  	_ =	shalt  }
0x51: {  	_ =	shalt  }
0x52: {  	_ =	shalt  }
0x53: {  	_ =	shalt  }
0x54: {  	_ =	shalt  }
0x55: {  	_ =	shalt  }
0x56: {  	_ =	shalt  }
0x57: {  	_ =	shalt  }
0x58: {  	_ =	shalt  }
0x59: {  	_ =	shalt  }
0x5a: {  	_ =	shalt  }
0x5b: {  	_ =	shalt  }
0x5c: {  	_ =	shalt  }
0x5d: {  	_ =	shalt  }
0x5e: {  	_ =	shalt  }
0x5f: {  	_ =	shalt  }
0x60: {  	_ =	shalt  }
0x61: {  	_ =	shalt  }
0x62: {  	_ =	shalt  }
0x63: {  	_ =	shalt  }
0x64: {  	_ =	shalt  }
0x65: {  	_ =	shalt  }
0x66: {  	_ =	shalt  }
0x67: {  	_ =	shalt  }
0x68: {  	_ =	shalt  }
0x69: {  	_ =	shalt  }
0x6a: {  	_ =	shalt  }
0x6b: {  	_ =	shalt  }
0x6c: {  	_ =	shalt  }
0x6d: {  	_ =	shalt  }
0x6e: {  	_ =	shalt  }
0x6f: {  	_ =	shalt  }
0x70: {  	_ =	shalt  }
0x71: {  	_ =	shalt  }
0x72: {  	_ =	shalt  }
0x73: {  	_ =	shalt  }
0x74: {  	_ =	shalt  }
0x75: {  	_ =	shalt  }
0x76: {  	_ =	shalt  }
0x77: {  	_ =	shalt  }
0x78: {  	_ =	shalt  }
0x79: {  	_ =	shalt  }
0x7a: {  	_ =	shalt  }
0x7b: {  	_ =	shalt  }
0x7c: {  	_ =	shalt  }
0x7d: {  	_ =	shalt  }
0x7e: {  	_ =	shalt  }
0x7f: {  	_ =	shalt  }
0x80: {  	_ =	shalt  }
0x81: {  	_ =	shalt  }
0x82: {  	_ =	shalt  }
0x83: {  	_ =	shalt  }
0x84: {  	_ =	shalt  }
0x85: {  	_ =	shalt  }
0x86: {  	_ =	shalt  }
0x87: {  	_ =	shalt  }
.Lfunc_end0:
.L_simem_size_0:
called_computation.1_lowered:
.L_overlay_start_0:
0x88: {  	s2 =	sld [smem:$0x3FD9]  }
0x89: {  	s3 =	sld [smem:$0x3FFE];
	_ =	sdelay $0x1  }
0x8a: {  	s1 =	srdreg.scid  }
0x8b: {  	s0 =	sand.u32 $0x1, s1  }
0x8c: {  	s17 =	sshll.u32 s0, $0xA;
	s2 =	sadd.s32 s3, s2  }
0x8d: {  	s2 =	sadd.s32 s2, s17  }
0x8e: {  	[smem:$0x3FC2] =	sst s2  }
0x8f: {  	_ = 	snop  }
0x90: {  	s2 =	sld [smem:$0x3FC4]  }
0x91: {  	s18 =	sld [smem:$0x3FD0];
	(tm) =	ssettm $0x1  }
0x92: {  	s4 =	sld [smem:$0x3FFB];
	_ =	sdelay $0x3  }
0x93: {  	_ =	strace s4  }
0x94: {  	s4 =	sld [smem:$0x3FFC];
	_ =	sdelay $0x3  }
0x95: {  	_ =	strace s4  }
0x96: {  	s4 =	sld [smem:$0x3FFD];
	_ =	sdelay $0x3  }
0x97: {  	_ =	strace s4  }
0x98: {  	_ =	strace $0x8FFFFFFF  }
0x99: {  	s19 =	sld [smem:$0x3FDB];
	_ =	sdelay $0x1  }
0x9a: {  	s5 =	simm.s32 $_scs_section_size  }
0x9b: {  	s6 =	simm.s32 $_size__tile_overlayer_lowered;
	s7 =	simm.s32 $_tile_overlayer_lowered  }
0x9c: {  	s22 =	simm.s32 $0x1BFF;
	s21 =	sshll.u32 s7, $0x1;
	s4 =	sadd.s32 s5, s19  }
0x9d: {  	s8 =	simm.s32 $0x0;
	s20 =	sshll.u32 s6, $0x1;
	s6 =	sadd.s32 s21, s4  }
0x9e: {  	[timem:s8], [sflag:s22] =	dma.local [hbm:s6], s20  }
0x9f: {  	_ =	swait.ge [sflag:s22], s20  }
0xa0: {  	s5 =	ssub.s32 $0x0, s20;
	[sflag:s22] =	ssyncset.done $0x0  }
0xa1: {  	[sflag:s22] =	ssyncadd.s32 s5;
	_ =	sdelay $0x1  }
0xa2: {  	s23 =	simm.s32 $0x1B8B  }
0xa3: {  	_ =	swait.ge [sflag:s23], $0x1  }
0xa4: {  	[sflag:s23] =	ssyncset.done $0x0  }
0xa5: {  	s25 =	simm.s32 $0x1B8E;
	s24 =	sld [smem:$0x3FFE];
	[sflag:s23] =	ssyncadd.s32 $0xFFFFFFFF  }
0xa6: {  	s26 =	simm.s32 $execute0_lowered;
	[smem:$0x3FD2] =	sst s25  }
0xa7: {  	s6 =	sshll.u32 s26, $0x1;
	_ =	strace $0x80000049;
	[dreg:$0x1] =	wrdreg $0xFFFFFFFF  }
0xa8: {  	s28 =	simm.s32 $_size_execute0_lowered;
	s4 =	sadd.s32 s4, s6;
	[dreg:$0x0] =	wrdreg $0x0  }
0xa9: {  	s6 =	sshll.u32 s28, $0x1;
	[dreg:$0x2] =	wrdreg s4  }
0xaa: {  	[dreg:$0x3] =	wrdreg s6  }
0xab: {  	[dreg:$0x4] =	wrdreg $0xC0  }
0xac: {  	_ =	task [dreg:s8], $0x5FFFF  }
0xad: {  	[dreg:$0x1] =	wrdreg $0xFFFFFFFF  }
0xae: {  	[dreg:$0x0] =	wrdreg $0x60  }
0xaf: {  	[dreg:$0x2] =	wrdreg s24  }
0xb0: {  	[dreg:$0x3] =	wrdreg s18  }
0xb1: {  	[dreg:$0x4] =	wrdreg s2  }
0xb2: {  	[dreg:$0x5] =	wrdreg $0x9  }
0xb3: {  	_ =	task.clear_ibuf [dreg:s8], $0x6FFFF;
	_ =	strace $0x90000049  }
0xb4: {  	s29 =	simm.s32 $0x9;
	_ =	strace $0x8000004B  }
0xb5: {  	_ =	swait.ge [sflag:s29], $0x1  }
0xb6: {  	[sflag:s29] =	ssyncadd.s32 $0xFFFFFFFF  }
0xb7: {  	_ =	strace $0x9000004B  }
0xb8: {  	_ =	sfence  }
0xb9: {  	s30 =	sld [smem:$0x0];
	_ =	sdelay $0x2  }
0xba: {  	s31 =	sshll.u32 s1, $0xD;
	s1 =	sshrl.u32 s1, $0x2  }
0xbb: {  	s3 =	sand.u32 $0x4000, s31;
	s1 =	sadd.s32 s1, s30  }
0xbc: {  	s0 =	sor.u32 s3, s0;
	s1 =	sshll.u32 s1, $0x11  }
0xbd: {  	s0 =	sor.u32 s1, s0  }
0xbe: {  	s0 =	sadd.s32 $0x8F2B, s0  }
0xbf: {  	[sflag:s0] =	ssyncadd.remote.s32 $0x1  }
0xc0: {  	_ =	sfence.sel $0xFFFF  }
0xc1: {  	[dreg:$0x0] =	wrdreg $0xFFFFFFFF;
	(pc) =	sbr.abs _section_cstart, $3  }
0xc2: {  	[dreg:$0x1] =	wrdreg $0xFFFFFFFF  }
0xc3: {  	_ =	task.clear_ibuf [dreg:s8], $0x2FFFF;
	_ =	strace $0x9FFFFFFF  }
0xc4: {  	(tm) =	ssettm $0x7FFFFFFF  }
0xc5: {  	_ =	shalt  }
tec
execute0_lowered:
.L_overlay_start_1:
0x0: {  	(tag) =	ssettag $0x1  }
0x1: {  	s0 =	rddreg [dreg:$0x0]  }
0x2: {  	s1 =	rddreg [dreg:$0x1];
	s2 =	srdreg.scid  }
0x3: {  	s4 =	simm.s32 $0x0;
	s8 =	stileid.u32;
	s12 =	simm.s32 $0x100  }
0x4: {  	s13 =	simm.s32 $0x400;
	s14 =	simm.s32 $0x3;
	s15 =	simm.s32 $0x5000  }
0x5: {  	s16 =	simm.s32 $0xA000;
	s20 =	simm.s32 $0x1C200;
	s2 =	sand.u32 $0x1, s2  }
0x6: {  	[smem:$0x7FF] =	sst s4;
	s5 =	sshll.u32 s8, $0x2;
	s3 =	sshll.u32 s2, $0x6  }
0x7: {  	s6 =	sadd.s32 $0x1400, s0;
	s8 =	sshll.u32 s8, $0x9;
	s3 =	sor.u32 s5, s3  }
0x8: {  	s9 =	sadd.s32 $0x35A00, s0;
	_ =	strace $0x8000004A;
	s7 =	sshrl.u32 s3, $0x3  }
0x9: {  	[dreg:$0x4] =	wrdreg s9;
	s17 =	sor.u32 $0x2, s3;
	s7 =	smul.u32 $0x14000, s7  }
0xa: {  	s8 =	sand.u32 $0x200, s8;
	s2 =	ssub.s32 $0x2, s2;
	s28 =	sshll.u32 s17, $0x7  }
0xb: {  	s5 =	sadd.s32 $0x2BC00, s0;
	s9 =	sand.u32 $0x300, s28;
	s8 =	sor.u32 s8, s7  }
0xc: {  	s10 =	sshrl.u32 s2, $0x1;
	s7 =	sor.u32 s7, s9;
	s8 =	sshrl.u32 s8, $0x3  }
0xd: {  	s7 =	sshrl.u32 s7, $0x3;
	s11 =	sadd.s32 s8, s0;
	s8 =	sadd.s32 s6, s8  }
0xe: {  	s2 =	ssub.s32 s2, s10;
	s6 =	sadd.s32 s6, s7;
	[dreg:$0x5] =	wrdreg s8  }
0xf: {  	v4 =	vimm.f32 $0.0e+00;
	s29 =	sor.u32 $0x1, s3;
	v0 =	vmov s3;
	s0 =	sadd.s32 $0x35A10, s0;
	[dreg:$0x6] =	wrdreg s6  }
0x10: {  	s30 =	sor.u32 $0x3, s3;
	v1 =	vmov s29;
	v0 =	vbroadcast v0, $0x0;
	v2 =	vmov s17;
	[dreg:$0x7] =	wrdreg s0;
	s31 =	sadd.s32 $0x36400, s11  }
0x11: {  	s22 =	simm.s32 $0x0;
	v3 =	vmov s30;
	v1 =	vbroadcast v1, $0x0;
	v2 =	vbroadcast v2, $0x0;
	s11 =	smax.u32 s2, $0x1;
	[dreg:$0x8] =	wrdreg s31  }
.LBB2_1:
0x12: {  	s0 =	simm.s32 $0x14000;
	s2 =	simm.s32 $0x0  }
.LBB2_2:
0x13: {  	p0 =	sne.s32 s2, $0x180  }
.Ltmp0:
0x14: {  	_ = 	snop;
	(pc) =	sbr.rel @p0 .LBB2_2-.Ltmp0, $4  }
0x15: {  	_ = 	snop  }
0x16: {  	s3 =	sadd.s32 s2, s1;
	s6 =	simm.s32 $0x0  }
0x17: {  	[tilespmem:s0], [sflag:$0x1] =	stream.linear.gather [hbm4b:s3+s6], $0x80, $0x38;
	[tilespmem:$0x1C280] =	vst v63  }
0x18: {  	s2 =	sadd.s32 $0x10, s2;
	s0 =	sadd.s32 $0x100, s0  }
0x19: {  	s0 =	simm.s32 $0x15900  }
0x1a: {  	s2 =	simm.s32 $0x10;
	s6 =	sadd.s32 $0x0, s5;
	s3 =	simm.s32 $0x15A00  }
.LBB2_4:
0x1b: {  	[tilespmem:s0], [sflag:$0x1] =	stream.linear.gather [hbm4b:s6+s4], $0x80, $0x38;
	[tilespmem:$0x1C280] =	vst v63  }
0x1c: {  	s6 =	smov.u32 s2;
	s0 =	smov.u32 s3;
	p0 =	sne.s32 s2, $0x180  }
.Ltmp1:
0x1d: {  	s2 =	sadd.s32 $0x10, s2;
	(pc) =	sbr.rel @p0 .LBB2_4-.Ltmp1, $2  }
0x1e: {  	_ =	sdelay $0x2  }
0x1f: {  	s3 =	sadd.s32 $0x100, s3;
	s6 =	sadd.s32 s6, s5  }
0x20: {  	[tilespmem:s0], [sflag:$0x1] =	stream.linear.gather [hbm4b:s6+s4], $0x80, $0x38;
	[tilespmem:$0x1C280] =	vst v63  }
0x21: {  	s24 =	simm.s32 $0x0;
	s2 =	rddreg [dreg:$0x5];
	p0 =	por $0x0, $0x0  }
0x22: {  	[tilespmem:s24], [sflag:$0x3] =	stream.strided.gather [hbm4b:s2+s12], $0x5000, s13, s12, $0x38;
	[tilespmem:$0x1C280] =	vst v63  }
0x23: {  	s3 =	sand.u32 $0x40, s24;
	s2 =	simm.s32 $0x1;
	_ =	swait.ge [sflag:s14], $0x5000  }
0x24: {  	s0 =	sand.u32 $0x7F00, s24;
	s2 =	simm.s32 @!p0 $0x0;
	[sflag:s14] =	ssyncset.done $0x0  }
0x25: {  	s3 =	sor.u32 s3, s0;
	s2 =	sshll.u32 s2, $0x6;
	[sflag:s14] =	ssyncadd.s32 $0xFFFFB000  }
0x26: {  	s2 =	sadd.s32 $0x0, s2;
	v7 =	vld [tilespmem:s3+$0x30]  }
0x27: {  	s25 =	sadd.s32 $0x30, s2;
	v13 =	vld [tilespmem:s3+$0x0]  }
0x28: {  	p0 =	por !p0, !p0;
	s26 =	sadd.s32 $0x10, s2;
	v14 =	vld [tilespmem:s3+$0x10];
	s0 =	sor.u32 $0x80, s25  }
0x29: {  	s7 =	sadd.s32 $0x20, s2;
	s2 =	sor.u32 $0x80, s2;
	v9 =	vld [tilespmem:s0+$0x0];
	s0 =	simm.s32 $0x1  }
0x2a: {  	s6 =	sor.u32 $0x80, s26;
	s28 =	sor.u32 $0x80, s7;
	v12 =	vld [tilespmem:s2+$0x0];
	s0 =	simm.s32 @!p0 $0x0  }
0x2b: {  	s2 =	simm.s32 $0x80;
	v11 =	vld [tilespmem:s6+$0x0];
	s6 =	simm.s32 $0x40;
	s0 =	sshll.u32 s0, $0x6  }
0x2c: {  	v8 =	vld [tilespmem:s3+$0x20];
	s30 =	sand.u32 $0x7F00, s2;
	s29 =	sand.u32 $0x40, s6;
	s17 =	sadd.s32 $0x80, s0  }
0x2d: {  	v5 =	vld [tilespmem:s28+$0x0];
	s0 =	sor.u32 s29, s30;
	s31 =	sadd.s32 $0x30, s17  }
0x2e: {  	s18 =	sadd.s32 $0x10, s17;
	v6 =	vld [tilespmem:s0+$0x30];
	s7 =	sor.u32 $0x80, s31  }
0x2f: {  	s19 =	sadd.s32 $0x20, s17;
	v7 =	vpack.i.f32.bf16 v9, v7;
	s18 =	sor.u32 $0x80, s18;
	v10 =	vld [tilespmem:s7+$0x0]  }
0x30: {  	v12 =	vpack.i.f32.bf16 v12, v13;
	s19 =	sor.u32 $0x80, s19;
	[tilespmem:s3+$0x5030] =	vst v7;
	v7 =	vld [tilespmem:s18+$0x0]  }
0x31: {  	p0 =	por !p0, !p0;
	s17 =	sor.u32 $0x80, s17;
	[tilespmem:s3+$0x5000] =	vst v12;
	v11 =	vpack.i.f32.bf16 v11, v14;
	s7 =	simm.s32 $0x4;
	v9 =	vld [tilespmem:s19+$0x0]  }
.LBB2_6:
0x32: {  	s18 =	simm.s32 $0x1  }
0x33: {  	s7 =	sadd.s32 $0x4, s7;
	s2 =	sadd.s32 $0x80, s2;
	s18 =	simm.s32 @!p0 $0x0  }
0x34: {  	v12 =	vld [tilespmem:s17+$0x0];
	[tilespmem:s3+$0x5010] =	vst v11;
	v5 =	vpack.i.f32.bf16 v5, v8;
	s6 =	sadd.s32 $0x40, s6;
	p1 =	slt.u32 s7, $0x27C;
	s17 =	sshll.u32 s18, $0x6  }
0x35: {  	v11 =	vld [tilespmem:s0+$0x0];
	[tilespmem:s3+$0x5020] =	vst v5;
	s18 =	sand.u32 $0x7F00, s2;
	s3 =	sadd.s32 s17, s2;
	s17 =	sand.u32 $0x40, s6  }
0x36: {  	v10 =	vpack.i.f32.bf16 v10, v6;
	v13 =	vld [tilespmem:s0+$0x10];
	s18 =	sor.u32 s17, s18  }
.Ltmp2:
0x37: {  	s17 =	sadd.s32 $0x10, s3;
	s19 =	sadd.s32 $0x30, s3;
	v8 =	vld [tilespmem:s0+$0x20];
	[tilespmem:s0+$0x5030] =	vst v10;
	(pc) =	sbr.rel @p1 .LBB2_6-.Ltmp2, $4  }
0x38: {  	v14 =	vmov v7;
	s23 =	sadd.s32 $0x20, s3;
	v5 =	vmov v9;
	s21 =	sor.u32 $0x80, s17;
	v6 =	vld [tilespmem:s18+$0x30];
	s19 =	sor.u32 $0x80, s19  }
0x39: {  	s17 =	sor.u32 $0x80, s3;
	s23 =	sor.u32 $0x80, s23;
	s3 =	smov.u32 s0;
	v10 =	vld [tilespmem:s19+$0x0]  }
0x3a: {  	s0 =	smov.u32 s18;
	v7 =	vld [tilespmem:s21+$0x0];
	v11 =	vpack.i.f32.bf16 v12, v11  }
0x3b: {  	p0 =	por !p0, !p0;
	v9 =	vld [tilespmem:s23+$0x0];
	[tilespmem:s3+$0x5000] =	vst v11;
	v11 =	vpack.i.f32.bf16 v14, v13  }
0x3c: {  	v12 =	vld [tilespmem:s17+$0x0]  }
0x3d: {  	v13 =	vld [tilespmem:s0+$0x0]  }
0x3e: {  	v14 =	vld [tilespmem:s0+$0x10]  }
0x3f: {  	v15 =	vld [tilespmem:s0+$0x20]  }
0x40: {  	[tilespmem:s3+$0x5010] =	vst v11;
	v5 =	vpack.i.f32.bf16 v5, v8  }
0x41: {  	[tilespmem:s3+$0x5020] =	vst v5;
	v5 =	vpack.i.f32.bf16 v10, v6  }
0x42: {  	[tilespmem:s0+$0x5030] =	vst v5;
	v5 =	vpack.i.f32.bf16 v12, v13  }
0x43: {  	[tilespmem:s0+$0x5000] =	vst v5;
	v5 =	vpack.i.f32.bf16 v7, v14  }
0x44: {  	[tilespmem:s0+$0x5010] =	vst v5;
	v5 =	vpack.i.f32.bf16 v9, v15  }
0x45: {  	[tilespmem:s0+$0x5020] =	vst v5  }
0x46: {  	s21 =	simm.s32 $0x0;
	s0 =	rddreg [dreg:$0x6]  }
0x47: {  	[tilespmem:s21], [sflag:$0x3] =	stream.strided.gather [hbm4b:s0+s12], $0x5000, s13, s12, $0x38;
	[tilespmem:$0x1C280] =	vst v63  }
0x48: {  	p0 =	por $0x0, $0x0;
	s0 =	simm.s32 $0x1  }
0x49: {  	s23 =	sand.u32 $0x40, s21;
	_ =	swait.ge [sflag:s14], $0x5000;
	s0 =	simm.s32 @!p0 $0x0  }
0x4a: {  	s25 =	sand.u32 $0x7F00, s21;
	[sflag:s14] =	ssyncset.done $0x0;
	s0 =	sshll.u32 s0, $0x6  }
0x4b: {  	s18 =	sadd.s32 $0x0, s0;
	[sflag:s14] =	ssyncadd.s32 $0xFFFFB000;
	s0 =	sor.u32 s23, s25  }
0x4c: {  	v7 =	vld [tilespmem:s0+$0x30]  }
0x4d: {  	s7 =	simm.s32 $0x1;
	p2 =	por !p0, !p0;
	v62 =	vld [tilespmem:s0+$0x0]  }
0x4e: {  	s6 =	simm.s32 $0x80;
	s7 =	simm.s32 @!p2 $0x0;
	s3 =	sadd.s32 $0x30, s18;
	v63 =	vld [tilespmem:s0+$0x10]  }
0x4f: {  	s24 =	sshll.u32 s7, $0x6;
	s7 =	simm.s32 $0x40;
	v8 =	vld [tilespmem:s0+$0x20];
	s17 =	sor.u32 $0x80, s3  }
0x50: {  	s29 =	sadd.s32 $0x80, s24;
	s19 =	sadd.s32 $0x10, s18;
	s8 =	sor.u32 $0x80, s18;
	v9 =	vld [tilespmem:s17+$0x0]  }
0x51: {  	s26 =	sand.u32 $0x40, s7;
	s25 =	sand.u32 $0x7F00, s6;
	s30 =	sor.u32 $0x80, s19;
	v61 =	vld [tilespmem:s8+$0x0]  }
0x52: {  	s9 =	sadd.s32 $0x30, s29;
	s24 =	sor.u32 s26, s25;
	v11 =	vld [tilespmem:s30+$0x0]  }
0x53: {  	s2 =	sadd.s32 $0x20, s18;
	s26 =	sor.u32 $0x80, s9;
	v6 =	vld [tilespmem:s24+$0x30]  }
0x54: {  	s10 =	sadd.s32 $0x10, s29;
	s28 =	sor.u32 $0x80, s2;
	v10 =	vld [tilespmem:s26+$0x0]  }
0x55: {  	s31 =	sadd.s32 $0x20, s29;
	s25 =	sor.u32 $0x80, s10;
	v5 =	vld [tilespmem:s28+$0x0];
	v7 =	vpack.i.f32.bf16 v9, v7  }
0x56: {  	s29 =	sor.u32 $0x80, s29;
	v12 =	vpack.i.f32.bf16 v61, v62;
	[tilespmem:s17+$0x5000] =	vst v7;
	s17 =	sor.u32 $0x80, s31;
	v7 =	vld [tilespmem:s25+$0x0]  }
0x57: {  	p0 =	por !p2, !p2;
	s0 =	simm.s32 $0x0;
	[tilespmem:s8+$0x5000] =	vst v12;
	v11 =	vpack.i.f32.bf16 v11, v63;
	s31 =	simm.s32 $0x4;
	v9 =	vld [tilespmem:s17+$0x0]  }
.LBB2_8:
0x58: {  	s8 =	simm.s32 $0x1  }
0x59: {  	s8 =	simm.s32 @!p0 $0x0  }
0x5a: {  	s31 =	sadd.s32 $0x4, s31;
	v12 =	vld [tilespmem:s29+$0x0];
	s6 =	sadd.s32 $0x80, s6;
	[tilespmem:s30+$0x5000] =	vst v11;
	v5 =	vpack.i.f32.bf16 v5, v8;
	s8 =	sshll.u32 s8, $0x6  }
0x5b: {  	s7 =	sadd.s32 $0x40, s7;
	p1 =	slt.u32 s31, $0x27C;
	v11 =	vld [tilespmem:s24+$0x0];
	[tilespmem:s28+$0x5000] =	vst v5;
	s8 =	sadd.s32 s8, s6  }
0x5c: {  	s30 =	sand.u32 $0x7F00, s6;
	s28 =	sand.u32 $0x40, s7;
	v10 =	vpack.i.f32.bf16 v10, v6;
	v13 =	vld [tilespmem:s24+$0x10];
	s9 =	sadd.s32 $0x10, s8  }
.Ltmp3:
0x5d: {  	s10 =	sadd.s32 $0x30, s8;
	v8 =	vld [tilespmem:s24+$0x20];
	s24 =	sor.u32 s28, s30;
	[tilespmem:s26+$0x5000] =	vst v10;
	(pc) =	sbr.rel @p1 .LBB2_8-.Ltmp3, $4  }
0x5e: {  	v14 =	vmov v7;
	s28 =	sadd.s32 $0x20, s8;
	v5 =	vmov v9;
	s9 =	sor.u32 $0x80, s9;
	v6 =	vld [tilespmem:s24+$0x30];
	s26 =	sor.u32 $0x80, s10  }
0x5f: {  	s8 =	sor.u32 $0x80, s8;
	s30 =	smov.u32 s25;
	s10 =	sor.u32 $0x80, s28;
	v10 =	vld [tilespmem:s26+$0x0]  }
0x60: {  	s28 =	smov.u32 s17;
	s25 =	smov.u32 s9;
	s17 =	smov.u32 s10;
	v7 =	vld [tilespmem:s9+$0x0];
	v11 =	vpack.i.f32.bf16 v12, v11  }
0x61: {  	p0 =	por !p0, !p0;
	v9 =	vld [tilespmem:s17+$0x0];
	[tilespmem:s29+$0x5000] =	vst v11;
	v11 =	vpack.i.f32.bf16 v14, v13;
	s29 =	smov.u32 s8  }
0x62: {  	v12 =	vld [tilespmem:s29+$0x0]  }
0x63: {  	v13 =	vld [tilespmem:s24+$0x0]  }
0x64: {  	v14 =	vld [tilespmem:s24+$0x10]  }
0x65: {  	v15 =	vld [tilespmem:s24+$0x20]  }
0x66: {  	[tilespmem:s30+$0x5000] =	vst v11;
	v5 =	vpack.i.f32.bf16 v5, v8  }
0x67: {  	[tilespmem:s28+$0x5000] =	vst v5;
	v5 =	vpack.i.f32.bf16 v10, v6  }
0x68: {  	[tilespmem:s26+$0x5000] =	vst v5;
	v5 =	vpack.i.f32.bf16 v12, v13  }
0x69: {  	[tilespmem:s29+$0x5000] =	vst v5;
	v5 =	vpack.i.f32.bf16 v7, v14  }
0x6a: {  	s6 =	sand.u32 $0xFE00, s21;
	[tilespmem:s25+$0x5000] =	vst v5;
	v5 =	vpack.i.f32.bf16 v9, v15  }
0x6b: {  	s7 =	sor.u32 s23, s6;
	[tilespmem:s17+$0x5000] =	vst v5  }
0x6c: {  	[tilespmem:s7+$0xA030] =	vst v4  }
0x6d: {  	[tilespmem:s7+$0xA080] =	vst v4  }
0x6e: {  	[tilespmem:s7+$0xA0B0] =	vst v4  }
0x6f: {  	[tilespmem:s7+$0xA090] =	vst v4  }
0x70: {  	[tilespmem:s7+$0xA0A0] =	vst v4  }
0x71: {  	[tilespmem:s7+$0xA000] =	vst v4  }
0x72: {  	[tilespmem:s7+$0xA010] =	vst v4  }
0x73: {  	s26 =	sor.u32 $0x100, s18;
	[tilespmem:s7+$0xA020] =	vst v4  }
0x74: {  	s29 =	sor.u32 $0x100, s19;
	[tilespmem:s26+$0xA000] =	vst v4  }
0x75: {  	s8 =	sor.u32 $0x100, s3;
	[tilespmem:s29+$0xA000] =	vst v4  }
0x76: {  	s28 =	sor.u32 $0x180, s18;
	[tilespmem:s8+$0xA000] =	vst v4  }
0x77: {  	s30 =	sor.u32 $0x180, s19;
	[tilespmem:s28+$0xA000] =	vst v4  }
0x78: {  	s31 =	sor.u32 $0x180, s3;
	s3 =	simm.s32 $0x40;
	p0 =	por $0x1, $0x1;
	[tilespmem:s30+$0xA000] =	vst v4  }
0x79: {  	s6 =	sor.u32 $0x100, s2;
	s7 =	sor.u32 $0x180, s2;
	s2 =	simm.s32 $0x100;
	[tilespmem:s31+$0xA000] =	vst v4  }
.LBB2_10:
0x7a: {  	s8 =	simm.s32 $0x1  }
0x7b: {  	s9 =	sand.u32 $0x40, s3;
	s10 =	sand.u32 $0xFE00, s2;
	[tilespmem:s6+$0xA000] =	vst v4;
	s8 =	simm.s32 @!p2 $0x0  }
0x7c: {  	s0 =	sadd.s32 $0x4, s0;
	s6 =	sshll.u32 s8, $0x6;
	s8 =	sor.u32 s9, s10;
	[tilespmem:s7+$0xA000] =	vst v4  }
0x7d: {  	p3 =	slt.u32 s0, $0x27C;
	s7 =	sadd.s32 s6, s2;
	[tilespmem:s8+$0xA030] =	vst v4  }
0x7e: {  	[tilespmem:s8+$0xA080] =	vst v4;
	s9 =	sor.u32 $0x100, s7;
	s10 =	sadd.s32 $0x10, s7;
	s17 =	sadd.s32 $0x20, s7  }
0x7f: {  	s19 =	sadd.s32 $0x30, s7;
	s18 =	sor.u32 $0x100, s10;
	[tilespmem:s8+$0xA0B0] =	vst v4  }
0x80: {  	s6 =	sor.u32 $0x100, s17;
	[tilespmem:s8+$0xA090] =	vst v4  }
0x81: {  	s21 =	sor.u32 $0x100, s19;
	[tilespmem:s8+$0xA0A0] =	vst v4  }
0x82: {  	[tilespmem:s8+$0xA000] =	vst v4  }
0x83: {  	s7 =	sor.u32 $0x180, s7;
	[tilespmem:s9+$0xA000] =	vst v4;
	s9 =	sor.u32 $0x180, s19  }
0x84: {  	[tilespmem:s7+$0xA000] =	vst v4  }
0x85: {  	[tilespmem:s8+$0xA010] =	vst v4  }
.Ltmp4:
0x86: {  	s7 =	sor.u32 $0x180, s10;
	[tilespmem:s18+$0xA000] =	vst v4;
	(pc) =	sbr.rel @p3 .LBB2_10-.Ltmp4, $4  }
0x87: {  	[tilespmem:s7+$0xA000] =	vst v4  }
0x88: {  	p1 =	por $0x0, $0x0;
	[tilespmem:s21+$0xA000] =	vst v4  }
0x89: {  	s3 =	sadd.s32 $0x40, s3;
	s23 =	simm.s32 $0x0;
	[tilespmem:s9+$0xA000] =	vst v4  }
0x8a: {  	p2 =	por !p2, !p2;
	s2 =	sadd.s32 $0x100, s2;
	s7 =	sor.u32 $0x180, s17;
	[tilespmem:s8+$0xA020] =	vst v4  }
0x8b: {  	[tilespmem:s6+$0xA000] =	vst v4  }
0x8c: {  	[tilespmem:s7+$0xA000] =	vst v4  }
.LBB2_13:
0x8d: {  	p2 =	seq.s32 s23, $0x63  }
.Ltmp5:
0x8e: {  	_ = 	snop;
	(pc) =	sbr.rel @p2 .LBB2_19-.Ltmp5, $2  }
0x8f: {  	_ =	sdelay $0x2  }
0x90: {  	s0 =	sand.u32 $0x1, s23;
	s23 =	sadd.s32 $0x1, s23  }
0x91: {  	s2 =	simm.s32 $0x1  }
0x92: {  	s6 =	smul.u32 $0x190, s23;
	s2 =	simm.s32 @!p0 $0x0  }
0x93: {  	s8 =	sxor.u32 $0x1, s0;
	s18 =	simm.s32 $0x10;
	s3 =	sshll.u32 s2, $0x7  }
0x94: {  	s17 =	sadd.s32 s1, s6;
	s2 =	sor.u32 $0x15900, s3;
	s7 =	sor.u32 $0x14000, s3  }
0x95: {  	s3 =	sadd.s32 $0x1, s8;
	s21 =	sadd.s32 $0x0, s17;
	s19 =	sadd.s32 $0x100, s7  }
.LBB2_15:
0x96: {  	[tilespmem:s7], [sflag:s3] =	stream.linear.gather [hbm4b:s21+s4], $0x80, $0x38;
	[tilespmem:$0x1C280] =	vst v63  }
0x97: {  	s8 =	smov.u32 s18;
	s7 =	smov.u32 s19;
	p2 =	sne.s32 s18, $0x180  }
.Ltmp6:
0x98: {  	s18 =	sadd.s32 $0x10, s18;
	(pc) =	sbr.rel @p2 .LBB2_15-.Ltmp6, $2  }
0x99: {  	_ =	sdelay $0x2  }
0x9a: {  	s19 =	sadd.s32 $0x100, s19;
	s21 =	sadd.s32 s8, s17  }
0x9b: {  	[tilespmem:s7], [sflag:s3] =	stream.linear.gather [hbm4b:s21+s4], $0x80, $0x38;
	[tilespmem:$0x1C280] =	vst v63  }
0x9c: {  	s6 =	sadd.s32 s5, s6  }
0x9d: {  	s7 =	simm.s32 $0x10;
	s17 =	sadd.s32 $0x100, s2;
	s18 =	sadd.s32 $0x0, s6  }
.LBB2_17:
0x9e: {  	[tilespmem:s2], [sflag:s3] =	stream.linear.gather [hbm4b:s18+s4], $0x80, $0x38;
	[tilespmem:$0x1C280] =	vst v63  }
0x9f: {  	s8 =	smov.u32 s7;
	s2 =	smov.u32 s17;
	p2 =	sne.s32 s7, $0x180  }
.Ltmp7:
0xa0: {  	s7 =	sadd.s32 $0x10, s7;
	(pc) =	sbr.rel @p2 .LBB2_17-.Ltmp7, $2  }
0xa1: {  	_ =	sdelay $0x2  }
0xa2: {  	s17 =	sadd.s32 $0x100, s17;
	s18 =	sadd.s32 s8, s6  }
0xa3: {  	[tilespmem:s2], [sflag:s3] =	stream.linear.gather [hbm4b:s18+s4], $0x80, $0x38;
	[tilespmem:$0x1C280] =	vst v63  }
.LBB2_19:
0xa4: {  	s2 =	sadd.s32 $0x1, s0  }
0xa5: {  	_ =	swait.ge [sflag:s2], $0xC80  }
0xa6: {  	[sflag:s2] =	ssyncset.done $0x0  }
0xa7: {  	s0 =	simm.s32 $0x1;
	[sflag:s2] =	ssyncadd.s32 $0xFFFFF380  }
0xa8: {  	s0 =	simm.s32 @!p1 $0x0;
	_ =	swait.ge [sflag:s2], $0xC80  }
0xa9: {  	s3 =	sshll.u32 s0, $0x7;
	[sflag:s2] =	ssyncset.done $0x0  }
0xaa: {  	s0 =	sor.u32 $0x14040, s3;
	[sflag:s2] =	ssyncadd.s32 $0xFFFFF380  }
0xab: {  	v6 =	vld [tilespmem:s0+$0xFFFFFFC0]  }
0xac: {  	v8 =	vld [tilespmem:s0+$0x20]  }
0xad: {  	v11 =	vld [tilespmem:s0+$0xFFFFFFE0]  }
0xae: {  	v13 =	vld [tilespmem:s0+$0xFFFFFFD0]  }
0xaf: {  	v15 =	vld [tilespmem:s0+$0x30];
	_ =	sdelay $0x2  }
0xb0: {  	v5 =	vshrl.u32 v6, $0x10;
	v9 =	vshrl.u32 v8, $0xE;
	v10 =	vshrl.u32 v6, $0xE  }
0xb1: {  	v19 =	vand.u32 $0x7F, v11;
	v26 =	vshrl.u32 v13, $0x10;
	v27 =	vshrl.u32 v13, $0xE  }
0xb2: {  	v16 =	vshll.u32 v8, $0x1;
	v17 =	vshrl.u32 v15, $0x10;
	v28 =	vshrl.u32 v15, $0xE  }
0xb3: {  	v21 =	vshll.u32 v13, $0x1;
	v13 =	vand.u32 $0x7F, v13;
	v35 =	vshrl.u32 v11, $0xE  }
0xb4: {  	v37 =	vshll.u32 v11, $0x1;
	v7 =	vand.u32 $0x7F, v5;
	v5 =	vshrl.u32 v8, $0x10  }
0xb5: {  	v14 =	vld [tilespmem:s0+$0x10];
	v11 =	vshrl.u32 v11, $0x10;
	v12 =	vand.u32 $0x3FE00, v9;
	v5 =	vand.u32 $0x7F, v5  }
0xb6: {  	v18 =	vld [tilespmem:s0+$0xFFFFFFF0];
	v10 =	vand.u32 $0x3FE00, v10;
	v5 =	vor.u32 v5, v12;
	v12 =	vshll.u32 v6, $0x1  }
0xb7: {  	s24 =	sor.u32 $0x15940, s3;
	v25 =	vld [tilespmem:s0+$0x0];
	v21 =	vand.u32 $0x1FF00, v21;
	v6 =	vand.u32 $0x7F, v6;
	v12 =	vand.u32 $0x1FF00, v12  }
0xb8: {  	v31 =	vld [tilespmem:s24+$0xFFFFFFC0];
	v22 =	vor.u32 v7, v10;
	v7 =	vshll.u32 v15, $0x1;
	v10 =	vor.u32 v6, v12  }
0xb9: {  	v55 =	vand.u32 $0x7F, v11;
	v11 =	vld [tilespmem:s24+$0xFFFFFFD0];
	v12 =	vand.u32 $0x7F, v15;
	v15 =	vand.u32 $0x1FF00, v7  }
0xba: {  	v6 =	vld [tilespmem:s24+$0x0];
	v30 =	vor.u32 v12, v15;
	v12 =	vor.u32 v13, v21;
	v21 =	vshll.u32 v14, $0x1  }
0xbb: {  	v7 =	vld [tilespmem:s24+$0xFFFFFFF0];
	v13 =	vand.u32 $0x1FF00, v16;
	v16 =	vand.u32 $0x7F, v14;
	v21 =	vand.u32 $0x1FF00, v21  }
0xbc: {  	v15 =	vand.u32 $0x7F, v8;
	v8 =	vld [tilespmem:s24+$0xFFFFFFE0];
	v21 =	vor.u32 v16, v21  }
0xbd: {  	v32 =	vor.u32 v15, v13;
	v13 =	vshrl.u32 v25, $0xE;
	v29 =	vld.idx.msk [tilespmem:v10+s15+$0x0], $0xffff  }
0xbe: {  	v24 =	vshrl.u32 v14, $0x10;
	v33 =	vshll.u32 v25, $0x1;
	v34 =	vand.u32 $0x3FE00, v13;
	v13 =	vld [tilespmem:s24+$0x30]  }
0xbf: {  	v38 =	vshll.u32 v18, $0x1;
	v39 =	vand.u32 $0x7F, v18;
	v43 =	vshrl.u32 v25, $0x10;
	v36 =	vld.idx.msk [tilespmem:v30+s15+$0x0], $0xffff  }
0xc0: {  	v9 =	vshrl.u32 v18, $0x10;
	v16 =	vand.u32 $0x3FE00, v28;
	v28 =	vand.u32 $0x7F, v17;
	v17 =	vld [tilespmem:s24+$0x20]  }
0xc1: {  	v24 =	vand.u32 $0x7F, v24;
	v20 =	vor.u32 $0x80, v22;
	v14 =	vshrl.u32 v14, $0xE;
	v44 =	vld.idx.msk [tilespmem:v21+s15+$0x0], $0xffff  }
0xc2: {  	v15 =	vor.u32 $0x80, v10;
	v16 =	vor.u32 v28, v16;
	v10 =	vld [tilespmem:s24+$0x10];
	v42 =	vunpack.i.l.bf16.f32 v29  }
0xc3: {  	v14 =	vand.u32 $0x3FE00, v14;
	v41 =	vld.idx.msk [tilespmem:v32+s15+$0x0], $0xffff;
	v29 =	vunpack.i.u.bf16.f32 v29;
	v42 =	vmul.f32 v42, v31  }
0xc4: {  	v14 =	vor.u32 v24, v14;
	v40 =	vld.idx.msk [tilespmem:v12+s15+$0x0], $0xffff;
	v29 =	vmul.f32 v29, v31;
	v24 =	vunpack.i.l.bf16.f32 v36  }
0xc5: {  	v33 =	vand.u32 $0x1FF00, v33;
	v28 =	vor.u32 $0x80, v16;
	v24 =	vmul.f32 v24, v13;
	[tilespmem:v22+s16+$0x0] =	vst.idx.add.f32.msk $0xffff, v42  }
0xc6: {  	v23 =	vor.u32 $0x80, v5;
	v63 =	vor.u32 $0x80, v32;
	v58 =	vunpack.i.l.bf16.f32 v44;
	[tilespmem:v20+s16+$0x0] =	vst.idx.add.f32.msk $0xffff, v29  }
0xc7: {  	v20 =	vand.u32 $0x1FF00, v37;
	v29 =	vunpack.i.u.bf16.f32 v36;
	[tilespmem:v16+s16+$0x0] =	vst.idx.add.f32.msk $0xffff, v24;
	v59 =	vmul.f32 v58, v10  }
0xc8: {  	v20 =	vor.u32 v19, v20;
	v19 =	vmul.f32 v29, v13;
	v56 =	vld.idx.msk [tilespmem:v15+s15+$0x0], $0xffff;
	v15 =	vunpack.i.l.bf16.f32 v41  }
0xc9: {  	v57 =	vunpack.i.u.bf16.f32 v41;
	v29 =	vand.u32 $0x1FF00, v38;
	v15 =	vmul.f32 v15, v17;
	[tilespmem:v14+s16+$0x0] =	vst.idx.add.f32.msk $0xffff, v59  }
0xca: {  	v24 =	vand.u32 $0x7F, v25;
	v25 =	vmul.f32 v57, v17;
	v29 =	vor.u32 v39, v29;
	[tilespmem:v28+s16+$0x0] =	vst.idx.add.f32.msk $0xffff, v19  }
0xcb: {  	v62 =	vor.u32 $0x80, v30;
	v32 =	vor.u32 $0x80, v14;
	v28 =	vor.u32 v24, v33;
	[tilespmem:v5+s16+$0x0] =	vst.idx.add.f32.msk $0xffff, v15  }
0xcc: {  	v19 =	vand.u32 $0x7F, v43;
	v24 =	vor.u32 $0x100, v22;
	v22 =	vor.u32 $0x180, v22;
	[tilespmem:v23+s16+$0x0] =	vst.idx.add.f32.msk $0xffff, v25  }
0xcd: {  	v15 =	vor.u32 v19, v34;
	v19 =	vand.u32 $0x7F, v26;
	v23 =	vand.u32 $0x3FE00, v27;
	v26 =	vld.idx.msk [tilespmem:v20+s15+$0x0], $0xffff  }
0xce: {  	v30 =	vunpack.i.l.bf16.f32 v40;
	v27 =	vunpack.i.l.bf16.f32 v56;
	v19 =	vor.u32 v19, v23;
	v34 =	vld.idx.msk [tilespmem:v63+s15+$0x0], $0xffff  }
0xcf: {  	v25 =	vand.u32 $0x3FE00, v35;
	v23 =	vunpack.i.u.bf16.f32 v56;
	v60 =	vmul.f32 v27, v31;
	v61 =	vld.idx.msk [tilespmem:v29+s15+$0x0], $0xffff  }
0xd0: {  	v23 =	vmul.f32 v23, v31;
	v31 =	vshrl.u32 v18, $0xE;
	v18 =	vor.u32 v55, v25;
	v27 =	vld.idx.msk [tilespmem:v28+s15+$0x0], $0xffff  }
0xd1: {  	v30 =	vmul.f32 v30, v11;
	v25 =	vor.u32 $0x80, v18;
	v35 =	vand.u32 $0x3FE00, v31;
	[tilespmem:v24+s16+$0x0] =	vst.idx.add.f32.msk $0xffff, v60  }
0xd2: {  	v24 =	vunpack.i.u.bf16.f32 v40;
	[tilespmem:v22+s16+$0x0] =	vst.idx.add.f32.msk $0xffff, v23;
	v23 =	vor.u32 $0x80, v15;
	v22 =	vunpack.i.u.bf16.f32 v44  }
0xd3: {  	[tilespmem:v19+s16+$0x0] =	vst.idx.add.f32.msk $0xffff, v30;
	v31 =	vunpack.i.u.bf16.f32 v26;
	v38 =	vunpack.i.l.bf16.f32 v26;
	v30 =	vmul.f32 v24, v11  }
0xd4: {  	s25 =	simm.s32 $0x0;
	s26 =	sadd.s32 $0x100, s0;
	v26 =	vld.idx.msk [tilespmem:v62+s15+$0x0], $0xffff;
	v37 =	vmul.f32 v22, v10;
	v36 =	vunpack.i.u.bf16.f32 v61;
	v39 =	vunpack.i.l.bf16.f32 v61  }
.LBB2_20:
0xd5: {  	v33 =	vld [tilespmem:s26+$0xFFFFFFC0];
	s25 =	sadd.s32 $0x8, s25;
	s24 =	sadd.s32 $0x100, s24  }
0xd6: {  	v22 =	vld [tilespmem:s26+$0x10];
	p2 =	slt.u32 s25, $0xC0  }
0xd7: {  	v38 =	vmul.f32 v38, v8;
	v40 =	vor.u32 $0x80, v21;
	v24 =	vld [tilespmem:s26+$0xFFFFFFE0]  }
0xd8: {  	v41 =	vmul.f32 v31, v8;
	v9 =	vand.u32 $0x7F, v9;
	v21 =	vld [tilespmem:s26+$0xFFFFFFF0]  }
0xd9: {  	v39 =	vmul.f32 v39, v7;
	v42 =	vunpack.i.u.bf16.f32 v26;
	v43 =	vunpack.i.l.bf16.f32 v26;
	v31 =	vld [tilespmem:s26+$0x20]  }
0xda: {  	v35 =	vor.u32 v9, v35;
	v44 =	vunpack.i.u.bf16.f32 v34;
	v9 =	vunpack.i.l.bf16.f32 v34;
	v26 =	vld [tilespmem:s26+$0x0]  }
0xdb: {  	v45 =	vor.u32 $0x80, v19;
	v34 =	vshrl.u32 v33, $0x10;
	[tilespmem:v32+s16+$0x0] =	vst.idx.add.f32.msk $0xffff, v37;
	v32 =	vmul.f32 v9, v17  }
0xdc: {  	v46 =	vor.u32 $0x100, v16;
	v34 =	vand.u32 $0x7F, v34;
	v37 =	vshrl.u32 v33, $0xE;
	v40 =	vld.idx.msk [tilespmem:v40+s15+$0x0], $0xffff  }
0xdd: {  	v48 =	vor.u32 $0x80, v35;
	v44 =	vmul.f32 v44, v17;
	v9 =	vshrl.u32 v21, $0x10;
	v47 =	vld [tilespmem:s26+$0x30]  }
0xde: {  	v29 =	vor.u32 $0x80, v29;
	v17 =	vshrl.u32 v31, $0x10;
	[tilespmem:v18+s16+$0x0] =	vst.idx.add.f32.msk $0xffff, v38;
	v38 =	vmul.f32 v43, v13  }
0xdf: {  	v36 =	vmul.f32 v36, v7;
	v43 =	vshrl.u32 v31, $0xE;
	v17 =	vand.u32 $0x7F, v17;
	[tilespmem:v35+s16+$0x0] =	vst.idx.add.f32.msk $0xffff, v39  }
0xe0: {  	v39 =	vand.u32 $0x3FE00, v43;
	[tilespmem:v45+s16+$0x0] =	vst.idx.add.f32.msk $0xffff, v30  }
0xe1: {  	v12 =	vor.u32 $0x80, v12;
	v17 =	vor.u32 v17, v39;
	[tilespmem:v46+s16+$0x0] =	vst.idx.add.f32.msk $0xffff, v38  }
0xe2: {  	v13 =	vmul.f32 v42, v13;
	v30 =	vunpack.i.l.bf16.f32 v27;
	[tilespmem:v48+s16+$0x0] =	vst.idx.add.f32.msk $0xffff, v36;
	v36 =	vor.u32 $0x180, v5  }
0xe3: {  	v20 =	vor.u32 $0x80, v20;
	v28 =	vor.u32 $0x80, v28;
	v30 =	vmul.f32 v30, v6;
	v29 =	vld.idx.msk [tilespmem:v29+s15+$0x0], $0xffff  }
0xe4: {  	v39 =	vor.u32 $0x100, v5;
	v38 =	vor.u32 $0x180, v15;
	v5 =	vmovc v17;
	[tilespmem:v25+s16+$0x0] =	vst.idx.add.f32.msk $0xffff, v41;
	v25 =	vunpack.i.u.bf16.f32 v27  }
0xe5: {  	v41 =	vor.u32 $0x180, v18;
	[tilespmem:v15+s16+$0x0] =	vst.idx.add.f32.msk $0xffff, v30;
	v25 =	vmul.f32 v25, v6;
	v15 =	vor.u32 $0x100, v15  }
0xe6: {  	v42 =	vor.u32 $0x100, v14;
	v14 =	vor.u32 $0x180, v14;
	v18 =	vor.u32 $0x100, v18;
	v12 =	vld.idx.msk [tilespmem:v12+s15+$0x0], $0xffff  }
0xe7: {  	v16 =	vor.u32 $0x180, v16;
	v17 =	vand.u32 $0x7F, v24;
	v27 =	vor.u32 $0x80, v5;
	[tilespmem:v23+s16+$0x0] =	vst.idx.add.f32.msk $0xffff, v25  }
0xe8: {  	v23 =	vand.u32 $0x3FE00, v37;
	v25 =	vor.u32 $0x100, v19;
	v37 =	vor.u32 $0x180, v35;
	v20 =	vld.idx.msk [tilespmem:v20+s15+$0x0], $0xffff  }
0xe9: {  	v43 =	vunpack.i.u.bf16.f32 v40;
	v40 =	vunpack.i.l.bf16.f32 v40;
	v30 =	vunpack.i.l.bf16.f32 v29;
	v28 =	vld.idx.msk [tilespmem:v28+s15+$0x0], $0xffff  }
0xea: {  	v40 =	vmul.f32 v40, v10;
	v29 =	vunpack.i.u.bf16.f32 v29;
	v46 =	vmul.f32 v30, v7;
	v45 =	vld [tilespmem:s26+$0xFFFFFFD0]  }
0xeb: {  	v10 =	vmul.f32 v43, v10;
	v30 =	vor.u32 v34, v23;
	v34 =	vor.u32 $0x100, v35;
	[tilespmem:v39+s16+$0x0] =	vst.idx.add.f32.msk $0xffff, v32  }
0xec: {  	v23 =	vor.u32 $0x80, v30;
	v32 =	vunpack.i.u.bf16.f32 v12;
	v12 =	vunpack.i.l.bf16.f32 v12;
	[tilespmem:v16+s16+$0x0] =	vst.idx.add.f32.msk $0xffff, v13  }
0xed: {  	v13 =	vshrl.u32 v22, $0x10;
	v12 =	vmul.f32 v12, v11;
	v16 =	vor.u32 $0x180, v19;
	[tilespmem:v42+s16+$0x0] =	vst.idx.add.f32.msk $0xffff, v40  }
0xee: {  	v11 =	vmul.f32 v32, v11;
	v19 =	vunpack.i.u.bf16.f32 v20;
	v20 =	vunpack.i.l.bf16.f32 v20;
	[tilespmem:v14+s16+$0x0] =	vst.idx.add.f32.msk $0xffff, v10  }
0xef: {  	v10 =	vmul.f32 v19, v8;
	v14 =	vunpack.i.l.bf16.f32 v28;
	[tilespmem:v25+s16+$0x0] =	vst.idx.add.f32.msk $0xffff, v12;
	v12 =	vunpack.i.u.bf16.f32 v28  }
0xf0: {  	v8 =	vmul.f32 v20, v8;
	v28 =	vshrl.u32 v45, $0x10;
	v19 =	vshrl.u32 v45, $0xE;
	[tilespmem:v36+s16+$0x0] =	vst.idx.add.f32.msk $0xffff, v44  }
0xf1: {  	v20 =	vshll.u32 v31, $0x1;
	v14 =	vmul.f32 v14, v6;
	v6 =	vmul.f32 v12, v6;
	[tilespmem:v34+s16+$0x0] =	vst.idx.add.f32.msk $0xffff, v46  }
0xf2: {  	v7 =	vmul.f32 v29, v7;
	v25 =	vshll.u32 v33, $0x1;
	v12 =	vand.u32 $0x7F, v33;
	[tilespmem:v18+s16+$0x0] =	vst.idx.add.f32.msk $0xffff, v8  }
0xf3: {  	v29 =	vshrl.u32 v47, $0xE;
	v8 =	vshrl.u32 v47, $0x10;
	v18 =	vshll.u32 v47, $0x1;
	[tilespmem:v16+s16+$0x0] =	vst.idx.add.f32.msk $0xffff, v11  }
0xf4: {  	v11 =	vand.u32 $0x1FF00, v25;
	v16 =	vand.u32 $0x7F, v47;
	v18 =	vand.u32 $0x1FF00, v18;
	[tilespmem:v41+s16+$0x0] =	vst.idx.add.f32.msk $0xffff, v10  }
0xf5: {  	v10 =	vor.u32 v12, v11;
	v11 =	vand.u32 $0x7F, v22;
	v12 =	vshll.u32 v22, $0x1;
	[tilespmem:v15+s16+$0x0] =	vst.idx.add.f32.msk $0xffff, v14  }
0xf6: {  	v33 =	vor.u32 $0x80, v10;
	v14 =	vshll.u32 v26, $0x1;
	v15 =	vshrl.u32 v26, $0xE;
	[tilespmem:v38+s16+$0x0] =	vst.idx.add.f32.msk $0xffff, v6  }
0xf7: {  	v29 =	vand.u32 $0x3FE00, v29;
	v25 =	vand.u32 $0x1FF00, v12;
	v15 =	vand.u32 $0x3FE00, v15;
	[tilespmem:v37+s16+$0x0] =	vst.idx.add.f32.msk $0xffff, v7  }
0xf8: {  	v35 =	vshrl.u32 v21, $0xE;
	v34 =	vshrl.u32 v24, $0xE;
	v36 =	vand.u32 $0x7F, v8;
	v6 =	vld [tilespmem:s24+$0x0]  }
0xf9: {  	v32 =	vshll.u32 v24, $0x1;
	v31 =	vand.u32 $0x7F, v31;
	v8 =	vshll.u32 v45, $0x1;
	v7 =	vld [tilespmem:s24+$0xFFFFFFF0]  }
0xfa: {  	v8 =	vand.u32 $0x1FF00, v8;
	v38 =	vor.u32 v16, v18;
	v37 =	vld.idx.msk [tilespmem:v10+s15+$0x0], $0xffff;
	v10 =	vand.u32 $0x7F, v45  }
0xfb: {  	v39 =	vshll.u32 v21, $0x1;
	v12 =	vor.u32 v10, v8;
	v8 =	vld [tilespmem:s24+$0xFFFFFFE0];
	v10 =	vand.u32 $0x1FF00, v20  }
0xfc: {  	v41 =	vand.u32 $0x7F, v21;
	v42 =	vand.u32 $0x1FF00, v14;
	v40 =	vld [tilespmem:s24+$0xFFFFFFC0];
	v31 =	vor.u32 v31, v10  }
0xfd: {  	v14 =	vshrl.u32 v24, $0x10;
	v16 =	vshrl.u32 v26, $0x10;
	v18 =	vshrl.u32 v22, $0xE;
	v10 =	vld [tilespmem:s24+$0x10]  }
0xfe: {  	v21 =	vor.u32 v11, v25;
	v11 =	vand.u32 $0x7F, v13;
	v18 =	vand.u32 $0x3FE00, v18;
	v13 =	vld [tilespmem:s24+$0x30]  }
0xff: {  	v24 =	vand.u32 $0x7F, v26;
	v22 =	vand.u32 $0x7F, v14;
	v14 =	vor.u32 v11, v18;
	v26 =	vld.idx.msk [tilespmem:v38+s15+$0x0], $0xffff  }
0x100: {  	v16 =	vand.u32 $0x7F, v16;
	v18 =	vand.u32 $0x1FF00, v32;
	v11 =	vunpack.i.u.bf16.f32 v37;
	v43 =	vld.idx.msk [tilespmem:v12+s15+$0x0], $0xffff  }
0x101: {  	v15 =	vor.u32 v16, v15;
	v32 =	vor.u32 $0x80, v14;
	v44 =	vmul.f32 v11, v40;
	v45 =	vld.idx.msk [tilespmem:v31+s15+$0x0], $0xffff  }
0x102: {  	v16 =	vand.u32 $0x3FE00, v34;
	v20 =	vor.u32 v17, v18;
	v11 =	vunpack.i.l.bf16.f32 v37;
	v17 =	vld [tilespmem:s24+$0x20]  }
0x103: {  	v18 =	vor.u32 v22, v16;
	v16 =	vor.u32 v36, v29;
	v34 =	vmul.f32 v11, v40;
	v22 =	vld.idx.msk [tilespmem:v21+s15+$0x0], $0xffff  }
0x104: {  	v29 =	vand.u32 $0x1FF00, v39;
	v25 =	vor.u32 $0x80, v18;
	v36 =	vor.u32 $0x80, v16;
	v11 =	vld [tilespmem:s24+$0xFFFFFFD0]  }
0x105: {  	v29 =	vor.u32 v41, v29;
	[tilespmem:v30+s16+$0x0] =	vst.idx.add.f32.msk $0xffff, v34;
	v34 =	vunpack.i.u.bf16.f32 v26;
	v26 =	vunpack.i.l.bf16.f32 v26  }
0x106: {  	v37 =	vand.u32 $0x7F, v28;
	[tilespmem:v23+s16+$0x0] =	vst.idx.add.f32.msk $0xffff, v44;
	v26 =	vmul.f32 v26, v13;
	v28 =	vmul.f32 v34, v13  }
0x107: {  	v39 =	vunpack.i.l.bf16.f32 v43;
	v34 =	vunpack.i.u.bf16.f32 v43;
	v41 =	vunpack.i.l.bf16.f32 v45;
	v33 =	vld.idx.msk [tilespmem:v33+s15+$0x0], $0xffff  }
0x108: {  	v23 =	vor.u32 $0x80, v15;
	v43 =	vunpack.i.u.bf16.f32 v45;
	v41 =	vmul.f32 v41, v17;
	[tilespmem:v16+s16+$0x0] =	vst.idx.add.f32.msk $0xffff, v26  }
0x109: {  	v44 =	vunpack.i.u.bf16.f32 v22;
	v22 =	vunpack.i.l.bf16.f32 v22;
	v26 =	vmul.f32 v43, v17;
	[tilespmem:v36+s16+$0x0] =	vst.idx.add.f32.msk $0xffff, v28  }
0x10a: {  	v35 =	vand.u32 $0x3FE00, v35;
	v36 =	vmul.f32 v39, v11;
	v28 =	vor.u32 v24, v42;
	[tilespmem:v5+s16+$0x0] =	vst.idx.add.f32.msk $0xffff, v41  }
0x10b: {  	v24 =	vor.u32 $0x100, v30;
	v22 =	vmul.f32 v22, v10;
	[tilespmem:v27+s16+$0x0] =	vst.idx.add.f32.msk $0xffff, v26  }
0x10c: {  	v19 =	vand.u32 $0x3FE00, v19;
	v26 =	vor.u32 $0x180, v30;
	v30 =	vld.idx.msk [tilespmem:v20+s15+$0x0], $0xffff  }
0x10d: {  	v19 =	vor.u32 v37, v19;
	v27 =	vunpack.i.u.bf16.f32 v33;
	v33 =	vunpack.i.l.bf16.f32 v33;
	[tilespmem:v14+s16+$0x0] =	vst.idx.add.f32.msk $0xffff, v22  }
0x10e: {  	v37 =	vor.u32 $0x80, v38;
	v22 =	vmul.f32 v33, v40;
	v33 =	vld.idx.msk [tilespmem:v29+s15+$0x0], $0xffff  }
0x10f: {  	v38 =	vmul.f32 v27, v40;
	v40 =	vor.u32 $0x80, v31;
	v27 =	vld.idx.msk [tilespmem:v28+s15+$0x0], $0xffff  }
.Ltmp8:
0x110: {  	[tilespmem:v24+s16+$0x0] =	vst.idx.add.f32.msk $0xffff, v22;
	(pc) =	sbr.rel @p2 .LBB2_20-.Ltmp8, $4  }
0x111: {  	[tilespmem:v26+s16+$0x0] =	vst.idx.add.f32.msk $0xffff, v38  }
0x112: {  	v31 =	vunpack.i.u.bf16.f32 v30;
	v38 =	vunpack.i.l.bf16.f32 v30;
	[tilespmem:v19+s16+$0x0] =	vst.idx.add.f32.msk $0xffff, v36  }
0x113: {  	v30 =	vmul.f32 v34, v11;
	v26 =	vld.idx.msk [tilespmem:v37+s15+$0x0], $0xffff  }
0x114: {  	s26 =	sadd.s32 $0x100, s26;
	v36 =	vunpack.i.u.bf16.f32 v33;
	v39 =	vunpack.i.l.bf16.f32 v33;
	v37 =	vmul.f32 v44, v10;
	v34 =	vld.idx.msk [tilespmem:v40+s15+$0x0], $0xffff  }
0x115: {  	_ =	sdelay $0x1  }
0x116: {  	v21 =	vor.u32 $0x80, v21  }
0x117: {  	v22 =	vor.u32 $0x80, v19;
	v24 =	vmul.f32 v38, v8  }
0x118: {  	v9 =	vand.u32 $0x7F, v9;
	v20 =	vor.u32 $0x80, v20;
	[tilespmem:v32+s16+$0x0] =	vst.idx.add.f32.msk $0xffff, v37;
	v32 =	vmul.f32 v31, v8  }
0x119: {  	v9 =	vor.u32 v9, v35;
	[tilespmem:v18+s16+$0x0] =	vst.idx.add.f32.msk $0xffff, v24  }
0x11a: {  	v59 =	vor.u32 $0x100, v16;
	[tilespmem:v25+s16+$0x0] =	vst.idx.add.f32.msk $0xffff, v32  }
0x11b: {  	v12 =	vor.u32 $0x80, v12;
	v21 =	vld.idx.msk [tilespmem:v21+s15+$0x0], $0xffff  }
0x11c: {  	v33 =	vmul.f32 v39, v7;
	v35 =	vor.u32 $0x80, v9;
	v60 =	vunpack.i.l.bf16.f32 v26;
	[tilespmem:v22+s16+$0x0] =	vst.idx.add.f32.msk $0xffff, v30  }
0x11d: {  	v63 =	vmul.f32 v36, v7;
	v36 =	vor.u32 $0x100, v5;
	v62 =	vmul.f32 v60, v13;
	v20 =	vld.idx.msk [tilespmem:v20+s15+$0x0], $0xffff  }
0x11e: {  	v37 =	vor.u32 $0x180, v16;
	[tilespmem:v9+s16+$0x0] =	vst.idx.add.f32.msk $0xffff, v33  }
0x11f: {  	v61 =	vor.u32 $0x80, v29;
	v38 =	vunpack.i.l.bf16.f32 v34;
	[tilespmem:v59+s16+$0x0] =	vst.idx.add.f32.msk $0xffff, v62  }
0x120: {  	v5 =	vor.u32 $0x180, v5;
	v40 =	vunpack.i.u.bf16.f32 v26;
	v41 =	vmul.f32 v38, v17;
	v12 =	vld.idx.msk [tilespmem:v12+s15+$0x0], $0xffff  }
0x121: {  	v43 =	vmul.f32 v40, v13;
	[tilespmem:v35+s16+$0x0] =	vst.idx.add.f32.msk $0xffff, v63  }
0x122: {  	v50 =	vunpack.i.u.bf16.f32 v34;
	[tilespmem:v36+s16+$0x0] =	vst.idx.add.f32.msk $0xffff, v41  }
0x123: {  	v28 =	vor.u32 $0x80, v28;
	v13 =	vmul.f32 v50, v17;
	v33 =	vunpack.i.l.bf16.f32 v27;
	[tilespmem:v37+s16+$0x0] =	vst.idx.add.f32.msk $0xffff, v43  }
0x124: {  	v39 =	vor.u32 $0x100, v14;
	v29 =	vmul.f32 v33, v6;
	v35 =	vunpack.i.u.bf16.f32 v27;
	v24 =	vld.idx.msk [tilespmem:v61+s15+$0x0], $0xffff  }
0x125: {  	v51 =	vor.u32 $0x100, v18;
	v22 =	vmul.f32 v35, v6;
	[tilespmem:v5+s16+$0x0] =	vst.idx.add.f32.msk $0xffff, v13  }
0x126: {  	v42 =	vor.u32 $0x180, v14;
	[tilespmem:v15+s16+$0x0] =	vst.idx.add.f32.msk $0xffff, v29;
	v46 =	vunpack.i.l.bf16.f32 v21  }
0x127: {  	v44 =	vor.u32 $0x100, v19;
	[tilespmem:v23+s16+$0x0] =	vst.idx.add.f32.msk $0xffff, v22;
	v56 =	vunpack.i.l.bf16.f32 v20;
	v27 =	vmul.f32 v46, v10  }
0x128: {  	v54 =	vor.u32 $0x180, v18;
	v21 =	vunpack.i.u.bf16.f32 v21;
	v45 =	vld.idx.msk [tilespmem:v28+s15+$0x0], $0xffff;
	v17 =	vmul.f32 v56, v8  }
0x129: {  	v53 =	vor.u32 $0x180, v19;
	v48 =	vmul.f32 v21, v10;
	v49 =	vunpack.i.l.bf16.f32 v12;
	[tilespmem:v39+s16+$0x0] =	vst.idx.add.f32.msk $0xffff, v27  }
0x12a: {  	v47 =	vor.u32 $0x100, v9;
	v59 =	vunpack.i.u.bf16.f32 v20;
	v21 =	vmul.f32 v49, v11;
	[tilespmem:v51+s16+$0x0] =	vst.idx.add.f32.msk $0xffff, v17  }
0x12b: {  	v9 =	vor.u32 $0x180, v9;
	v12 =	vunpack.i.u.bf16.f32 v12;
	v60 =	vmul.f32 v59, v8;
	[tilespmem:v42+s16+$0x0] =	vst.idx.add.f32.msk $0xffff, v48  }
0x12c: {  	v57 =	vor.u32 $0x100, v15;
	v58 =	vmul.f32 v12, v11;
	v52 =	vunpack.i.l.bf16.f32 v24;
	[tilespmem:v44+s16+$0x0] =	vst.idx.add.f32.msk $0xffff, v21  }
0x12d: {  	v5 =	vor.u32 $0x180, v15;
	v63 =	vunpack.i.u.bf16.f32 v24;
	v55 =	vmul.f32 v52, v7;
	[tilespmem:v54+s16+$0x0] =	vst.idx.add.f32.msk $0xffff, v60  }
0x12e: {  	v7 =	vmul.f32 v63, v7;
	[tilespmem:v53+s16+$0x0] =	vst.idx.add.f32.msk $0xffff, v58;
	v61 =	vunpack.i.l.bf16.f32 v45  }
0x12f: {  	[tilespmem:v47+s16+$0x0] =	vst.idx.add.f32.msk $0xffff, v55;
	v62 =	vunpack.i.u.bf16.f32 v45;
	v12 =	vmul.f32 v61, v6  }
0x130: {  	v6 =	vmul.f32 v62, v6;
	[tilespmem:v9+s16+$0x0] =	vst.idx.add.f32.msk $0xffff, v7  }
0x131: {  	[tilespmem:v57+s16+$0x0] =	vst.idx.add.f32.msk $0xffff, v12  }
0x132: {  	[tilespmem:v5+s16+$0x0] =	vst.idx.add.f32.msk $0xffff, v6  }
0x133: {  	p2 =	seq.s32 s23, $0x64  }
.Ltmp9:
0x134: {  	_ = 	snop;
	(pc) =	sbr.rel @!p2 .LBB2_13-.Ltmp9, $2  }
0x135: {  	_ =	sdelay $0x2  }
0x136: {  	p0 =	por !p0, !p0;
	p1 =	por !p1, !p1  }
0x137: {  	s0 =	rddreg [dreg:$0x4];
	s2 =	simm.s32 $0x80;
	s3 =	simm.s32 $0x17200  }
0x138: {  	[tilespmem:s3], [sflag:$0x3] =	stream.strided.gather [hbm4b:s0+s2], $0x2800, s12, s2, $0x38;
	[tilespmem:$0x1C280] =	vst v63  }
0x139: {  	_ =	swait.ge [sflag:s14], $0x2800  }
0x13a: {  	[sflag:s14] =	ssyncset.done $0x0  }
0x13b: {  	s17 =	simm.s32 $0x19A00;
	s10 =	rddreg [dreg:$0x7];
	[sflag:s14] =	ssyncadd.s32 $0xFFFFD800  }
0x13c: {  	[tilespmem:s17], [sflag:$0x3] =	stream.strided.gather [hbm4b:s10+s2], $0x2800, s12, s2, $0x38;
	[tilespmem:$0x1C280] =	vst v63  }
0x13d: {  	_ =	swait.ge [sflag:s14], $0x2800  }
0x13e: {  	[sflag:s14] =	ssyncset.done $0x0  }
0x13f: {  	[sflag:s14] =	ssyncadd.s32 $0xFFFFD800  }
0x140: {  	s7 =	simm.s32 $0x0;
	s18 =	rddreg [dreg:$0x2]  }
0x141: {  	[tilespmem:s20], [sflag:$0x3] =	stream.linear.gather [hbm4b:s18+s7], $0x80, $0x38;
	[tilespmem:$0x1C280] =	vst v63  }
0x142: {  	s19 =	sand.u32 $0x60, s7;
	_ =	swait.ge [sflag:s14], $0x80  }
0x143: {  	s23 =	sand.u32 $0x3F80, s7;
	s21 =	sor.u32 $0x10, s19;
	[sflag:s14] =	ssyncset.done $0x0  }
0x144: {  	s3 =	sor.u32 s23, s21;
	[sflag:s14] =	ssyncadd.s32 $0xFFFFFF80  }
0x145: {  	v5 =	vld [tilespmem:s3+$0x17200]  }
0x146: {  	v6 =	vld [tilespmem:s3+$0x19A00];
	_ =	sdelay $0x4  }
0x147: {  	v5 =	vadd.f32 v6, v5;
	_ =	sdelay $0x1  }
0x148: {  	v5 =	vadd.f32 $1.000000020e-16, v5;
	_ =	sdelay $0x1  }
0x149: {  	(erf) = vrcp.f32 v5  }
0x14a: {  	s24 =	simm.s32 $0x0;
	s6 =	sand.u32 $0xFE00, s7  }
0x14b: {  	s8 =	sadd.s32 $0xA000, s6;
	v9 =	vld [tilespmem:s24+$0x19A00]  }
0x14c: {  	s6 =	sor.u32 s21, s8;
	v5 =	vld [tilespmem:s24+$0x17200]  }
0x14d: {  	v10 =	vld [tilespmem:s6+$0x0]  }
0x14e: {  	v11 =	vld [tilespmem:s6+$0x80]  }
0x14f: {  	s25 =	simm.s32 $0x20;
	v12 =	vld [tilespmem:s6+$0x100]  }
0x150: {  	s26 =	sand.u32 $0x60, s25;
	v6 =	vld.idx.msk [tilespmem:v0+s20+$0x0], $0xffff  }
0x151: {  	s9 =	sor.u32 $0x10, s26;
	v7 =	vld.idx.msk [tilespmem:v1+s20+$0x0], $0xffff;
	s3 =	sand.u32 $0x3F80, s25;
	v5 =	vadd.f32 v9, v5  }
0x152: {  	v8 =	vld.idx.msk [tilespmem:v2+s20+$0x0], $0xffff;
	s3 =	sor.u32 s3, s9;
	v14 =	vpop (erf)  }
0x153: {  	v13 =	vld [tilespmem:s3+$0x19A00];
	v5 =	vadd.f32 $1.000000020e-16, v5;
	v10 =	vmul.f32 v14, v10  }
0x154: {  	v9 =	vld [tilespmem:s3+$0x17200]  }
0x155: {  	(erf) = vrcp.f32 v5;
	v11 =	vmul.f32 v14, v11;
	v15 =	vadd.f32 v10, v6  }
0x156: {  	v12 =	vmul.f32 v12, v14  }
0x157: {  	v16 =	vadd.f32 v11, v7;
	v5 =	vmul.f32 $1.442695020e+00, v15  }
0x158: {  	v12 =	vadd.f32 v12, v8  }
0x159: {  	s2 =	sor.u32 s19, s8;
	v10 =	vmul.f32 $1.442695020e+00, v16;
	(erf) = vpow2.f32 v5;
	v5 =	vadd.f32 v13, v9  }
0x15a: {  	v11 =	vmul.f32 $1.442695020e+00, v12;
	v9 =	vld [tilespmem:s2+$0x0]  }
0x15b: {  	v13 =	vld [tilespmem:s2+$0x80];
	(erf) = vpow2.f32 v10;
	v5 =	vadd.f32 $1.000000020e-16, v5  }
0x15c: {  	(erf) = vpow2.f32 v11;
	v11 =	vld [tilespmem:s2+$0x100]  }
0x15d: {  	s17 =	simm.s32 $0x20;
	(erf) = vrcp.f32 v5  }
0x15e: {  	s10 =	simm.s32 $0x80;
	v17 =	vld [tilespmem:s17+$0x17200];
	v10 =	vpop (erf)  }
0x15f: {  	v19 =	vld [tilespmem:s17+$0x19A00];
	s3 =	sand.u32 $0xFE00, s10;
	v5 =	vmul.f32 v10, v9  }
0x160: {  	s10 =	sadd.s32 $0xA000, s3  }
0x161: {  	s3 =	sor.u32 s9, s10;
	v9 =	vmul.f32 v10, v13;
	v18 =	vmul.f32 v11, v10  }
0x162: {  	v20 =	vld [tilespmem:s3+$0x0];
	v13 =	vadd.f32 v5, v6  }
0x163: {  	s18 =	simm.s32 $0x40;
	v11 =	vadd.f32 v9, v7;
	v5 =	vpop (erf);
	v9 =	vadd.f32 v18, v8;
	v18 =	vld [tilespmem:s3+$0x80]  }
0x164: {  	s23 =	sand.u32 $0x60, s18;
	v17 =	vadd.f32 v19, v17;
	vm0 =	vgt.f32 v15, $0.0e+00;
	v5 =	vadd.f32 $-1.000000000e+00, v5;
	v21 =	vpop (erf)  }
0x165: {  	s8 =	sand.u32 $0x3F80, s18;
	s17 =	sor.u32 $0x10, s23;
	v23 =	vld [tilespmem:s3+$0x100];
	vm1 =	vgt.f32 v12, $0.0e+00;
	v22 =	vmul.f32 $1.442695020e+00, v13;
	v25 =	vpop (erf);
	v21 =	vadd.f32 $-1.000000000e+00, v21  }
0x166: {  	s7 =	sand.u32 $0x3, s7;
	s8 =	sor.u32 s8, s17;
	v24 =	vmul.f32 $1.442695020e+00, v11;
	v15 =	vsel vm0, v15, v5;
	v5 =	vld.idx.msk [tilespmem:v3+s20+$0x0], $0xffff;
	vm0 =	vgt.f32 v16, $0.0e+00;
	v19 =	vpop (erf)  }
0x167: {  	s7 =	sshll.u32 s7, $0x5;
	v25 =	vadd.f32 $-1.000000000e+00, v25;
	v16 =	vsel vm0, v16, v21;
	v21 =	vld [tilespmem:s8+$0x17200];
	v20 =	vmul.f32 v19, v20  }
0x168: {  	s25 =	sadd.s32 $0x0, s7;
	(erf) = vpow2.f32 v22;
	[tilespmem:s6+$0x0] =	vst v15;
	v15 =	vadd.f32 $1.000000020e-16, v17;
	v17 =	vmul.f32 v19, v18;
	v18 =	vld [tilespmem:s8+$0x19A00]  }
0x169: {  	s7 =	sadd.s32 $0x10, s25;
	v22 =	vmul.f32 $1.442695020e+00, v9;
	v12 =	vsel vm1, v12, v25;
	[tilespmem:s6+$0x80] =	vst v16;
	v20 =	vadd.f32 v20, v6  }
0x16a: {  	s28 =	sor.u32 $0x180, s7;
	(erf) = vpow2.f32 v24;
	v16 =	vmul.f32 v23, v19;
	[tilespmem:s6+$0x100] =	vst v12;
	v12 =	vadd.f32 v17, v7  }
0x16b: {  	(erf) = vrcp.f32 v15;
	v15 =	vld [tilespmem:s28+$0xA000];
	v17 =	vmul.f32 $1.442695020e+00, v20  }
0x16c: {  	v16 =	vadd.f32 v16, v8;
	(erf) = vpow2.f32 v22;
	v22 =	vmul.f32 $1.442695020e+00, v12  }
0x16d: {  	(erf) = vpow2.f32 v17;
	v17 =	vadd.f32 v18, v21  }
0x16e: {  	s21 =	simm.s32 $0x40;
	v23 =	vmul.f32 $1.442695020e+00, v16;
	(erf) = vpow2.f32 v22  }
0x16f: {  	v27 =	vld [tilespmem:s21+$0x19A00];
	v17 =	vadd.f32 $1.000000020e-16, v17  }
0x170: {  	s0 =	sor.u32 s26, s10;
	v25 =	vld [tilespmem:s21+$0x17200];
	v14 =	vmul.f32 v15, v14;
	(erf) = vpow2.f32 v23  }
0x171: {  	v18 =	vld [tilespmem:s0+$0x0];
	v22 =	vpop (erf);
	(erf) = vrcp.f32 v17  }
0x172: {  	s19 =	simm.s32 $0x100;
	v21 =	vld [tilespmem:s0+$0x80];
	v23 =	vadd.f32 v14, v5  }
0x173: {  	s6 =	sand.u32 $0xFE00, s19;
	v24 =	vpop (erf)  }
0x174: {  	s7 =	sadd.s32 $0xA000, s6;
	v15 =	vpop (erf);
	v14 =	vmul.f32 $1.442695020e+00, v23  }
0x175: {  	vm2 =	vgt.f32 v11, $0.0e+00;
	s21 =	sor.u32 s17, s7;
	v25 =	vadd.f32 v27, v25;
	v17 =	vld [tilespmem:s0+$0x100];
	v26 =	vpop (erf)  }
0x176: {  	vm0 =	vgt.f32 v13, $0.0e+00;
	v18 =	vmul.f32 v15, v18;
	(erf) = vpow2.f32 v14;
	v14 =	vld [tilespmem:s21+$0x0];
	v28 =	vpop (erf)  }
0x177: {  	v25 =	vadd.f32 $1.000000020e-16, v25;
	v21 =	vmul.f32 v15, v21;
	v28 =	vadd.f32 $-1.000000000e+00, v28;
	v29 =	vpop (erf)  }
0x178: {  	vm3 =	vgt.f32 v20, $0.0e+00;
	v18 =	vadd.f32 v18, v6;
	v29 =	vadd.f32 $-1.000000000e+00, v29  }
0x179: {  	s24 =	simm.s32 $0x1;
	v21 =	vadd.f32 v21, v7;
	v32 =	vpop (erf);
	v20 =	vsel vm3, v20, v28;
	vm3 =	vgt.f32 v12, $0.0e+00  }
0x17a: {  	s26 =	simm.s32 $0x60;
	s6 =	sand.u32 $0x3, s24;
	v30 =	vld [tilespmem:s21+$0x80];
	v17 =	vmul.f32 v17, v15;
	v31 =	vmul.f32 $1.442695020e+00, v18;
	[tilespmem:s3+$0x0] =	vst v20;
	v20 =	vsel vm3, v12, v29;
	v12 =	vpop (erf)  }
0x17b: {  	s19 =	sand.u32 $0x60, s26;
	s6 =	sshll.u32 s6, $0x5;
	v27 =	vmul.f32 $1.442695020e+00, v21;
	v28 =	vld [tilespmem:s21+$0x100];
	v32 =	vadd.f32 $-1.000000000e+00, v32;
	[tilespmem:s3+$0x80] =	vst v20;
	v20 =	vmul.f32 v12, v14  }
0x17c: {  	s8 =	sand.u32 $0x3F80, s26;
	s10 =	sor.u32 $0x10, s19;
	s18 =	sadd.s32 $0x80, s6;
	(erf) = vpow2.f32 v31;
	vm3 =	vgt.f32 v16, $0.0e+00;
	v14 =	vadd.f32 v17, v8  }
0x17d: {  	s8 =	sor.u32 s8, s10;
	s9 =	sadd.s32 $0x10, s18;
	(erf) = vpow2.f32 v27;
	v16 =	vsel vm3, v16, v32;
	v20 =	vadd.f32 v20, v6  }
0x17e: {  	vm1 =	vgt.f32 v9, $0.0e+00;
	(erf) = vrcp.f32 v25;
	v17 =	vld [tilespmem:s8+$0x17200];
	[tilespmem:s3+$0x100] =	vst v16;
	s3 =	sor.u32 $0x180, s9;
	v29 =	vmul.f32 $1.442695020e+00, v14  }
0x17f: {  	v22 =	vadd.f32 $-1.000000000e+00, v22;
	v16 =	vmul.f32 v12, v30;
	v27 =	vld [tilespmem:s3+$0xA000];
	v25 =	vmul.f32 $1.442695020e+00, v20  }
0x180: {  	v24 =	vadd.f32 $-1.000000000e+00, v24;
	v30 =	vld [tilespmem:s8+$0x19A00];
	v28 =	vmul.f32 v28, v12;
	(erf) = vpow2.f32 v29  }
0x181: {  	v16 =	vadd.f32 v16, v7;
	(erf) = vpow2.f32 v25;
	v25 =	vadd.f32 $-1.000000000e+00, v26  }
0x182: {  	v13 =	vsel vm0, v13, v22;
	vm0 =	vmmov vm1;
	v22 =	vadd.f32 v28, v8  }
0x183: {  	v11 =	vsel vm2, v11, v24;
	v24 =	vmul.f32 $1.442695020e+00, v16;
	v9 =	vsel vm0, v9, v25  }
0x184: {  	s24 =	sor.u32 s23, s7;
	[tilespmem:s2+$0x0] =	vst v13;
	v26 =	vmul.f32 $1.442695020e+00, v22;
	v28 =	vpop (erf);
	v19 =	vmul.f32 v27, v19  }
0x185: {  	v13 =	vld [tilespmem:s24+$0x0];
	[tilespmem:s2+$0x80] =	vst v11;
	v17 =	vadd.f32 v30, v17;
	(erf) = vpow2.f32 v24;
	v24 =	vadd.f32 $-1.000000000e+00, v28  }
0x186: {  	v11 =	vld [tilespmem:s24+$0x80];
	vm0 =	vgt.f32 v23, $0.0e+00;
	(erf) = vpow2.f32 v26;
	[tilespmem:s2+$0x100] =	vst v9;
	v26 =	vadd.f32 v19, v5;
	v9 =	vpop (erf)  }
0x187: {  	v25 =	vld [tilespmem:s24+$0x100];
	v17 =	vadd.f32 $1.000000020e-16, v17;
	v23 =	vsel vm0, v23, v24;
	v24 =	vadd.f32 $-1.000000000e+00, v9  }
0x188: {  	s23 =	sor.u32 $0x180, s25;
	v28 =	vmul.f32 $1.442695020e+00, v26;
	v9 =	vpop (erf)  }
0x189: {  	s31 =	simm.s32 $0x180;
	s25 =	simm.s32 $0x60;
	vm1 =	vgt.f32 v18, $0.0e+00;
	v19 =	vld [tilespmem:s23+$0xA000];
	(erf) = vrcp.f32 v17;
	v27 =	vadd.f32 $-1.000000000e+00, v9  }
0x18a: {  	s26 =	sand.u32 $0xFE00, s31;
	vm2 =	vgt.f32 v14, $0.0e+00;
	vm0 =	vgt.f32 v21, $0.0e+00;
	v17 =	vld [tilespmem:s25+$0x17200];
	v9 =	vpop (erf);
	(erf) = vpow2.f32 v28  }
0x18b: {  	s17 =	sadd.s32 $0xA000, s26;
	v18 =	vsel vm1, v18, v24;
	v13 =	vmul.f32 v9, v13;
	v21 =	vsel vm0, v21, v27;
	v27 =	vld [tilespmem:s25+$0x19A00];
	v24 =	vpop (erf)  }
0x18c: {  	s30 =	sor.u32 s10, s17;
	v11 =	vmul.f32 v9, v11;
	v25 =	vmul.f32 v25, v9;
	vm1 =	vgt.f32 v20, $0.0e+00;
	v28 =	vpop (erf)  }
0x18d: {  	v61 =	vld [tilespmem:s30+$0x100];
	vm0 =	vmmov vm2;
	v29 =	vadd.f32 v13, v6;
	v13 =	vadd.f32 $-1.000000000e+00, v28  }
0x18e: {  	v10 =	vmul.f32 v19, v10;
	v19 =	vld [tilespmem:s30+$0x0];
	v28 =	vadd.f32 v11, v7;
	v11 =	vadd.f32 v25, v8;
	v30 =	vpop (erf)  }
0x18f: {  	s7 =	simm.s32 $0x2;
	s8 =	simm.s32 $0x80;
	v25 =	vld [tilespmem:s30+$0x80];
	v31 =	vmul.f32 $1.442695020e+00, v29;
	v30 =	vadd.f32 $-1.000000000e+00, v30;
	v13 =	vsel vm1, v20, v13;
	v20 =	vpop (erf)  }
0x190: {  	s9 =	sand.u32 $0x3, s7;
	s2 =	sand.u32 $0x60, s8;
	vm1 =	vgt.f32 v16, $0.0e+00;
	v17 =	vadd.f32 v27, v17;
	v20 =	vadd.f32 $-1.000000000e+00, v20  }
0x191: {  	s10 =	sshll.u32 s9, $0x5;
	s7 =	sor.u32 $0x10, s2;
	s25 =	sand.u32 $0x3F80, s8;
	v27 =	vmul.f32 $1.442695020e+00, v28;
	(erf) = vpow2.f32 v31;
	v16 =	vsel vm1, v16, v30  }
0x192: {  	s6 =	sadd.s32 $0x100, s10;
	s26 =	sor.u32 s25, s7;
	[tilespmem:s21+$0x0] =	vst v13;
	vm1 =	vgt.f32 v22, $0.0e+00;
	v30 =	vmul.f32 $1.442695020e+00, v11;
	v17 =	vadd.f32 $1.000000020e-16, v17;
	v13 =	vpop (erf)  }
0x193: {  	s10 =	sadd.s32 $0x10, s6;
	v62 =	vld [tilespmem:s26+$0x19A00];
	[tilespmem:s21+$0x80] =	vst v16;
	(erf) = vpow2.f32 v27;
	v16 =	vsel vm1, v22, v20;
	v19 =	vmul.f32 v13, v19  }
0x194: {  	s25 =	sor.u32 $0x180, s10;
	v22 =	vadd.f32 $-1.000000000e+00, v24;
	[tilespmem:s21+$0x100] =	vst v16;
	v16 =	vld [tilespmem:s26+$0x17200];
	v24 =	vmul.f32 v13, v25;
	v25 =	vmul.f32 v61, v13;
	v20 =	vpop (erf)  }
0x195: {  	(erf) = vrcp.f32 v17;
	v27 =	vld [tilespmem:s25+$0xA000];
	v31 =	vadd.f32 $-1.000000000e+00, v20;
	v20 =	vadd.f32 v19, v6  }
0x196: {  	vm2 =	vgt.f32 v26, $0.0e+00;
	v10 =	vadd.f32 v10, v5;
	v19 =	vadd.f32 v24, v7  }
0x197: {  	(erf) = vpow2.f32 v30;
	v17 =	vadd.f32 v25, v8;
	v24 =	vmul.f32 $1.442695020e+00, v20  }
0x198: {  	s29 =	sor.u32 s19, s17;
	vm3 =	vgt.f32 v11, $0.0e+00;
	v14 =	vsel vm0, v14, v22;
	v25 =	vmul.f32 $1.442695020e+00, v19  }
0x199: {  	[tilespmem:s0+$0x0] =	vst v18;
	v18 =	vld [tilespmem:s29+$0x0];
	v30 =	vmul.f32 $1.442695020e+00, v17;
	v16 =	vadd.f32 v62, v16;
	(erf) = vpow2.f32 v24  }
0x19a: {  	[tilespmem:s0+$0x80] =	vst v21;
	v21 =	vld [tilespmem:s29+$0x80];
	vm1 =	vgt.f32 v29, $0.0e+00;
	v12 =	vmul.f32 v27, v12;
	(erf) = vpow2.f32 v25  }
0x19b: {  	v22 =	vld [tilespmem:s29+$0x100];
	vm0 =	vgt.f32 v10, $0.0e+00;
	[tilespmem:s0+$0x100] =	vst v14;
	v14 =	vpop (erf);
	v16 =	vadd.f32 $1.000000020e-16, v16;
	(erf) = vpow2.f32 v30  }
0x19c: {  	s26 =	sor.u32 $0x180, s18;
	s0 =	simm.s32 $0x200;
	v26 =	vsel vm2, v26, v31;
	v25 =	vadd.f32 $-1.000000000e+00, v14;
	v14 =	vpop (erf);
	v12 =	vadd.f32 v12, v5  }
0x19d: {  	s21 =	sand.u32 $0xFE00, s0;
	vm2 =	vgt.f32 v28, $0.0e+00;
	v24 =	vld [tilespmem:s26+$0xA000];
	v30 =	vmul.f32 $1.442695020e+00, v10;
	v27 =	vadd.f32 $-1.000000000e+00, v14  }
0x19e: {  	s9 =	sadd.s32 $0xA000, s21;
	(erf) = vrcp.f32 v16;
	v14 =	vpop (erf);
	v29 =	vsel vm1, v29, v25;
	v31 =	vmul.f32 $1.442695020e+00, v12  }
0x19f: {  	s18 =	sor.u32 s7, s9;
	vm1 =	vmmov vm3;
	v16 =	vmul.f32 v14, v18;
	v18 =	vmul.f32 v14, v21  }
0x1a0: {  	s19 =	simm.s32 $0x80;
	[tilespmem:s28+$0xA000] =	vst v23;
	v23 =	vld [tilespmem:s18+$0x0];
	v63 =	vsel vm2, v28, v27;
	v28 =	vmul.f32 v22, v14;
	v21 =	vpop (erf);
	(erf) = vpow2.f32 v31  }
0x1a1: {  	v25 =	vld [tilespmem:s19+$0x17200];
	vm3 =	vgt.f32 v20, $0.0e+00;
	v21 =	vadd.f32 $-1.000000000e+00, v21;
	v16 =	vadd.f32 v16, v6  }
0x1a2: {  	[tilespmem:s3+$0xA000] =	vst v26;
	v27 =	vld [tilespmem:s19+$0x19A00];
	v22 =	vmul.f32 v24, v15;
	v15 =	vadd.f32 v18, v7;
	v18 =	vadd.f32 v28, v8;
	v26 =	vpop (erf)  }
0x1a3: {  	s28 =	sor.u32 $0x180, s6;
	s21 =	simm.s32 $0xA0;
	s3 =	simm.s32 $0x3;
	[tilespmem:s24+$0x0] =	vst v29;
	v24 =	vld [tilespmem:s18+$0x80];
	(erf) = vpow2.f32 v30;
	vm2 =	vgt.f32 v16, $0.0e+00;
	v31 =	vadd.f32 $-1.000000000e+00, v26;
	v30 =	vpop (erf)  }
0x1a4: {  	s2 =	sor.u32 s2, s9;
	s7 =	sand.u32 $0x3, s3;
	s19 =	simm.s32 $0x8;
	[tilespmem:s24+$0x80] =	vst v63;
	v28 =	vmul.f32 $1.442695020e+00, v16;
	v29 =	vmul.f32 $1.442695020e+00, v15;
	v26 =	vld [tilespmem:s18+$0x100];
	v30 =	vadd.f32 $-1.000000000e+00, v30;
	v32 =	vpop (erf)  }
.LBB2_23:
0x1a5: {  	v20 =	vsel vm3, v20, v31  }
0x1a6: {  	s6 =	sand.u32 $0x60, s21;
	v33 =	vld [tilespmem:s2+$0x0];
	s8 =	sshll.u32 s7, $0x5;
	vm4 =	vgt.f32 v19, $0.0e+00;
	v31 =	vadd.f32 $-1.000000000e+00, v32;
	v32 =	vmovc v14;
	vm3 =	vmmov vm0  }
0x1a7: {  	s9 =	sand.u32 $0x3F80, s21;
	vm0 =	vgt.f32 v17, $0.0e+00;
	s7 =	sor.u32 $0x10, s6;
	v14 =	vadd.f32 v27, v25;
	v27 =	vld [tilespmem:s2+$0x80];
	s8 =	sadd.s32 s8, s31;
	[tilespmem:s30+$0x0] =	vst v20;
	v19 =	vsel vm4, v19, v30  }
0x1a8: {  	v34 =	vmul.f32 $1.442695020e+00, v18;
	s9 =	sor.u32 s9, s7;
	v30 =	vld [tilespmem:s2+$0x100];
	v25 =	vpop (erf);
	s17 =	sor.u32 $0x180, s8;
	[tilespmem:s30+$0x80] =	vst v19;
	v20 =	vsel vm0, v17, v31;
	s8 =	sadd.s32 $0x10, s8;
	(erf) = vpow2.f32 v28  }
0x1a9: {  	s31 =	smov.u32 s0;
	v28 =	vld [tilespmem:s9+$0x17200];
	v35 =	vadd.f32 $1.000000020e-16, v14;
	v19 =	vmul.f32 v25, v23;
	[tilespmem:s30+$0x100] =	vst v20;
	s8 =	sor.u32 $0x180, s8;
	(erf) = vpow2.f32 v29;
	v17 =	vpop (erf);
	s30 =	smov.u32 s18  }
0x1aa: {  	s19 =	sadd.s32 $0x2, s19;
	v23 =	vmul.f32 v25, v24;
	v24 =	vmul.f32 v26, v25;
	v26 =	vld [tilespmem:s8+$0xA000];
	v29 =	vadd.f32 $-1.000000000e+00, v17  }
0x1ab: {  	p0 =	slt.u32 s19, $0x27E;
	vm0 =	vgt.f32 v12, $0.0e+00;
	v31 =	vld [tilespmem:s9+$0x19A00];
	v20 =	vadd.f32 v19, v6;
	(erf) = vrcp.f32 v35  }
0x1ac: {  	v19 =	vadd.f32 v23, v7;
	v17 =	vadd.f32 v24, v8;
	v12 =	vsel vm0, v12, v29;
	v14 =	vpop (erf)  }
0x1ad: {  	vm5 =	vgt.f32 v15, $0.0e+00;
	v23 =	vmul.f32 $1.442695020e+00, v20;
	(erf) = vpow2.f32 v34;
	[tilespmem:s25+$0xA000] =	vst v12;
	s25 =	smov.u32 s8  }
0x1ae: {  	vm4 =	vgt.f32 v18, $0.0e+00;
	v12 =	vmul.f32 $1.442695020e+00, v19;
	v24 =	vmul.f32 $1.442695020e+00, v17  }
0x1af: {  	v21 =	vsel vm1, v11, v21;
	v11 =	vmovc v18;
	(erf) = vpow2.f32 v23;
	v23 =	vmul.f32 v26, v13;
	v13 =	vmovc v25  }
0x1b0: {  	v18 =	vadd.f32 v31, v28;
	(erf) = vpow2.f32 v12;
	[tilespmem:s24+$0x100] =	vst v21;
	v21 =	vadd.f32 v22, v5;
	s24 =	smov.u32 s29;
	s29 =	smov.u32 s2  }
0x1b1: {  	(erf) = vpow2.f32 v24;
	v12 =	vadd.f32 v23, v5;
	v22 =	vpop (erf);
	v23 =	vld [tilespmem:s28+$0xA000];
	v24 =	vadd.f32 $-1.000000000e+00, v14  }
0x1b2: {  	v28 =	vadd.f32 $1.000000020e-16, v18;
	v18 =	vadd.f32 $-1.000000000e+00, v22;
	v22 =	vpop (erf);
	v26 =	vmul.f32 $1.442695020e+00, v21  }
0x1b3: {  	vm0 =	vgt.f32 v21, $0.0e+00;
	v22 =	vadd.f32 $-1.000000000e+00, v22;
	v25 =	vmul.f32 $1.442695020e+00, v12  }
0x1b4: {  	s0 =	sadd.s32 $0x80, s0;
	(erf) = vrcp.f32 v28;
	v14 =	vpop (erf);
	v16 =	vsel vm2, v16, v18;
	v18 =	vsel vm3, v10, v24  }
0x1b5: {  	s8 =	sand.u32 $0xFE00, s0;
	s2 =	sshra.s32 s0, $0x2;
	v10 =	vmovc v21;
	v24 =	vmul.f32 v14, v33;
	[tilespmem:s24+$0x0] =	vst v16;
	v16 =	vsel vm5, v15, v22;
	(erf) = vpow2.f32 v25  }
.Ltmp10:
0x1b6: {  	vm1 =	vmmov vm4;
	s8 =	sadd.s32 $0xA000, s8;
	v28 =	vmul.f32 v14, v27;
	v33 =	vmul.f32 v30, v14;
	v25 =	vld [tilespmem:s2+$0x17200];
	[tilespmem:s24+$0x80] =	vst v16;
	v15 =	vpop (erf);
	(pc) =	sbr.rel @p0 .LBB2_23-.Ltmp10, $4  }
0x1b7: {  	s18 =	sor.u32 s7, s8;
	v22 =	vmul.f32 v23, v9;
	v9 =	vmovc v32;
	v27 =	vld [tilespmem:s2+$0x19A00];
	s2 =	sor.u32 s6, s8;
	v16 =	vadd.f32 v24, v6;
	v21 =	vadd.f32 $-1.000000000e+00, v15;
	[tilespmem:s23+$0xA000] =	vst v18;
	s23 =	smov.u32 s26  }
0x1b8: {  	v15 =	vadd.f32 v28, v7;
	v18 =	vadd.f32 v33, v8;
	s26 =	smov.u32 s28;
	s28 =	smov.u32 s17;
	v23 =	vld [tilespmem:s18+$0x0];
	v29 =	vpop (erf);
	(erf) = vpow2.f32 v26  }
0x1b9: {  	s3 =	sadd.s32 $0x1, s3;
	v24 =	vld [tilespmem:s18+$0x80];
	vm2 =	vgt.f32 v16, $0.0e+00;
	v28 =	vmul.f32 $1.442695020e+00, v16;
	v31 =	vadd.f32 $-1.000000000e+00, v29;
	v30 =	vpop (erf)  }
0x1ba: {  	s21 =	sadd.s32 $0x20, s21;
	s7 =	sand.u32 $0x3, s3;
	vm3 =	vgt.f32 v20, $0.0e+00;
	v29 =	vmul.f32 $1.442695020e+00, v15;
	v26 =	vld [tilespmem:s18+$0x100];
	v30 =	vadd.f32 $-1.000000000e+00, v30;
	v32 =	vpop (erf)  }
0x1bb: {  	_ = 	snop  }
0x1bc: {  	v25 =	vadd.f32 v27, v25;
	_ =	sdelay $0x1  }
0x1bd: {  	v20 =	vsel vm3, v20, v31;
	(erf) = vpow2.f32 v28;
	v25 =	vadd.f32 $1.000000020e-16, v25  }
0x1be: {  	s6 =	sshll.u32 s7, $0x5;
	vm7 =	vgt.f32 v19, $0.0e+00;
	v44 =	vadd.f32 $-1.000000000e+00, v32;
	(erf) = vpow2.f32 v29  }
0x1bf: {  	vm8 =	vgt.f32 v17, $0.0e+00;
	s6 =	sadd.s32 s6, s31;
	[tilespmem:s30+$0x0] =	vst v20;
	v19 =	vsel vm7, v19, v30;
	(erf) = vrcp.f32 v25  }
0x1c0: {  	[tilespmem:s30+$0x80] =	vst v19;
	v17 =	vsel vm8, v17, v44;
	s21 =	sadd.s32 $0x10, s6  }
0x1c1: {  	[tilespmem:s30+$0x100] =	vst v17;
	s19 =	sor.u32 $0x180, s21  }
0x1c2: {  	v19 =	vpop (erf);
	v20 =	vld [tilespmem:s19+$0xA000]  }
0x1c3: {  	v48 =	vmul.f32 $1.442695020e+00, v18;
	v45 =	vmul.f32 v19, v23  }
0x1c4: {  	v46 =	vld [tilespmem:s2+$0x0];
	v24 =	vmul.f32 v19, v24;
	v26 =	vmul.f32 v26, v19;
	v25 =	vpop (erf)  }
0x1c5: {  	v47 =	vld [tilespmem:s2+$0x80];
	v17 =	vadd.f32 v45, v6;
	v29 =	vpop (erf)  }
0x1c6: {  	v49 =	vld [tilespmem:s2+$0x100];
	v24 =	vadd.f32 v24, v7;
	v26 =	vadd.f32 v26, v8;
	(erf) = vpow2.f32 v48;
	v51 =	vpop (erf)  }
0x1c7: {  	v50 =	vmul.f32 $1.442695020e+00, v17;
	v13 =	vmul.f32 v20, v13;
	v52 =	vpop (erf)  }
0x1c8: {  	v53 =	vmul.f32 $1.442695020e+00, v24;
	v33 =	vmul.f32 $1.442695020e+00, v26;
	v54 =	vpop (erf)  }
0x1c9: {  	(erf) = vpow2.f32 v50;
	v13 =	vadd.f32 v13, v5;
	v23 =	vmul.f32 v54, v46  }
0x1ca: {  	v22 =	vadd.f32 v22, v5;
	(erf) = vpow2.f32 v53;
	v27 =	vmul.f32 v54, v47  }
0x1cb: {  	v55 =	vmul.f32 $1.442695020e+00, v13;
	v30 =	vmul.f32 v49, v54;
	v6 =	vadd.f32 v23, v6  }
0x1cc: {  	v56 =	vmul.f32 $1.442695020e+00, v22;
	(erf) = vpow2.f32 v33;
	v7 =	vadd.f32 v27, v7  }
0x1cd: {  	(erf) = vpow2.f32 v55;
	v57 =	vadd.f32 v30, v8;
	v58 =	vmul.f32 $1.442695020e+00, v6  }
0x1ce: {  	(erf) = vpow2.f32 v56;
	v59 =	vmul.f32 $1.442695020e+00, v7  }
0x1cf: {  	v60 =	vmul.f32 $1.442695020e+00, v57;
	(erf) = vpow2.f32 v58  }
0x1d0: {  	(erf) = vpow2.f32 v59  }
0x1d1: {  	(erf) = vpow2.f32 v60  }
0x1d2: {  	v61 =	vpop (erf)  }
0x1d3: {  	vm9 =	vgt.f32 v15, $0.0e+00;
	v63 =	vadd.f32 $-1.000000000e+00, v51;
	v62 =	vpop (erf)  }
0x1d4: {  	vm4 =	vgt.f32 v18, $0.0e+00;
	v11 =	vsel vm1, v11, v21;
	v20 =	vadd.f32 $-1.000000000e+00, v52;
	v32 =	vpop (erf)  }
0x1d5: {  	[tilespmem:s24+$0x100] =	vst v11;
	vm10 =	vmmov vm4;
	v33 =	vsel vm2, v16, v63;
	v41 =	vadd.f32 $-1.000000000e+00, v61;
	v35 =	vpop (erf)  }
0x1d6: {  	s3 =	sadd.s32 $0x1, s3;
	vm11 =	vgt.f32 v17, $0.0e+00;
	v15 =	vsel vm9, v15, v20;
	[tilespmem:s29+$0x0] =	vst v33;
	v34 =	vadd.f32 $-1.000000000e+00, v62;
	v37 =	vpop (erf)  }
0x1d7: {  	s3 =	sand.u32 $0x3, s3;
	vm12 =	vgt.f32 v24, $0.0e+00;
	[tilespmem:s29+$0x80] =	vst v15;
	v45 =	vsel vm10, v18, v41;
	v36 =	vadd.f32 $-1.000000000e+00, v32;
	v40 =	vpop (erf)  }
0x1d8: {  	s3 =	sshll.u32 s3, $0x5;
	vm13 =	vgt.f32 v26, $0.0e+00;
	[tilespmem:s29+$0x100] =	vst v45;
	v38 =	vsel vm11, v17, v34;
	v39 =	vadd.f32 $-1.000000000e+00, v35;
	v42 =	vpop (erf)  }
0x1d9: {  	s3 =	sadd.s32 s3, s0;
	vm14 =	vgt.f32 v6, $0.0e+00;
	[tilespmem:s18+$0x0] =	vst v38;
	v11 =	vsel vm12, v24, v36;
	v15 =	vadd.f32 $-1.000000000e+00, v42;
	v44 =	vpop (erf)  }
0x1da: {  	s0 =	sadd.s32 $0x10, s3;
	vm15 =	vgt.f32 v7, $0.0e+00;
	[tilespmem:s18+$0x80] =	vst v11;
	v43 =	vsel vm13, v26, v39;
	v16 =	vadd.f32 $-1.000000000e+00, v44;
	v46 =	vpop (erf)  }
0x1db: {  	s0 =	sor.u32 $0x180, s0;
	vm4 =	vgt.f32 v57, $0.0e+00;
	[tilespmem:s18+$0x100] =	vst v43;
	v6 =	vsel vm14, v6, v15;
	v48 =	vadd.f32 $-1.000000000e+00, v46  }
0x1dc: {  	vm1 =	vmmov vm4;
	v47 =	vld [tilespmem:s0+$0xA000];
	[tilespmem:s2+$0x0] =	vst v6;
	v6 =	vsel vm15, v7, v16  }
0x1dd: {  	s6 =	sor.u32 $0x180, s6;
	v49 =	vld [tilespmem:s28+$0xA000];
	[tilespmem:s2+$0x80] =	vst v6;
	v6 =	vsel vm1, v57, v48  }
0x1de: {  	s3 =	sor.u32 $0x180, s3;
	v7 =	vld [tilespmem:s6+$0xA000];
	[tilespmem:s2+$0x100] =	vst v6  }
0x1df: {  	v6 =	vld [tilespmem:s3+$0xA000];
	_ =	sdelay $0x1  }
0x1e0: {  	v50 =	vmul.f32 v47, v19  }
0x1e1: {  	v9 =	vmul.f32 v49, v9  }
0x1e2: {  	v8 =	vadd.f32 v50, v5;
	v7 =	vmul.f32 v7, v14  }
0x1e3: {  	v9 =	vadd.f32 v9, v5;
	v6 =	vmul.f32 v6, v54  }
0x1e4: {  	v51 =	vmul.f32 $1.442695020e+00, v8;
	v7 =	vadd.f32 v7, v5  }
0x1e5: {  	v52 =	vmul.f32 $1.442695020e+00, v9;
	v5 =	vadd.f32 v6, v5  }
0x1e6: {  	(erf) = vpow2.f32 v51;
	v6 =	vmul.f32 $1.442695020e+00, v7  }
0x1e7: {  	(erf) = vpow2.f32 v52;
	v53 =	vmul.f32 $1.442695020e+00, v5  }
0x1e8: {  	(erf) = vpow2.f32 v6  }
0x1e9: {  	(erf) = vpow2.f32 v53;
	_ =	sdelay $0x1  }
0x1ea: {  	vm0 =	vmmov vm0  }
0x1eb: {  	vm5 =	vgt.f32 v12, $0.0e+00;
	vm6 =	vgt.f32 v22, $0.0e+00;
	v54 =	vadd.f32 $-1.000000000e+00, v29  }
0x1ec: {  	vm7 =	vmmov vm6;
	vm8 =	vgt.f32 v13, $0.0e+00;
	v6 =	vadd.f32 $-1.000000000e+00, v25  }
0x1ed: {  	vm9 =	vgt.f32 v9, $0.0e+00;
	v55 =	vadd.f32 $-1.000000000e+00, v37;
	v10 =	vsel vm0, v10, v54  }
0x1ee: {  	vm11 =	vmmov vm9;
	v57 =	vadd.f32 $-1.000000000e+00, v40;
	[tilespmem:s23+$0xA000] =	vst v10;
	v56 =	vpop (erf);
	v6 =	vsel vm5, v12, v6  }
0x1ef: {  	vm10 =	vgt.f32 v8, $0.0e+00;
	v11 =	vadd.f32 $-1.000000000e+00, v56;
	v58 =	vpop (erf);
	[tilespmem:s25+$0xA000] =	vst v6;
	v6 =	vsel vm8, v13, v55  }
0x1f0: {  	vm12 =	vgt.f32 v7, $0.0e+00;
	v59 =	vadd.f32 $-1.000000000e+00, v58;
	[tilespmem:s19+$0xA000] =	vst v6;
	v6 =	vsel vm7, v22, v57;
	v60 =	vpop (erf)  }
0x1f1: {  	vm13 =	vmmov vm12;
	v8 =	vsel vm10, v8, v11;
	[tilespmem:s26+$0xA000] =	vst v6;
	v61 =	vadd.f32 $-1.000000000e+00, v60;
	v62 =	vpop (erf)  }
0x1f2: {  	vm14 =	vgt.f32 v5, $0.0e+00;
	v6 =	vsel vm11, v9, v59;
	[tilespmem:s0+$0xA000] =	vst v8;
	v63 =	vadd.f32 $-1.000000000e+00, v62  }
0x1f3: {  	vm15 =	vmmov vm14;
	[tilespmem:s28+$0xA000] =	vst v6;
	v6 =	vsel vm13, v7, v61  }
0x1f4: {  	s22 =	sadd.s32 $0x1, s22;
	[tilespmem:s6+$0xA000] =	vst v6;
	v5 =	vsel vm15, v5, v63  }
0x1f5: {  	p0 =	sne.s32 s22, s11;
	[tilespmem:s3+$0xA000] =	vst v5  }
.Ltmp11:
0x1f6: {  	s31 =	simm.s32 $0x200;
	s0 =	rddreg [dreg:$0x8];
	(pc) =	sbr.rel @p0 .LBB2_1-.Ltmp11, $4  }
0x1f7: {  	[hbm4b:s0+s31] =	stream.strided.scatter [tilespmem:s16], [sflag:$0x3], $0xA000, s13, s31, $0x38;
	[tilespmem:$0x1C280] =	vst v63  }
0x1f8: {  	_ =	swait.ge [sflag:s14], $0xA000  }
0x1f9: {  	[sflag:s14] =	ssyncset.done $0x0  }
0x1fa: {  	[sflag:s14] =	ssyncadd.s32 $0xFFFF6000  }
0x1fb: {  	_ =	sfence.sel $0x180000  }
0x1fc: {  	[bflag:$0x0] =	sbarrier.arrive $0xFFFF  }
0x1fd: {  	_ =	strace $0x9000004A  }
0x1fe: {  	s0 =	stileid.u32;
	[bflag:$0x2] =	sbarrier.arrive $0xFFFF  }
0x1ff: {  	p0 =	sne.s32 s0, $0x0;
	s0 =	rddreg [dreg:$0x3]  }
0x200: {  	s0 =	sadd.s32 @!p0 $0x100000, s0  }
0x201: {  	[sflag:s0] =	ssyncadd.tile.s32 @!p0 $0x1;
	_ =	shalt  }
.Lfunc_end2:
_tile_overlayer_lowered:
.L_overlay_start_2:
0x202: {  	(tag) =	ssettag $0x2  }
0x203: {  	s0 =	rddreg [dreg:$0x0];
	s2 =	stileid.u32  }
0x204: {  	s1 =	rddreg [dreg:$0x1];
	p0 =	sne.s32 s2, $0x0  }
0x205: {  	s3 =	rddreg [dreg:$0x2];
	[bflag:$0x3] =	sbarrier.arrive $0xFFFF;
	s2 =	simm.s32 @!p0 $0x1C03  }
0x206: {  	[timem:s3], [sflag:s2] =	dma.local @!p0 [hbm:s0], s1  }
0x207: {  	s0 =	simm.s32 @!p0 $0x3  }
0x208: {  	_ =	swait.ge @!p0 [sflag:s0], s1  }
0x209: {  	s1 =	ssub.s32 @!p0 $0x0, s1;
	[sflag:s0] =	ssyncset.done @!p0 $0x0  }
0x20a: {  	[sflag:s0] =	ssyncadd.s32 @!p0 s1  }
0x20b: {  	[bflag:$0x3] =	sbarrier.arrive $0xFFFF  }
0x20c: {  	_ =	shalt  }

</sc_bundles>
